<compile_context>
chip_gen: v7x
topology: tpu7x:2x2x1
jax: 0.10.2.dev20260603
libtpu: 0.0.44.dev20260713+nightly
codegen_flags: <defaults>
</compile_context>

<pallas_src>
import functools

import jax
import jax.numpy as jnp
from jax import lax
from jax.experimental import pallas as pl
from jax.experimental.pallas import tpu as pltpu
from jax.experimental.pallas import tpu_sc as plsc

_NC = 2
_NS = 16
_K = 80
_GP = 64
_KD = 40
_ZR = 24
_ZC = 48


def _zero_stripe(ref, zbuf, base, RP, N, t):
    @pl.loop(0, RP // _ZR)
    def _(r):
        pltpu.sync_copy(zbuf, ref.at[pl.ds(base + r * _ZR, _ZR)])

    tail = N - _NS * RP
    if tail:
        @pl.when(t == 0)
        def _():
            pltpu.sync_copy(zbuf.at[pl.ds(0, tail)],
                            ref.at[pl.ds(_NS * RP, tail)])




def _sc_agg_body(G, RP, N, F, z_hbm, srccat, dstr, out_hbm,
                 acc, srcb, dstb, rows0, rows1, rows2, sem0, sem1, sem2):
    c = lax.axis_index("c")
    t = lax.axis_index("s")
    base = t * RP
    tail = N - _NS * RP

    zero16 = jnp.zeros((16,), jnp.float32)

    @pl.loop(0, _ZC)
    def _(r):
        for c16 in range(F // 16):
            rows0[r, pl.ds(c16 * 16, 16)] = zero16

    @pl.loop(0, RP // _ZC)
    def _(r):
        pltpu.sync_copy(rows0.at[pl.ds(0, _ZC)],
                        acc.at[pl.ds(base + r * _ZC, _ZC)])

    if tail:
        @pl.when(t == 0)
        def _():
            pltpu.sync_copy(rows0.at[pl.ds(0, tail)],
                            acc.at[pl.ds(_NS * RP, tail)])

    plsc.subcore_barrier()

    for p in range((G + _GP - 1) // _GP):
        n = min(_GP, G - p * _GP)
        pltpu.sync_copy(srccat.at[c, t, pl.ds(p * _GP, n)],
                        srcb.at[pl.ds(0, n)])
        pltpu.sync_copy(dstr.at[t, pl.ds(p * _GP, n)],
                        dstb.at[pl.ds(0, n)])

        @pl.loop(0, n - (n % 3), step=3)
        def _(g):
            a = pltpu.async_copy(z_hbm.at[srcb.at[g]], rows0, sem0)
            b = pltpu.async_copy(z_hbm.at[srcb.at[g + 1]], rows1, sem1)
            d = pltpu.async_copy(z_hbm.at[srcb.at[g + 2]], rows2, sem2)
            a.wait()
            pltpu.sync_copy(rows0, acc.at[dstb.at[g]], add=True)
            b.wait()
            pltpu.sync_copy(rows1, acc.at[dstb.at[g + 1]], add=True)
            d.wait()
            pltpu.sync_copy(rows2, acc.at[dstb.at[g + 2]], add=True)

        for q in range(n - (n % 3), n):
            pltpu.async_copy(z_hbm.at[srcb.at[q]], rows0, sem0).wait()
            pltpu.sync_copy(rows0, acc.at[dstb.at[q]], add=True)

    plsc.subcore_barrier()

    pltpu.sync_copy(acc.at[pl.ds(base, RP)],
                    out_hbm.at[pl.ds(c * N + base, RP)])
    if tail:
        @pl.when(t == 0)
        def _():
            pltpu.sync_copy(acc.at[pl.ds(_NS * RP, tail)],
                            out_hbm.at[pl.ds(c * N + _NS * RP, tail)])


@functools.lru_cache(maxsize=None)
def _make_sc_agg(N, E, F):
    EP = E // _NS
    G = EP // _K
    RP = (N // _NS) // _ZC * _ZC

    mesh = plsc.VectorSubcoreMesh(core_axis_name="c", subcore_axis_name="s",
                                  num_cores=_NC, num_subcores=_NS)
    scratch = (
        pltpu.VMEM_SHARED((N, F), jnp.float32),
        pltpu.VMEM((_GP, _K), jnp.int32),
        pltpu.VMEM((_GP, _K), jnp.int32),
        pltpu.VMEM((_K, F), jnp.float32),
        pltpu.VMEM((_K, F), jnp.float32),
        pltpu.VMEM((_K, F), jnp.float32),
        pltpu.SemaphoreType.DMA,
        pltpu.SemaphoreType.DMA,
        pltpu.SemaphoreType.DMA,
    )
    body = functools.partial(_sc_agg_body, G, RP, N, F)
    return pl.kernel(body,
                     out_type=jax.ShapeDtypeStruct((2 * N, F), jnp.float32),
                     mesh=mesh, scratch_types=scratch)




def _sc_deg_body(G, RP, N, F, dstr, deg_hbm, degsh, dstb, onesb, zbuf,
                 dsem0, dsem1):
    c = lax.axis_index("c")
    t = lax.axis_index("s")
    base = t * RP
    tail = N - _NS * RP

    zero16 = jnp.zeros((16,), jnp.float32)
    one16 = jnp.full((16,), 1.0, jnp.float32)

    @pl.loop(0, _ZR)
    def _(r):
        for c16 in range(F // 16):
            zbuf[r, pl.ds(c16 * 16, 16)] = zero16

    @pl.loop(0, _KD)
    def _(r):
        for c16 in range(F // 16):
            onesb[r, pl.ds(c16 * 16, 16)] = one16

    _zero_stripe(degsh, zbuf, base, RP, N, t)

    plsc.subcore_barrier()

    pltpu.sync_copy(dstr.at[c, t], dstb)

    @pl.loop(0, G - (G % 2), step=2)
    def _(g):
        a = pltpu.async_copy(onesb, degsh.at[dstb.at[g]], dsem0, add=True)
        b = pltpu.async_copy(onesb, degsh.at[dstb.at[g + 1]], dsem1,
                             add=True)
        a.wait()
        b.wait()

    for q in range(G - (G % 2), G):
        pltpu.sync_copy(onesb, degsh.at[dstb.at[q]], add=True)

    plsc.subcore_barrier()

    pltpu.sync_copy(degsh.at[pl.ds(base, RP)],
                    deg_hbm.at[pl.ds(c * N + base, RP)])
    if tail:
        @pl.when(t == 0)
        def _():
            pltpu.sync_copy(degsh.at[pl.ds(_NS * RP, tail)],
                            deg_hbm.at[pl.ds(c * N + _NS * RP, tail)])


@functools.lru_cache(maxsize=None)
def _make_sc_deg(N, E, F):
    EP = E // (_NC * _NS)
    G = EP // _KD
    RP = (N // _NS) // _ZR * _ZR

    mesh = plsc.VectorSubcoreMesh(core_axis_name="c", subcore_axis_name="s",
                                  num_cores=_NC, num_subcores=_NS)
    scratch = (
        pltpu.VMEM_SHARED((N, F), jnp.float32),
        pltpu.VMEM((G, _KD), jnp.int32),
        pltpu.VMEM((_KD, F), jnp.float32),
        pltpu.VMEM((_ZR, F), jnp.float32),
        pltpu.SemaphoreType.DMA,
        pltpu.SemaphoreType.DMA,
    )
    body = functools.partial(_sc_deg_body, G, RP, N, F)
    return pl.kernel(
        body,
        out_type=jax.ShapeDtypeStruct((_NC * N, F), jnp.float32),
        mesh=mesh, scratch_types=scratch)




def _l1_body(x_ref, ws_ref, bs_ref, wn_ref, s_ref, z_ref):
    j = pl.program_id(1)

    @pl.when(j == 0)
    def _():
        s_ref[...] = jnp.maximum(x_ref[...] @ ws_ref[...] + bs_ref[...], 0.0)

    z_ref[...] = x_ref[...] @ wn_ref[...]


def _l2_body(s1_ref, alo_ref, ahi_ref, dega_ref, degb_ref, b1n_ref, ws_ref,
             bs_ref, wn_ref, s2_ref, z2_ref, n1_ref):
    j = pl.program_id(1)

    @pl.when(j == 0)
    def _():
        d = jnp.maximum(dega_ref[:, 0:1] + degb_ref[:, 0:1], 1.0)
        a = jnp.concatenate([alo_ref[...], ahi_ref[...]], axis=1) / d
        n1 = jnp.maximum(a + b1n_ref[...], 0.0)
        n1_ref[...] = n1
        ws = ws_ref[...]
        s2_ref[...] = jnp.maximum(
            s1_ref[...] @ ws[:256] + n1 @ ws[256:] + bs_ref[...], 0.0)

    wn = wn_ref[...]
    z2_ref[...] = s1_ref[...] @ wn[:256] + n1_ref[...] @ wn[256:]


def _l3_body(s2_ref, alo_ref, ahi_ref, dega_ref, degb_ref, b2n_ref, wc_ref,
             bc_ref, o_ref):
    d = jnp.maximum(dega_ref[:, 0:1] + degb_ref[:, 0:1], 1.0)
    a = jnp.concatenate([alo_ref[...], ahi_ref[...]], axis=1) / d
    n2 = jnp.maximum(a + b2n_ref[...], 0.0)
    s2 = s2_ref[...]
    ss = (jnp.sum(s2 * s2, axis=1, keepdims=True)
          + jnp.sum(n2 * n2, axis=1, keepdims=True))
    r = 1.0 / jnp.maximum(jnp.sqrt(ss), 1e-12)
    wc = wc_ref[...]
    o_ref[...] = (s2 * r) @ wc[:256] + (n2 * r) @ wc[256:] + bc_ref[...]




def kernel(x, edge_index, W1_self, b1_self, W1_neigh, b1_neigh,
           W2_self, b2_self, W2_neigh, b2_neigh, W_cls, b_cls):
    N, Din = x.shape
    E = edge_index.shape[1]
    H = W1_self.shape[1]
    Dout = W_cls.shape[1]
    F = H // 2
    NB = 10
    BM = N // NB
    G = (E // _NS) // _K
    GD = (E // (_NC * _NS)) // _KD

    src = edge_index[0]
    dst = edge_index[1]
    srccat = jnp.concatenate([src, src + N]).reshape(_NC, _NS, G, _K)
    dstr = dst.reshape(_NS, G, _K)
    dstr32 = dst.reshape(_NC, _NS, GD, _KD)

    full = lambda shape: pl.BlockSpec(shape, lambda i, j: (0, 0))

    deg2 = _make_sc_deg(N, E, F)(dstr32)

    s1, z1 = pl.pallas_call(
        _l1_body,
        grid=(NB, _NC),
        in_specs=[
            pl.BlockSpec((BM, Din), lambda i, j: (i, 0)),
            full((Din, H)),
            full((1, H)),
            pl.BlockSpec((Din, F), lambda i, j: (0, j)),
        ],
        out_specs=[
            pl.BlockSpec((BM, H), lambda i, j: (i, 0)),
            pl.BlockSpec((BM, F), lambda i, j: (j * NB + i, 0)),
        ],
        out_shape=[
            jax.ShapeDtypeStruct((N, H), jnp.float32),
            jax.ShapeDtypeStruct((2 * N, F), jnp.float32),
        ],
    )(x, W1_self, b1_self.reshape(1, H), W1_neigh)

    agg1 = _make_sc_agg(N, E, F)(z1, srccat, dstr)

    s2, z2 = pl.pallas_call(
        _l2_body,
        grid=(NB, _NC),
        in_specs=[
            pl.BlockSpec((BM, H), lambda i, j: (i, 0)),
            pl.BlockSpec((BM, F), lambda i, j: (i, 0)),
            pl.BlockSpec((BM, F), lambda i, j: (NB + i, 0)),
            pl.BlockSpec((BM, F), lambda i, j: (i, 0)),
            pl.BlockSpec((BM, F), lambda i, j: (NB + i, 0)),
            full((1, H)),
            full((2 * H, H)),
            full((1, H)),
            pl.BlockSpec((2 * H, F), lambda i, j: (0, j)),
        ],
        out_specs=[
            pl.BlockSpec((BM, H), lambda i, j: (i, 0)),
            pl.BlockSpec((BM, F), lambda i, j: (j * NB + i, 0)),
        ],
        out_shape=[
            jax.ShapeDtypeStruct((N, H), jnp.float32),
            jax.ShapeDtypeStruct((2 * N, F), jnp.float32),
        ],
        scratch_shapes=[pltpu.VMEM((BM, H), jnp.float32)],
    )(s1, agg1, agg1, deg2, deg2, b1_neigh.reshape(1, H), W2_self,
      b2_self.reshape(1, H), W2_neigh)

    agg2 = _make_sc_agg(N, E, F)(z2, srccat, dstr)

    out = pl.pallas_call(
        _l3_body,
        grid=(NB,),
        in_specs=[
            pl.BlockSpec((BM, H), lambda i: (i, 0)),
            pl.BlockSpec((BM, F), lambda i: (i, 0)),
            pl.BlockSpec((BM, F), lambda i: (NB + i, 0)),
            pl.BlockSpec((BM, F), lambda i: (i, 0)),
            pl.BlockSpec((BM, F), lambda i: (NB + i, 0)),
            pl.BlockSpec((1, H), lambda i: (0, 0)),
            pl.BlockSpec((2 * H, Dout), lambda i: (0, 0)),
            pl.BlockSpec((1, Dout), lambda i: (0, 0)),
        ],
        out_specs=pl.BlockSpec((BM, Dout), lambda i: (i, 0)),
        out_shape=jax.ShapeDtypeStruct((N, Dout), jnp.float32),
    )(s2, agg2, agg2, deg2, deg2, b2_neigh.reshape(1, H), W_cls,
      b_cls.reshape(1, Dout))

    return out

# --- scband reference (transcript-rebuilt; emitter-appended) ---
"""Pipeline reference for scband-net-16166256902712 (READ-ONLY COPY).

The authoritative reference and input builder live on the scoring server;
editing this copy changes nothing except your own understanding.
"""

import jax, jax.numpy as jnp
import numpy as np


def _xavier(key, fan_in, fan_out):
    limit = np.sqrt(6.0 / (fan_in + fan_out))
    return jax.random.uniform(key, (fan_in, fan_out), dtype=jnp.float32, minval=-limit, maxval=limit)


def setup_inputs(seed: int = 0) -> dict:
    key = jax.random.key(seed)
    ks = jax.random.split(key, 12)
    N, E, Din, H, Dout = 10000, 160000, 256, 256, 64
    x = jax.random.normal(ks[0], (N, Din), dtype=jnp.float32)
    edge_index = jax.random.randint(ks[1], (2, E), 0, N, dtype=jnp.int32)
    # SageConv1: self + neighbor linear, each Din -> H (output concat = 2H)
    W1_self = _xavier(ks[2], Din, H)
    b1_self = jnp.zeros((H,), dtype=jnp.float32)
    W1_neigh = _xavier(ks[3], Din, H)
    b1_neigh = jnp.zeros((H,), dtype=jnp.float32)
    # SageConv2: input 2H -> H each branch (output concat = 2H)
    W2_self = _xavier(ks[4], 2 * H, H)
    b2_self = jnp.zeros((H,), dtype=jnp.float32)
    W2_neigh = _xavier(ks[5], 2 * H, H)
    b2_neigh = jnp.zeros((H,), dtype=jnp.float32)
    # classifier: 2H -> Dout
    W_cls = _xavier(ks[6], 2 * H, Dout)
    b_cls = jnp.zeros((Dout,), dtype=jnp.float32)
    return {"x": x, "edge_index": edge_index,
            "W1_self": W1_self, "b1_self": b1_self, "W1_neigh": W1_neigh, "b1_neigh": b1_neigh,
            "W2_self": W2_self, "b2_self": b2_self, "W2_neigh": W2_neigh, "b2_neigh": b2_neigh,
            "W_cls": W_cls, "b_cls": b_cls}


def _sage_conv(h, edge_index, N, W_self, b_self, W_neigh, b_neigh):
    # mp_matrix(graph) builds a row-normalized (mean) message-passing matrix D^{-1} A;
    # edge_norm @ h == mean of src features grouped by dst.
    src = edge_index[0]
    dst = edge_index[1]
    ones = jnp.ones((edge_index.shape[1],), dtype=h.dtype)
    deg = jax.ops.segment_sum(ones, dst, num_segments=N)
    deg = jnp.maximum(deg, 1.0)
    agg = jax.ops.segment_sum(h[src], dst, num_segments=N) / deg[:, None]
    h_self = jax.nn.relu(h @ W_self + b_self)
    h_neigh = jax.nn.relu(agg @ W_neigh + b_neigh)
    # dropout(p=0.1) is identity in eval mode
    return jnp.concatenate([h_self, h_neigh], axis=1)


def reference(x, edge_index, W1_self, b1_self, W1_neigh, b1_neigh,
              W2_self, b2_self, W2_neigh, b2_neigh, W_cls, b_cls):
    N = x.shape[0]
    h = _sage_conv(x, edge_index, N, W1_self, b1_self, W1_neigh, b1_neigh)
    h = _sage_conv(h, edge_index, N, W2_self, b2_self, W2_neigh, b2_neigh)
    # F.normalize(x, p=2, dim=1)
    norm = jnp.maximum(jnp.linalg.norm(h, axis=1, keepdims=True), 1e-12)
    h = h / norm
    return h @ W_cls + b_cls

if __name__ == "__main__":
    import jax
    _d = setup_inputs()
    print(jax.jit(kernel)(*tuple(_d.values())))

</pallas_src>

<mosaic_0001>
#map = affine_map<(d0, d1) -> (0, 0)>
#map1 = affine_map<(d0, d1) -> (0, 0, 0, 0)>
#map2 = affine_map<(d0, d1) -> (0, 0, 0)>
module attributes {stable_mosaic.version = 14 : i64} {
  func.func @_sc_agg_body(%arg0: i32, %arg1: i32, %arg2: memref<20000x128xf32, #tpu.memory_space<hbm>>, %arg3: memref<2x16x125x80xi32, #tpu.memory_space<hbm>>, %arg4: memref<16x125x80xi32, #tpu.memory_space<hbm>>, %arg5: memref<20000x128xf32, #tpu.memory_space<hbm>>, %arg6: memref<10000x128xf32, #tpu.memory_space<vmem_shared>>, %arg7: memref<64x80xi32, #tpu.memory_space<vmem>>, %arg8: memref<64x80xi32, #tpu.memory_space<vmem>>, %arg9: memref<80x128xf32, #tpu.memory_space<vmem>>, %arg10: memref<80x128xf32, #tpu.memory_space<vmem>>, %arg11: memref<80x128xf32, #tpu.memory_space<vmem>>, %arg12: memref<!tpu.dma_semaphore, #tpu.memory_space<semaphore_mem>>, %arg13: memref<!tpu.dma_semaphore, #tpu.memory_space<semaphore_mem>>, %arg14: memref<!tpu.dma_semaphore, #tpu.memory_space<semaphore_mem>>) attributes {dimension_semantics = [#tpu.dimension_semantics<core_parallel>, #tpu.dimension_semantics<subcore_parallel>], iteration_bounds = array<i64: 2, 16>, scalar_prefetch = 0 : i64, scratch_operands = 9 : i64, tpu.core_type = #tpu.core_type<sc_vector_subcore>, window_params = [{transform_indices = #map}, {transform_indices = #map1}, {transform_indices = #map2}, {transform_indices = #map}]} {
    %mul3A = arith.constant 624 : i32
    %mul3A_0 = arith.muli %arg1, %mul3A : i32
    %broadcast_in_dim3A = arith.constant 0.000000e+00 : f32
    %broadcast_in_dim3A_1 = vector.broadcast %broadcast_in_dim3A : f32 to vector<16xf32>
    %scan3A = arith.constant 0 : i32
    %scan3A_2 = arith.constant 48 : i32
    %scan3A_3 = arith.addi %scan3A, %scan3A_2 : i32
    %scan3A_4 = arith.constant 1 : i32
    scf.for %scan3A_58 = %scan3A to %scan3A_3 step %scan3A_4  : i32 {
      %mul3A_59 = arith.constant 1 : i32
      %mul3A_60 = arith.muli %scan3A_58, %mul3A_59 : i32
      %add3A_61 = arith.constant 0 : i32
      %add3A_62 = arith.addi %add3A_61, %mul3A_60 : i32
      %swap3A = arith.index_cast %add3A_62 : i32 to index
      %swap3A_63 = arith.constant 0 : index
      %swap3A_64 = tpu.vector_load %arg9[%swap3A, %swap3A_63] {strides = array<i32>} : memref<80x128xf32, #tpu.memory_space<vmem>>, vector<1x16xf32>,
      %swap3A_65 = vector.shape_cast %swap3A_64 : vector<1x16xf32> to vector<16xf32>
      %swap3A_66 = vector.shape_cast %broadcast_in_dim3A_1 : vector<16xf32> to vector<1x16xf32>
      tpu.vector_store %arg9[%swap3A, %swap3A_63], %swap3A_66 {strides = array<i32>} : memref<80x128xf32, #tpu.memory_space<vmem>>, vector<1x16xf32>,
      %swap3A_67 = arith.index_cast %add3A_62 : i32 to index
      %swap3A_68 = arith.constant 16 : index
      %swap3A_69 = tpu.vector_load %arg9[%swap3A_67, %swap3A_68] {strides = array<i32>} : memref<80x128xf32, #tpu.memory_space<vmem>>, vector<1x16xf32>,
      %swap3A_70 = vector.shape_cast %swap3A_69 : vector<1x16xf32> to vector<16xf32>
      %swap3A_71 = vector.shape_cast %broadcast_in_dim3A_1 : vector<16xf32> to vector<1x16xf32>
      tpu.vector_store %arg9[%swap3A_67, %swap3A_68], %swap3A_71 {strides = array<i32>} : memref<80x128xf32, #tpu.memory_space<vmem>>, vector<1x16xf32>,
      %swap3A_72 = arith.index_cast %add3A_62 : i32 to index
      %swap3A_73 = arith.constant 32 : index
      %swap3A_74 = tpu.vector_load %arg9[%swap3A_72, %swap3A_73] {strides = array<i32>} : memref<80x128xf32, #tpu.memory_space<vmem>>, vector<1x16xf32>,
      %swap3A_75 = vector.shape_cast %swap3A_74 : vector<1x16xf32> to vector<16xf32>
      %swap3A_76 = vector.shape_cast %broadcast_in_dim3A_1 : vector<16xf32> to vector<1x16xf32>
      tpu.vector_store %arg9[%swap3A_72, %swap3A_73], %swap3A_76 {strides = array<i32>} : memref<80x128xf32, #tpu.memory_space<vmem>>, vector<1x16xf32>,
      %swap3A_77 = arith.index_cast %add3A_62 : i32 to index
      %swap3A_78 = arith.constant 48 : index
      %swap3A_79 = tpu.vector_load %arg9[%swap3A_77, %swap3A_78] {strides = array<i32>} : memref<80x128xf32, #tpu.memory_space<vmem>>, vector<1x16xf32>,
      %swap3A_80 = vector.shape_cast %swap3A_79 : vector<1x16xf32> to vector<16xf32>
      %swap3A_81 = vector.shape_cast %broadcast_in_dim3A_1 : vector<16xf32> to vector<1x16xf32>
      tpu.vector_store %arg9[%swap3A_77, %swap3A_78], %swap3A_81 {strides = array<i32>} : memref<80x128xf32, #tpu.memory_space<vmem>>, vector<1x16xf32>,
      %swap3A_82 = arith.index_cast %add3A_62 : i32 to index
      %swap3A_83 = arith.constant 64 : index
      %swap3A_84 = tpu.vector_load %arg9[%swap3A_82, %swap3A_83] {strides = array<i32>} : memref<80x128xf32, #tpu.memory_space<vmem>>, vector<1x16xf32>,
      %swap3A_85 = vector.shape_cast %swap3A_84 : vector<1x16xf32> to vector<16xf32>
      %swap3A_86 = vector.shape_cast %broadcast_in_dim3A_1 : vector<16xf32> to vector<1x16xf32>
      tpu.vector_store %arg9[%swap3A_82, %swap3A_83], %swap3A_86 {strides = array<i32>} : memref<80x128xf32, #tpu.memory_space<vmem>>, vector<1x16xf32>,
      %swap3A_87 = arith.index_cast %add3A_62 : i32 to index
      %swap3A_88 = arith.constant 80 : index
      %swap3A_89 = tpu.vector_load %arg9[%swap3A_87, %swap3A_88] {strides = array<i32>} : memref<80x128xf32, #tpu.memory_space<vmem>>, vector<1x16xf32>,
      %swap3A_90 = vector.shape_cast %swap3A_89 : vector<1x16xf32> to vector<16xf32>
      %swap3A_91 = vector.shape_cast %broadcast_in_dim3A_1 : vector<16xf32> to vector<1x16xf32>
      tpu.vector_store %arg9[%swap3A_87, %swap3A_88], %swap3A_91 {strides = array<i32>} : memref<80x128xf32, #tpu.memory_space<vmem>>, vector<1x16xf32>,
      %swap3A_92 = arith.index_cast %add3A_62 : i32 to index
      %swap3A_93 = arith.constant 96 : index
      %swap3A_94 = tpu.vector_load %arg9[%swap3A_92, %swap3A_93] {strides = array<i32>} : memref<80x128xf32, #tpu.memory_space<vmem>>, vector<1x16xf32>,
      %swap3A_95 = vector.shape_cast %swap3A_94 : vector<1x16xf32> to vector<16xf32>
      %swap3A_96 = vector.shape_cast %broadcast_in_dim3A_1 : vector<16xf32> to vector<1x16xf32>
      tpu.vector_store %arg9[%swap3A_92, %swap3A_93], %swap3A_96 {strides = array<i32>} : memref<80x128xf32, #tpu.memory_space<vmem>>, vector<1x16xf32>,
      %swap3A_97 = arith.index_cast %add3A_62 : i32 to index
      %swap3A_98 = arith.constant 112 : index
      %swap3A_99 = tpu.vector_load %arg9[%swap3A_97, %swap3A_98] {strides = array<i32>} : memref<80x128xf32, #tpu.memory_space<vmem>>, vector<1x16xf32>,
      %swap3A_100 = vector.shape_cast %swap3A_99 : vector<1x16xf32> to vector<16xf32>
      %swap3A_101 = vector.shape_cast %broadcast_in_dim3A_1 : vector<16xf32> to vector<1x16xf32>
      tpu.vector_store %arg9[%swap3A_97, %swap3A_98], %swap3A_101 {strides = array<i32>} : memref<80x128xf32, #tpu.memory_space<vmem>>, vector<1x16xf32>,
    }
    %scan3A_5 = arith.constant 48 : i32
    %scan3A_6 = arith.constant 0 : i32
    %scan3A_7 = arith.constant 13 : i32
    %scan3A_8 = arith.addi %scan3A_6, %scan3A_7 : i32
    %scan3A_9 = arith.constant 1 : i32
    scf.for %scan3A_58 = %scan3A_6 to %scan3A_8 step %scan3A_9  : i32 {
      %mul3A_59 = arith.constant 1 : i32
      %mul3A_60 = arith.muli %scan3A_58, %mul3A_59 : i32
      %add3A_61 = arith.constant 0 : i32
      %add3A_62 = arith.addi %add3A_61, %mul3A_60 : i32
      %mul3A_63 = arith.constant 48 : i32
      %mul3A_64 = arith.muli %add3A_62, %mul3A_63 : i32
      %add3A_65 = arith.addi %mul3A_0, %mul3A_64 : i32
      "tpu.region"() ({
        %run_scoped3A_66 = tpu.sem_alloc : memref<!tpu.dma_semaphore, #tpu.memory_space<semaphore_mem>>
        %dma_start3A_67 = arith.constant 0 : i32
        %dma_start3A_68 = arith.constant 0 : i32
        %dma_start3A_69 = tpu.memref_slice %arg9[%dma_start3A_67, %dma_start3A_68] : memref<80x128xf32, #tpu.memory_space<vmem>> -> memref<48x128xf32, #tpu.memory_space<vmem>>
        %dma_start3A_70 = arith.constant 0 : i32
        %dma_start3A_71 = tpu.memref_slice %arg6[%add3A_65, %dma_start3A_70] : memref<10000x128xf32, #tpu.memory_space<vmem_shared>> -> memref<48x128xf32, #tpu.memory_space<vmem_shared>>
        %dma_start3A_72 = arith.constant 0 : i32
        %dma_start3A_73 = tpu.memref_slice %arg6[%add3A_65, %dma_start3A_72] : memref<10000x128xf32, #tpu.memory_space<vmem_shared>> -> memref<48x128xf32, #tpu.memory_space<vmem_shared>>
        %dma_start3A_74 = arith.constant 0 : i32
        %dma_start3A_75 = arith.constant 0 : i32
        %dma_start3A_76 = tpu.memref_slice %arg9[%dma_start3A_74, %dma_start3A_75] : memref<80x128xf32, #tpu.memory_space<vmem>> -> memref<48x128xf32, #tpu.memory_space<vmem>>
        tpu.enqueue_dma source(%dma_start3A_76 : memref<48x128xf32, #tpu.memory_space<vmem>>) target(%dma_start3A_73 : memref<48x128xf32, #tpu.memory_space<vmem_shared>>) target_semaphore(%run_scoped3A_66 : memref<!tpu.dma_semaphore, #tpu.memory_space<semaphore_mem>>)
        %dma_wait3A_77 = arith.constant 0 : i32
        %dma_wait3A_78 = arith.constant 0 : i32
        %dma_wait3A_79 = tpu.memref_slice %arg9[%dma_wait3A_77, %dma_wait3A_78] : memref<80x128xf32, #tpu.memory_space<vmem>> -> memref<48x128xf32, #tpu.memory_space<vmem>>
        %dma_wait3A_80 = arith.constant 0 : i32
        %dma_wait3A_81 = tpu.memref_slice %arg6[%add3A_65, %dma_wait3A_80] : memref<10000x128xf32, #tpu.memory_space<vmem_shared>> -> memref<48x128xf32, #tpu.memory_space<vmem_shared>>
        %dma_wait3A_82 = arith.constant 0 : i32
        %dma_wait3A_83 = tpu.memref_slice %arg6[%add3A_65, %dma_wait3A_82] : memref<10000x128xf32, #tpu.memory_space<vmem_shared>> -> memref<48x128xf32, #tpu.memory_space<vmem_shared>>
        %dma_wait3A_84 = arith.constant 0 : i32
        %dma_wait3A_85 = arith.constant 0 : i32
        %dma_wait3A_86 = tpu.memref_slice %arg9[%dma_wait3A_84, %dma_wait3A_85] : memref<80x128xf32, #tpu.memory_space<vmem>> -> memref<48x128xf32, #tpu.memory_space<vmem>>
        tpu.wait_dma2 semaphore(%run_scoped3A_66 : memref<!tpu.dma_semaphore, #tpu.memory_space<semaphore_mem>>) src(%dma_wait3A_86 : memref<48x128xf32, #tpu.memory_space<vmem>>) dst(%dma_wait3A_83 : memref<48x128xf32, #tpu.memory_space<vmem_shared>>)
        tpu.yield
      }) : () -> ()
    }
    %scan3A_10 = arith.constant 13 : i32
    %eq3A = arith.constant 0 : i32
    %eq3A_11 = arith.cmpi eq, %arg1, %eq3A : i32
    %convert_element_type3A = arith.extui %eq3A_11 : i1 to i32
    %cond3A = arith.constant 0 : i32
    %cond3A_12 = arith.cmpi ne, %convert_element_type3A, %cond3A : i32
    scf.if %cond3A_12 {
      "tpu.region"() ({
        %run_scoped3A_58 = tpu.sem_alloc : memref<!tpu.dma_semaphore, #tpu.memory_space<semaphore_mem>>
        %dma_start3A_59 = arith.constant 0 : i32
        %dma_start3A_60 = arith.constant 0 : i32
        %dma_start3A_61 = tpu.memref_slice %arg9[%dma_start3A_59, %dma_start3A_60] : memref<80x128xf32, #tpu.memory_space<vmem>> -> memref<16x128xf32, #tpu.memory_space<vmem>>
        %dma_start3A_62 = arith.constant 9984 : i32
        %dma_start3A_63 = arith.constant 0 : i32
        %dma_start3A_64 = tpu.memref_slice %arg6[%dma_start3A_62, %dma_start3A_63] : memref<10000x128xf32, #tpu.memory_space<vmem_shared>> -> memref<16x128xf32, #tpu.memory_space<vmem_shared>>
        %dma_start3A_65 = arith.constant 9984 : i32
        %dma_start3A_66 = arith.constant 0 : i32
        %dma_start3A_67 = tpu.memref_slice %arg6[%dma_start3A_65, %dma_start3A_66] : memref<10000x128xf32, #tpu.memory_space<vmem_shared>> -> memref<16x128xf32, #tpu.memory_space<vmem_shared>>
        %dma_start3A_68 = arith.constant 0 : i32
        %dma_start3A_69 = arith.constant 0 : i32
        %dma_start3A_70 = tpu.memref_slice %arg9[%dma_start3A_68, %dma_start3A_69] : memref<80x128xf32, #tpu.memory_space<vmem>> -> memref<16x128xf32, #tpu.memory_space<vmem>>
        tpu.enqueue_dma source(%dma_start3A_70 : memref<16x128xf32, #tpu.memory_space<vmem>>) target(%dma_start3A_67 : memref<16x128xf32, #tpu.memory_space<vmem_shared>>) target_semaphore(%run_scoped3A_58 : memref<!tpu.dma_semaphore, #tpu.memory_space<semaphore_mem>>)
        %dma_wait3A_71 = arith.constant 0 : i32
        %dma_wait3A_72 = arith.constant 0 : i32
        %dma_wait3A_73 = tpu.memref_slice %arg9[%dma_wait3A_71, %dma_wait3A_72] : memref<80x128xf32, #tpu.memory_space<vmem>> -> memref<16x128xf32, #tpu.memory_space<vmem>>
        %dma_wait3A_74 = arith.constant 9984 : i32
        %dma_wait3A_75 = arith.constant 0 : i32
        %dma_wait3A_76 = tpu.memref_slice %arg6[%dma_wait3A_74, %dma_wait3A_75] : memref<10000x128xf32, #tpu.memory_space<vmem_shared>> -> memref<16x128xf32, #tpu.memory_space<vmem_shared>>
        %dma_wait3A_77 = arith.constant 9984 : i32
        %dma_wait3A_78 = arith.constant 0 : i32
        %dma_wait3A_79 = tpu.memref_slice %arg6[%dma_wait3A_77, %dma_wait3A_78] : memref<10000x128xf32, #tpu.memory_space<vmem_shared>> -> memref<16x128xf32, #tpu.memory_space<vmem_shared>>
        %dma_wait3A_80 = arith.constant 0 : i32
        %dma_wait3A_81 = arith.constant 0 : i32
        %dma_wait3A_82 = tpu.memref_slice %arg9[%dma_wait3A_80, %dma_wait3A_81] : memref<80x128xf32, #tpu.memory_space<vmem>> -> memref<16x128xf32, #tpu.memory_space<vmem>>
        tpu.wait_dma2 semaphore(%run_scoped3A_58 : memref<!tpu.dma_semaphore, #tpu.memory_space<semaphore_mem>>) src(%dma_wait3A_82 : memref<16x128xf32, #tpu.memory_space<vmem>>) dst(%dma_wait3A_79 : memref<16x128xf32, #tpu.memory_space<vmem_shared>>)
        tpu.yield
      }) : () -> ()
    } else {
    }
    %barrier3A = arith.constant 0 : index
    tpu.barrier barrier_id(%barrier3A)
    "tpu.region"() ({
      %run_scoped3A_58 = tpu.sem_alloc : memref<!tpu.dma_semaphore, #tpu.memory_space<semaphore_mem>>
      %dma_start3A_59 = arith.constant 0 : i32
      %dma_start3A_60 = arith.constant 0 : i32
      %dma_start3A_61 = tpu.memref_slice %arg7[%dma_start3A_59, %dma_start3A_60] : memref<64x80xi32, #tpu.memory_space<vmem>> -> memref<64x80xi32, #tpu.memory_space<vmem>>
      %dma_start3A_62 = arith.constant 0 : i32
      %dma_start3A_63 = arith.constant 0 : i32
      %dma_start3A_64 = tpu.memref_slice %arg3[%arg0, %arg1, %dma_start3A_62, %dma_start3A_63] : memref<2x16x125x80xi32, #tpu.memory_space<hbm>> -> memref<1x1x64x80xi32, #tpu.memory_space<hbm>>
      %dma_start3A_65 = tpu.memref_squeeze %dma_start3A_64 : memref<1x1x64x80xi32, #tpu.memory_space<hbm>> -> memref<64x80xi32, #tpu.memory_space<hbm>>
      %dma_start3A_66 = arith.constant 0 : i32
      %dma_start3A_67 = arith.constant 0 : i32
      %dma_start3A_68 = tpu.memref_slice %arg7[%dma_start3A_66, %dma_start3A_67] : memref<64x80xi32, #tpu.memory_space<vmem>> -> memref<64x80xi32, #tpu.memory_space<vmem>>
      %dma_start3A_69 = arith.constant 0 : i32
      %dma_start3A_70 = arith.constant 0 : i32
      %dma_start3A_71 = tpu.memref_slice %arg3[%arg0, %arg1, %dma_start3A_69, %dma_start3A_70] : memref<2x16x125x80xi32, #tpu.memory_space<hbm>> -> memref<1x1x64x80xi32, #tpu.memory_space<hbm>>
      %dma_start3A_72 = tpu.memref_squeeze %dma_start3A_71 : memref<1x1x64x80xi32, #tpu.memory_space<hbm>> -> memref<64x80xi32, #tpu.memory_space<hbm>>
      tpu.enqueue_dma source(%dma_start3A_72 : memref<64x80xi32, #tpu.memory_space<hbm>>) target(%dma_start3A_68 : memref<64x80xi32, #tpu.memory_space<vmem>>) target_semaphore(%run_scoped3A_58 : memref<!tpu.dma_semaphore, #tpu.memory_space<semaphore_mem>>)
      %dma_wait3A_73 = arith.constant 0 : i32
      %dma_wait3A_74 = arith.constant 0 : i32
      %dma_wait3A_75 = tpu.memref_slice %arg7[%dma_wait3A_73, %dma_wait3A_74] : memref<64x80xi32, #tpu.memory_space<vmem>> -> memref<64x80xi32, #tpu.memory_space<vmem>>
      %dma_wait3A_76 = arith.constant 0 : i32
      %dma_wait3A_77 = arith.constant 0 : i32
      %dma_wait3A_78 = tpu.memref_slice %arg3[%arg0, %arg1, %dma_wait3A_76, %dma_wait3A_77] : memref<2x16x125x80xi32, #tpu.memory_space<hbm>> -> memref<1x1x64x80xi32, #tpu.memory_space<hbm>>
      %dma_wait3A_79 = tpu.memref_squeeze %dma_wait3A_78 : memref<1x1x64x80xi32, #tpu.memory_space<hbm>> -> memref<64x80xi32, #tpu.memory_space<hbm>>
      %dma_wait3A_80 = arith.constant 0 : i32
      %dma_wait3A_81 = arith.constant 0 : i32
      %dma_wait3A_82 = tpu.memref_slice %arg7[%dma_wait3A_80, %dma_wait3A_81] : memref<64x80xi32, #tpu.memory_space<vmem>> -> memref<64x80xi32, #tpu.memory_space<vmem>>
      %dma_wait3A_83 = arith.constant 0 : i32
      %dma_wait3A_84 = arith.constant 0 : i32
      %dma_wait3A_85 = tpu.memref_slice %arg3[%arg0, %arg1, %dma_wait3A_83, %dma_wait3A_84] : memref<2x16x125x80xi32, #tpu.memory_space<hbm>> -> memref<1x1x64x80xi32, #tpu.memory_space<hbm>>
      %dma_wait3A_86 = tpu.memref_squeeze %dma_wait3A_85 : memref<1x1x64x80xi32, #tpu.memory_space<hbm>> -> memref<64x80xi32, #tpu.memory_space<hbm>>
      tpu.wait_dma2 semaphore(%run_scoped3A_58 : memref<!tpu.dma_semaphore, #tpu.memory_space<semaphore_mem>>) src(%dma_wait3A_86 : memref<64x80xi32, #tpu.memory_space<hbm>>) dst(%dma_wait3A_82 : memref<64x80xi32, #tpu.memory_space<vmem>>)
      tpu.yield
    }) : () -> ()
    "tpu.region"() ({
      %run_scoped3A_58 = tpu.sem_alloc : memref<!tpu.dma_semaphore, #tpu.memory_space<semaphore_mem>>
      %dma_start3A_59 = arith.constant 0 : i32
      %dma_start3A_60 = arith.constant 0 : i32
      %dma_start3A_61 = tpu.memref_slice %arg8[%dma_start3A_59, %dma_start3A_60] : memref<64x80xi32, #tpu.memory_space<vmem>> -> memref<64x80xi32, #tpu.memory_space<vmem>>
      %dma_start3A_62 = arith.constant 0 : i32
      %dma_start3A_63 = arith.constant 0 : i32
      %dma_start3A_64 = tpu.memref_slice %arg4[%arg1, %dma_start3A_62, %dma_start3A_63] : memref<16x125x80xi32, #tpu.memory_space<hbm>> -> memref<1x64x80xi32, #tpu.memory_space<hbm>>
      %dma_start3A_65 = tpu.memref_squeeze %dma_start3A_64 : memref<1x64x80xi32, #tpu.memory_space<hbm>> -> memref<64x80xi32, #tpu.memory_space<hbm>>
      %dma_start3A_66 = arith.constant 0 : i32
      %dma_start3A_67 = arith.constant 0 : i32
      %dma_start3A_68 = tpu.memref_slice %arg8[%dma_start3A_66, %dma_start3A_67] : memref<64x80xi32, #tpu.memory_space<vmem>> -> memref<64x80xi32, #tpu.memory_space<vmem>>
      %dma_start3A_69 = arith.constant 0 : i32
      %dma_start3A_70 = arith.constant 0 : i32
      %dma_start3A_71 = tpu.memref_slice %arg4[%arg1, %dma_start3A_69, %dma_start3A_70] : memref<16x125x80xi32, #tpu.memory_space<hbm>> -> memref<1x64x80xi32, #tpu.memory_space<hbm>>
      %dma_start3A_72 = tpu.memref_squeeze %dma_start3A_71 : memref<1x64x80xi32, #tpu.memory_space<hbm>> -> memref<64x80xi32, #tpu.memory_space<hbm>>
      tpu.enqueue_dma source(%dma_start3A_72 : memref<64x80xi32, #tpu.memory_space<hbm>>) target(%dma_start3A_68 : memref<64x80xi32, #tpu.memory_space<vmem>>) target_semaphore(%run_scoped3A_58 : memref<!tpu.dma_semaphore, #tpu.memory_space<semaphore_mem>>)
      %dma_wait3A_73 = arith.constant 0 : i32
      %dma_wait3A_74 = arith.constant 0 : i32
      %dma_wait3A_75 = tpu.memref_slice %arg8[%dma_wait3A_73, %dma_wait3A_74] : memref<64x80xi32, #tpu.memory_space<vmem>> -> memref<64x80xi32, #tpu.memory_space<vmem>>
      %dma_wait3A_76 = arith.constant 0 : i32
      %dma_wait3A_77 = arith.constant 0 : i32
      %dma_wait3A_78 = tpu.memref_slice %arg4[%arg1, %dma_wait3A_76, %dma_wait3A_77] : memref<16x125x80xi32, #tpu.memory_space<hbm>> -> memref<1x64x80xi32, #tpu.memory_space<hbm>>
      %dma_wait3A_79 = tpu.memref_squeeze %dma_wait3A_78 : memref<1x64x80xi32, #tpu.memory_space<hbm>> -> memref<64x80xi32, #tpu.memory_space<hbm>>
      %dma_wait3A_80 = arith.constant 0 : i32
      %dma_wait3A_81 = arith.constant 0 : i32
      %dma_wait3A_82 = tpu.memref_slice %arg8[%dma_wait3A_80, %dma_wait3A_81] : memref<64x80xi32, #tpu.memory_space<vmem>> -> memref<64x80xi32, #tpu.memory_space<vmem>>
      %dma_wait3A_83 = arith.constant 0 : i32
      %dma_wait3A_84 = arith.constant 0 : i32
      %dma_wait3A_85 = tpu.memref_slice %arg4[%arg1, %dma_wait3A_83, %dma_wait3A_84] : memref<16x125x80xi32, #tpu.memory_space<hbm>> -> memref<1x64x80xi32, #tpu.memory_space<hbm>>
      %dma_wait3A_86 = tpu.memref_squeeze %dma_wait3A_85 : memref<1x64x80xi32, #tpu.memory_space<hbm>> -> memref<64x80xi32, #tpu.memory_space<hbm>>
      tpu.wait_dma2 semaphore(%run_scoped3A_58 : memref<!tpu.dma_semaphore, #tpu.memory_space<semaphore_mem>>) src(%dma_wait3A_86 : memref<64x80xi32, #tpu.memory_space<hbm>>) dst(%dma_wait3A_82 : memref<64x80xi32, #tpu.memory_space<vmem>>)
      tpu.yield
    }) : () -> ()
    %scan3A_13 = arith.constant 0 : i32
    %scan3A_14 = arith.constant 21 : i32
    %scan3A_15 = arith.addi %scan3A_13, %scan3A_14 : i32
    %scan3A_16 = arith.constant 1 : i32
    scf.for %scan3A_58 = %scan3A_13 to %scan3A_15 step %scan3A_16  : i32 {
      %mul3A_59 = arith.constant 3 : i32
      %mul3A_60 = arith.muli %scan3A_58, %mul3A_59 : i32
      %add3A_61 = arith.constant 0 : i32
      %add3A_62 = arith.addi %add3A_61, %mul3A_60 : i32
      %dma_start3A_63 = arith.constant 0 : i32
      %dma_start3A_64 = tpu.memref_slice %arg7[%add3A_62, %dma_start3A_63] : memref<64x80xi32, #tpu.memory_space<vmem>> -> memref<1x80xi32, #tpu.memory_space<vmem>>
      %dma_start3A_65 = tpu.memref_squeeze %dma_start3A_64 : memref<1x80xi32, #tpu.memory_space<vmem>> -> memref<80xi32, #tpu.memory_space<vmem>>
      %dma_start3A_66 = arith.constant 0 : i32
      %dma_start3A_67 = arith.constant 0 : i32
      %dma_start3A_68 = tpu.memref_slice %arg2[%dma_start3A_66, %dma_start3A_67] : memref<20000x128xf32, #tpu.memory_space<hbm>> -> memref<20000x128xf32, #tpu.memory_space<hbm>>
      tpu.enqueue_indirect_dma source(%dma_start3A_68 : memref<20000x128xf32, #tpu.memory_space<hbm>>) target(%arg9 : memref<80x128xf32, #tpu.memory_space<vmem>>) offsets(%dma_start3A_65 : memref<80xi32, #tpu.memory_space<vmem>>) semaphore(%arg12 : memref<!tpu.dma_semaphore, #tpu.memory_space<semaphore_mem>>)
      %add3A_69 = arith.constant 1 : i32
      %add3A_70 = arith.addi %add3A_62, %add3A_69 : i32
      %dma_start3A_71 = arith.constant 0 : i32
      %dma_start3A_72 = tpu.memref_slice %arg7[%add3A_70, %dma_start3A_71] : memref<64x80xi32, #tpu.memory_space<vmem>> -> memref<1x80xi32, #tpu.memory_space<vmem>>
      %dma_start3A_73 = tpu.memref_squeeze %dma_start3A_72 : memref<1x80xi32, #tpu.memory_space<vmem>> -> memref<80xi32, #tpu.memory_space<vmem>>
      %dma_start3A_74 = arith.constant 0 : i32
      %dma_start3A_75 = arith.constant 0 : i32
      %dma_start3A_76 = tpu.memref_slice %arg2[%dma_start3A_74, %dma_start3A_75] : memref<20000x128xf32, #tpu.memory_space<hbm>> -> memref<20000x128xf32, #tpu.memory_space<hbm>>
      tpu.enqueue_indirect_dma source(%dma_start3A_76 : memref<20000x128xf32, #tpu.memory_space<hbm>>) target(%arg10 : memref<80x128xf32, #tpu.memory_space<vmem>>) offsets(%dma_start3A_73 : memref<80xi32, #tpu.memory_space<vmem>>) semaphore(%arg13 : memref<!tpu.dma_semaphore, #tpu.memory_space<semaphore_mem>>)
      %add3A_77 = arith.constant 2 : i32
      %add3A_78 = arith.addi %add3A_62, %add3A_77 : i32
      %dma_start3A_79 = arith.constant 0 : i32
      %dma_start3A_80 = tpu.memref_slice %arg7[%add3A_78, %dma_start3A_79] : memref<64x80xi32, #tpu.memory_space<vmem>> -> memref<1x80xi32, #tpu.memory_space<vmem>>
      %dma_start3A_81 = tpu.memref_squeeze %dma_start3A_80 : memref<1x80xi32, #tpu.memory_space<vmem>> -> memref<80xi32, #tpu.memory_space<vmem>>
      %dma_start3A_82 = arith.constant 0 : i32
      %dma_start3A_83 = arith.constant 0 : i32
      %dma_start3A_84 = tpu.memref_slice %arg2[%dma_start3A_82, %dma_start3A_83] : memref<20000x128xf32, #tpu.memory_space<hbm>> -> memref<20000x128xf32, #tpu.memory_space<hbm>>
      tpu.enqueue_indirect_dma source(%dma_start3A_84 : memref<20000x128xf32, #tpu.memory_space<hbm>>) target(%arg11 : memref<80x128xf32, #tpu.memory_space<vmem>>) offsets(%dma_start3A_81 : memref<80xi32, #tpu.memory_space<vmem>>) semaphore(%arg14 : memref<!tpu.dma_semaphore, #tpu.memory_space<semaphore_mem>>)
      %dma_wait3A_85 = arith.constant 0 : i32
      %dma_wait3A_86 = tpu.memref_slice %arg7[%add3A_62, %dma_wait3A_85] : memref<64x80xi32, #tpu.memory_space<vmem>> -> memref<1x80xi32, #tpu.memory_space<vmem>>
      %dma_wait3A_87 = tpu.memref_squeeze %dma_wait3A_86 : memref<1x80xi32, #tpu.memory_space<vmem>> -> memref<80xi32, #tpu.memory_space<vmem>>
      %dma_wait3A_88 = arith.constant 0 : i32
      %dma_wait3A_89 = arith.constant 0 : i32
      %dma_wait3A_90 = tpu.memref_slice %arg2[%dma_wait3A_88, %dma_wait3A_89] : memref<20000x128xf32, #tpu.memory_space<hbm>> -> memref<20000x128xf32, #tpu.memory_space<hbm>>
      tpu.wait_indirect_dma semaphore(%arg12 : memref<!tpu.dma_semaphore, #tpu.memory_space<semaphore_mem>>) src(%dma_wait3A_90 : memref<20000x128xf32, #tpu.memory_space<hbm>>) dst(%arg9 : memref<80x128xf32, #tpu.memory_space<vmem>>)
      "tpu.region"() ({
        %run_scoped3A_107 = tpu.sem_alloc : memref<!tpu.dma_semaphore, #tpu.memory_space<semaphore_mem>>
        %dma_start3A_108 = arith.constant 0 : i32
        %dma_start3A_109 = tpu.memref_slice %arg8[%add3A_62, %dma_start3A_108] : memref<64x80xi32, #tpu.memory_space<vmem>> -> memref<1x80xi32, #tpu.memory_space<vmem>>
        %dma_start3A_110 = tpu.memref_squeeze %dma_start3A_109 : memref<1x80xi32, #tpu.memory_space<vmem>> -> memref<80xi32, #tpu.memory_space<vmem>>
        %dma_start3A_111 = arith.constant 0 : i32
        %dma_start3A_112 = arith.constant 0 : i32
        %dma_start3A_113 = tpu.memref_slice %arg6[%dma_start3A_111, %dma_start3A_112] : memref<10000x128xf32, #tpu.memory_space<vmem_shared>> -> memref<10000x128xf32, #tpu.memory_space<vmem_shared>>
        tpu.enqueue_indirect_dma source(%arg9 : memref<80x128xf32, #tpu.memory_space<vmem>>) target(%dma_start3A_113 : memref<10000x128xf32, #tpu.memory_space<vmem_shared>>) offsets(%dma_start3A_110 : memref<80xi32, #tpu.memory_space<vmem>>) semaphore(%run_scoped3A_107 : memref<!tpu.dma_semaphore, #tpu.memory_space<semaphore_mem>>) {add = true}
        %dma_wait3A_114 = arith.constant 0 : i32
        %dma_wait3A_115 = tpu.memref_slice %arg8[%add3A_62, %dma_wait3A_114] : memref<64x80xi32, #tpu.memory_space<vmem>> -> memref<1x80xi32, #tpu.memory_space<vmem>>
        %dma_wait3A_116 = tpu.memref_squeeze %dma_wait3A_115 : memref<1x80xi32, #tpu.memory_space<vmem>> -> memref<80xi32, #tpu.memory_space<vmem>>
        %dma_wait3A_117 = arith.constant 0 : i32
        %dma_wait3A_118 = arith.constant 0 : i32
        %dma_wait3A_119 = tpu.memref_slice %arg6[%dma_wait3A_117, %dma_wait3A_118] : memref<10000x128xf32, #tpu.memory_space<vmem_shared>> -> memref<10000x128xf32, #tpu.memory_space<vmem_shared>>
        tpu.wait_indirect_dma semaphore(%run_scoped3A_107 : memref<!tpu.dma_semaphore, #tpu.memory_space<semaphore_mem>>) src(%arg9 : memref<80x128xf32, #tpu.memory_space<vmem>>) dst(%dma_wait3A_119 : memref<10000x128xf32, #tpu.memory_space<vmem_shared>>)
        tpu.yield
      }) : () -> ()
      %dma_wait3A_91 = arith.constant 0 : i32
      %dma_wait3A_92 = tpu.memref_slice %arg7[%add3A_70, %dma_wait3A_91] : memref<64x80xi32, #tpu.memory_space<vmem>> -> memref<1x80xi32, #tpu.memory_space<vmem>>
      %dma_wait3A_93 = tpu.memref_squeeze %dma_wait3A_92 : memref<1x80xi32, #tpu.memory_space<vmem>> -> memref<80xi32, #tpu.memory_space<vmem>>
      %dma_wait3A_94 = arith.constant 0 : i32
      %dma_wait3A_95 = arith.constant 0 : i32
      %dma_wait3A_96 = tpu.memref_slice %arg2[%dma_wait3A_94, %dma_wait3A_95] : memref<20000x128xf32, #tpu.memory_space<hbm>> -> memref<20000x128xf32, #tpu.memory_space<hbm>>
      tpu.wait_indirect_dma semaphore(%arg13 : memref<!tpu.dma_semaphore, #tpu.memory_space<semaphore_mem>>) src(%dma_wait3A_96 : memref<20000x128xf32, #tpu.memory_space<hbm>>) dst(%arg10 : memref<80x128xf32, #tpu.memory_space<vmem>>)
      %add3A_97 = arith.constant 1 : i32
      %add3A_98 = arith.addi %add3A_62, %add3A_97 : i32
      "tpu.region"() ({
        %run_scoped3A_107 = tpu.sem_alloc : memref<!tpu.dma_semaphore, #tpu.memory_space<semaphore_mem>>
        %dma_start3A_108 = arith.constant 0 : i32
        %dma_start3A_109 = tpu.memref_slice %arg8[%add3A_98, %dma_start3A_108] : memref<64x80xi32, #tpu.memory_space<vmem>> -> memref<1x80xi32, #tpu.memory_space<vmem>>
        %dma_start3A_110 = tpu.memref_squeeze %dma_start3A_109 : memref<1x80xi32, #tpu.memory_space<vmem>> -> memref<80xi32, #tpu.memory_space<vmem>>
        %dma_start3A_111 = arith.constant 0 : i32
        %dma_start3A_112 = arith.constant 0 : i32
        %dma_start3A_113 = tpu.memref_slice %arg6[%dma_start3A_111, %dma_start3A_112] : memref<10000x128xf32, #tpu.memory_space<vmem_shared>> -> memref<10000x128xf32, #tpu.memory_space<vmem_shared>>
        tpu.enqueue_indirect_dma source(%arg10 : memref<80x128xf32, #tpu.memory_space<vmem>>) target(%dma_start3A_113 : memref<10000x128xf32, #tpu.memory_space<vmem_shared>>) offsets(%dma_start3A_110 : memref<80xi32, #tpu.memory_space<vmem>>) semaphore(%run_scoped3A_107 : memref<!tpu.dma_semaphore, #tpu.memory_space<semaphore_mem>>) {add = true}
        %dma_wait3A_114 = arith.constant 0 : i32
        %dma_wait3A_115 = tpu.memref_slice %arg8[%add3A_98, %dma_wait3A_114] : memref<64x80xi32, #tpu.memory_space<vmem>> -> memref<1x80xi32, #tpu.memory_space<vmem>>
        %dma_wait3A_116 = tpu.memref_squeeze %dma_wait3A_115 : memref<1x80xi32, #tpu.memory_space<vmem>> -> memref<80xi32, #tpu.memory_space<vmem>>
        %dma_wait3A_117 = arith.constant 0 : i32
        %dma_wait3A_118 = arith.constant 0 : i32
        %dma_wait3A_119 = tpu.memref_slice %arg6[%dma_wait3A_117, %dma_wait3A_118] : memref<10000x128xf32, #tpu.memory_space<vmem_shared>> -> memref<10000x128xf32, #tpu.memory_space<vmem_shared>>
        tpu.wait_indirect_dma semaphore(%run_scoped3A_107 : memref<!tpu.dma_semaphore, #tpu.memory_space<semaphore_mem>>) src(%arg10 : memref<80x128xf32, #tpu.memory_space<vmem>>) dst(%dma_wait3A_119 : memref<10000x128xf32, #tpu.memory_space<vmem_shared>>)
        tpu.yield
      }) : () -> ()
      %dma_wait3A_99 = arith.constant 0 : i32
      %dma_wait3A_100 = tpu.memref_slice %arg7[%add3A_78, %dma_wait3A_99] : memref<64x80xi32, #tpu.memory_space<vmem>> -> memref<1x80xi32, #tpu.memory_space<vmem>>
      %dma_wait3A_101 = tpu.memref_squeeze %dma_wait3A_100 : memref<1x80xi32, #tpu.memory_space<vmem>> -> memref<80xi32, #tpu.memory_space<vmem>>
      %dma_wait3A_102 = arith.constant 0 : i32
      %dma_wait3A_103 = arith.constant 0 : i32
      %dma_wait3A_104 = tpu.memref_slice %arg2[%dma_wait3A_102, %dma_wait3A_103] : memref<20000x128xf32, #tpu.memory_space<hbm>> -> memref<20000x128xf32, #tpu.memory_space<hbm>>
      tpu.wait_indirect_dma semaphore(%arg14 : memref<!tpu.dma_semaphore, #tpu.memory_space<semaphore_mem>>) src(%dma_wait3A_104 : memref<20000x128xf32, #tpu.memory_space<hbm>>) dst(%arg11 : memref<80x128xf32, #tpu.memory_space<vmem>>)
      %add3A_105 = arith.constant 2 : i32
      %add3A_106 = arith.addi %add3A_62, %add3A_105 : i32
      "tpu.region"() ({
        %run_scoped3A_107 = tpu.sem_alloc : memref<!tpu.dma_semaphore, #tpu.memory_space<semaphore_mem>>
        %dma_start3A_108 = arith.constant 0 : i32
        %dma_start3A_109 = tpu.memref_slice %arg8[%add3A_106, %dma_start3A_108] : memref<64x80xi32, #tpu.memory_space<vmem>> -> memref<1x80xi32, #tpu.memory_space<vmem>>
        %dma_start3A_110 = tpu.memref_squeeze %dma_start3A_109 : memref<1x80xi32, #tpu.memory_space<vmem>> -> memref<80xi32, #tpu.memory_space<vmem>>
        %dma_start3A_111 = arith.constant 0 : i32
        %dma_start3A_112 = arith.constant 0 : i32
        %dma_start3A_113 = tpu.memref_slice %arg6[%dma_start3A_111, %dma_start3A_112] : memref<10000x128xf32, #tpu.memory_space<vmem_shared>> -> memref<10000x128xf32, #tpu.memory_space<vmem_shared>>
        tpu.enqueue_indirect_dma source(%arg11 : memref<80x128xf32, #tpu.memory_space<vmem>>) target(%dma_start3A_113 : memref<10000x128xf32, #tpu.memory_space<vmem_shared>>) offsets(%dma_start3A_110 : memref<80xi32, #tpu.memory_space<vmem>>) semaphore(%run_scoped3A_107 : memref<!tpu.dma_semaphore, #tpu.memory_space<semaphore_mem>>) {add = true}
        %dma_wait3A_114 = arith.constant 0 : i32
        %dma_wait3A_115 = tpu.memref_slice %arg8[%add3A_106, %dma_wait3A_114] : memref<64x80xi32, #tpu.memory_space<vmem>> -> memref<1x80xi32, #tpu.memory_space<vmem>>
        %dma_wait3A_116 = tpu.memref_squeeze %dma_wait3A_115 : memref<1x80xi32, #tpu.memory_space<vmem>> -> memref<80xi32, #tpu.memory_space<vmem>>
        %dma_wait3A_117 = arith.constant 0 : i32
        %dma_wait3A_118 = arith.constant 0 : i32
        %dma_wait3A_119 = tpu.memref_slice %arg6[%dma_wait3A_117, %dma_wait3A_118] : memref<10000x128xf32, #tpu.memory_space<vmem_shared>> -> memref<10000x128xf32, #tpu.memory_space<vmem_shared>>
        tpu.wait_indirect_dma semaphore(%run_scoped3A_107 : memref<!tpu.dma_semaphore, #tpu.memory_space<semaphore_mem>>) src(%arg11 : memref<80x128xf32, #tpu.memory_space<vmem>>) dst(%dma_wait3A_119 : memref<10000x128xf32, #tpu.memory_space<vmem_shared>>)
        tpu.yield
      }) : () -> ()
    }
    %scan3A_17 = arith.constant 21 : i32
    %dma_start3A = arith.constant 63 : i32
    %dma_start3A_18 = arith.constant 0 : i32
    %dma_start3A_19 = tpu.memref_slice %arg7[%dma_start3A, %dma_start3A_18] : memref<64x80xi32, #tpu.memory_space<vmem>> -> memref<1x80xi32, #tpu.memory_space<vmem>>
    %dma_start3A_20 = tpu.memref_squeeze %dma_start3A_19 : memref<1x80xi32, #tpu.memory_space<vmem>> -> memref<80xi32, #tpu.memory_space<vmem>>
    %dma_start3A_21 = arith.constant 0 : i32
    %dma_start3A_22 = arith.constant 0 : i32
    %dma_start3A_23 = tpu.memref_slice %arg2[%dma_start3A_21, %dma_start3A_22] : memref<20000x128xf32, #tpu.memory_space<hbm>> -> memref<20000x128xf32, #tpu.memory_space<hbm>>
    tpu.enqueue_indirect_dma source(%dma_start3A_23 : memref<20000x128xf32, #tpu.memory_space<hbm>>) target(%arg9 : memref<80x128xf32, #tpu.memory_space<vmem>>) offsets(%dma_start3A_20 : memref<80xi32, #tpu.memory_space<vmem>>) semaphore(%arg12 : memref<!tpu.dma_semaphore, #tpu.memory_space<semaphore_mem>>)
    %dma_wait3A = arith.constant 63 : i32
    %dma_wait3A_24 = arith.constant 0 : i32
    %dma_wait3A_25 = tpu.memref_slice %arg7[%dma_wait3A, %dma_wait3A_24] : memref<64x80xi32, #tpu.memory_space<vmem>> -> memref<1x80xi32, #tpu.memory_space<vmem>>
    %dma_wait3A_26 = tpu.memref_squeeze %dma_wait3A_25 : memref<1x80xi32, #tpu.memory_space<vmem>> -> memref<80xi32, #tpu.memory_space<vmem>>
    %dma_wait3A_27 = arith.constant 0 : i32
    %dma_wait3A_28 = arith.constant 0 : i32
    %dma_wait3A_29 = tpu.memref_slice %arg2[%dma_wait3A_27, %dma_wait3A_28] : memref<20000x128xf32, #tpu.memory_space<hbm>> -> memref<20000x128xf32, #tpu.memory_space<hbm>>
    tpu.wait_indirect_dma semaphore(%arg12 : memref<!tpu.dma_semaphore, #tpu.memory_space<semaphore_mem>>) src(%dma_wait3A_29 : memref<20000x128xf32, #tpu.memory_space<hbm>>) dst(%arg9 : memref<80x128xf32, #tpu.memory_space<vmem>>)
    %run_scoped3A = arith.constant 63 : i32
    "tpu.region"() ({
      %run_scoped3A_58 = tpu.sem_alloc : memref<!tpu.dma_semaphore, #tpu.memory_space<semaphore_mem>>
      %dma_start3A_59 = arith.constant 0 : i32
      %dma_start3A_60 = tpu.memref_slice %arg8[%run_scoped3A, %dma_start3A_59] : memref<64x80xi32, #tpu.memory_space<vmem>> -> memref<1x80xi32, #tpu.memory_space<vmem>>
      %dma_start3A_61 = tpu.memref_squeeze %dma_start3A_60 : memref<1x80xi32, #tpu.memory_space<vmem>> -> memref<80xi32, #tpu.memory_space<vmem>>
      %dma_start3A_62 = arith.constant 0 : i32
      %dma_start3A_63 = arith.constant 0 : i32
      %dma_start3A_64 = tpu.memref_slice %arg6[%dma_start3A_62, %dma_start3A_63] : memref<10000x128xf32, #tpu.memory_space<vmem_shared>> -> memref<10000x128xf32, #tpu.memory_space<vmem_shared>>
      tpu.enqueue_indirect_dma source(%arg9 : memref<80x128xf32, #tpu.memory_space<vmem>>) target(%dma_start3A_64 : memref<10000x128xf32, #tpu.memory_space<vmem_shared>>) offsets(%dma_start3A_61 : memref<80xi32, #tpu.memory_space<vmem>>) semaphore(%run_scoped3A_58 : memref<!tpu.dma_semaphore, #tpu.memory_space<semaphore_mem>>) {add = true}
      %dma_wait3A_65 = arith.constant 0 : i32
      %dma_wait3A_66 = tpu.memref_slice %arg8[%run_scoped3A, %dma_wait3A_65] : memref<64x80xi32, #tpu.memory_space<vmem>> -> memref<1x80xi32, #tpu.memory_space<vmem>>
      %dma_wait3A_67 = tpu.memref_squeeze %dma_wait3A_66 : memref<1x80xi32, #tpu.memory_space<vmem>> -> memref<80xi32, #tpu.memory_space<vmem>>
      %dma_wait3A_68 = arith.constant 0 : i32
      %dma_wait3A_69 = arith.constant 0 : i32
      %dma_wait3A_70 = tpu.memref_slice %arg6[%dma_wait3A_68, %dma_wait3A_69] : memref<10000x128xf32, #tpu.memory_space<vmem_shared>> -> memref<10000x128xf32, #tpu.memory_space<vmem_shared>>
      tpu.wait_indirect_dma semaphore(%run_scoped3A_58 : memref<!tpu.dma_semaphore, #tpu.memory_space<semaphore_mem>>) src(%arg9 : memref<80x128xf32, #tpu.memory_space<vmem>>) dst(%dma_wait3A_70 : memref<10000x128xf32, #tpu.memory_space<vmem_shared>>)
      tpu.yield
    }) : () -> ()
    "tpu.region"() ({
      %run_scoped3A_58 = tpu.sem_alloc : memref<!tpu.dma_semaphore, #tpu.memory_space<semaphore_mem>>
      %dma_start3A_59 = arith.constant 0 : i32
      %dma_start3A_60 = arith.constant 0 : i32
      %dma_start3A_61 = tpu.memref_slice %arg7[%dma_start3A_59, %dma_start3A_60] : memref<64x80xi32, #tpu.memory_space<vmem>> -> memref<61x80xi32, #tpu.memory_space<vmem>>
      %dma_start3A_62 = arith.constant 64 : i32
      %dma_start3A_63 = arith.constant 0 : i32
      %dma_start3A_64 = tpu.memref_slice %arg3[%arg0, %arg1, %dma_start3A_62, %dma_start3A_63] : memref<2x16x125x80xi32, #tpu.memory_space<hbm>> -> memref<1x1x61x80xi32, #tpu.memory_space<hbm>>
      %dma_start3A_65 = tpu.memref_squeeze %dma_start3A_64 : memref<1x1x61x80xi32, #tpu.memory_space<hbm>> -> memref<61x80xi32, #tpu.memory_space<hbm>>
      %dma_start3A_66 = arith.constant 0 : i32
      %dma_start3A_67 = arith.constant 0 : i32
      %dma_start3A_68 = tpu.memref_slice %arg7[%dma_start3A_66, %dma_start3A_67] : memref<64x80xi32, #tpu.memory_space<vmem>> -> memref<61x80xi32, #tpu.memory_space<vmem>>
      %dma_start3A_69 = arith.constant 64 : i32
      %dma_start3A_70 = arith.constant 0 : i32
      %dma_start3A_71 = tpu.memref_slice %arg3[%arg0, %arg1, %dma_start3A_69, %dma_start3A_70] : memref<2x16x125x80xi32, #tpu.memory_space<hbm>> -> memref<1x1x61x80xi32, #tpu.memory_space<hbm>>
      %dma_start3A_72 = tpu.memref_squeeze %dma_start3A_71 : memref<1x1x61x80xi32, #tpu.memory_space<hbm>> -> memref<61x80xi32, #tpu.memory_space<hbm>>
      tpu.enqueue_dma source(%dma_start3A_72 : memref<61x80xi32, #tpu.memory_space<hbm>>) target(%dma_start3A_68 : memref<61x80xi32, #tpu.memory_space<vmem>>) target_semaphore(%run_scoped3A_58 : memref<!tpu.dma_semaphore, #tpu.memory_space<semaphore_mem>>)
      %dma_wait3A_73 = arith.constant 0 : i32
      %dma_wait3A_74 = arith.constant 0 : i32
      %dma_wait3A_75 = tpu.memref_slice %arg7[%dma_wait3A_73, %dma_wait3A_74] : memref<64x80xi32, #tpu.memory_space<vmem>> -> memref<61x80xi32, #tpu.memory_space<vmem>>
      %dma_wait3A_76 = arith.constant 64 : i32
      %dma_wait3A_77 = arith.constant 0 : i32
      %dma_wait3A_78 = tpu.memref_slice %arg3[%arg0, %arg1, %dma_wait3A_76, %dma_wait3A_77] : memref<2x16x125x80xi32, #tpu.memory_space<hbm>> -> memref<1x1x61x80xi32, #tpu.memory_space<hbm>>
      %dma_wait3A_79 = tpu.memref_squeeze %dma_wait3A_78 : memref<1x1x61x80xi32, #tpu.memory_space<hbm>> -> memref<61x80xi32, #tpu.memory_space<hbm>>
      %dma_wait3A_80 = arith.constant 0 : i32
      %dma_wait3A_81 = arith.constant 0 : i32
      %dma_wait3A_82 = tpu.memref_slice %arg7[%dma_wait3A_80, %dma_wait3A_81] : memref<64x80xi32, #tpu.memory_space<vmem>> -> memref<61x80xi32, #tpu.memory_space<vmem>>
      %dma_wait3A_83 = arith.constant 64 : i32
      %dma_wait3A_84 = arith.constant 0 : i32
      %dma_wait3A_85 = tpu.memref_slice %arg3[%arg0, %arg1, %dma_wait3A_83, %dma_wait3A_84] : memref<2x16x125x80xi32, #tpu.memory_space<hbm>> -> memref<1x1x61x80xi32, #tpu.memory_space<hbm>>
      %dma_wait3A_86 = tpu.memref_squeeze %dma_wait3A_85 : memref<1x1x61x80xi32, #tpu.memory_space<hbm>> -> memref<61x80xi32, #tpu.memory_space<hbm>>
      tpu.wait_dma2 semaphore(%run_scoped3A_58 : memref<!tpu.dma_semaphore, #tpu.memory_space<semaphore_mem>>) src(%dma_wait3A_86 : memref<61x80xi32, #tpu.memory_space<hbm>>) dst(%dma_wait3A_82 : memref<61x80xi32, #tpu.memory_space<vmem>>)
      tpu.yield
    }) : () -> ()
    "tpu.region"() ({
      %run_scoped3A_58 = tpu.sem_alloc : memref<!tpu.dma_semaphore, #tpu.memory_space<semaphore_mem>>
      %dma_start3A_59 = arith.constant 0 : i32
      %dma_start3A_60 = arith.constant 0 : i32
      %dma_start3A_61 = tpu.memref_slice %arg8[%dma_start3A_59, %dma_start3A_60] : memref<64x80xi32, #tpu.memory_space<vmem>> -> memref<61x80xi32, #tpu.memory_space<vmem>>
      %dma_start3A_62 = arith.constant 64 : i32
      %dma_start3A_63 = arith.constant 0 : i32
      %dma_start3A_64 = tpu.memref_slice %arg4[%arg1, %dma_start3A_62, %dma_start3A_63] : memref<16x125x80xi32, #tpu.memory_space<hbm>> -> memref<1x61x80xi32, #tpu.memory_space<hbm>>
      %dma_start3A_65 = tpu.memref_squeeze %dma_start3A_64 : memref<1x61x80xi32, #tpu.memory_space<hbm>> -> memref<61x80xi32, #tpu.memory_space<hbm>>
      %dma_start3A_66 = arith.constant 0 : i32
      %dma_start3A_67 = arith.constant 0 : i32
      %dma_start3A_68 = tpu.memref_slice %arg8[%dma_start3A_66, %dma_start3A_67] : memref<64x80xi32, #tpu.memory_space<vmem>> -> memref<61x80xi32, #tpu.memory_space<vmem>>
      %dma_start3A_69 = arith.constant 64 : i32
      %dma_start3A_70 = arith.constant 0 : i32
      %dma_start3A_71 = tpu.memref_slice %arg4[%arg1, %dma_start3A_69, %dma_start3A_70] : memref<16x125x80xi32, #tpu.memory_space<hbm>> -> memref<1x61x80xi32, #tpu.memory_space<hbm>>
      %dma_start3A_72 = tpu.memref_squeeze %dma_start3A_71 : memref<1x61x80xi32, #tpu.memory_space<hbm>> -> memref<61x80xi32, #tpu.memory_space<hbm>>
      tpu.enqueue_dma source(%dma_start3A_72 : memref<61x80xi32, #tpu.memory_space<hbm>>) target(%dma_start3A_68 : memref<61x80xi32, #tpu.memory_space<vmem>>) target_semaphore(%run_scoped3A_58 : memref<!tpu.dma_semaphore, #tpu.memory_space<semaphore_mem>>)
      %dma_wait3A_73 = arith.constant 0 : i32
      %dma_wait3A_74 = arith.constant 0 : i32
      %dma_wait3A_75 = tpu.memref_slice %arg8[%dma_wait3A_73, %dma_wait3A_74] : memref<64x80xi32, #tpu.memory_space<vmem>> -> memref<61x80xi32, #tpu.memory_space<vmem>>
      %dma_wait3A_76 = arith.constant 64 : i32
      %dma_wait3A_77 = arith.constant 0 : i32
      %dma_wait3A_78 = tpu.memref_slice %arg4[%arg1, %dma_wait3A_76, %dma_wait3A_77] : memref<16x125x80xi32, #tpu.memory_space<hbm>> -> memref<1x61x80xi32, #tpu.memory_space<hbm>>
      %dma_wait3A_79 = tpu.memref_squeeze %dma_wait3A_78 : memref<1x61x80xi32, #tpu.memory_space<hbm>> -> memref<61x80xi32, #tpu.memory_space<hbm>>
      %dma_wait3A_80 = arith.constant 0 : i32
      %dma_wait3A_81 = arith.constant 0 : i32
      %dma_wait3A_82 = tpu.memref_slice %arg8[%dma_wait3A_80, %dma_wait3A_81] : memref<64x80xi32, #tpu.memory_space<vmem>> -> memref<61x80xi32, #tpu.memory_space<vmem>>
      %dma_wait3A_83 = arith.constant 64 : i32
      %dma_wait3A_84 = arith.constant 0 : i32
      %dma_wait3A_85 = tpu.memref_slice %arg4[%arg1, %dma_wait3A_83, %dma_wait3A_84] : memref<16x125x80xi32, #tpu.memory_space<hbm>> -> memref<1x61x80xi32, #tpu.memory_space<hbm>>
      %dma_wait3A_86 = tpu.memref_squeeze %dma_wait3A_85 : memref<1x61x80xi32, #tpu.memory_space<hbm>> -> memref<61x80xi32, #tpu.memory_space<hbm>>
      tpu.wait_dma2 semaphore(%run_scoped3A_58 : memref<!tpu.dma_semaphore, #tpu.memory_space<semaphore_mem>>) src(%dma_wait3A_86 : memref<61x80xi32, #tpu.memory_space<hbm>>) dst(%dma_wait3A_82 : memref<61x80xi32, #tpu.memory_space<vmem>>)
      tpu.yield
    }) : () -> ()
    %scan3A_30 = arith.constant 0 : i32
    %scan3A_31 = arith.constant 20 : i32
    %scan3A_32 = arith.addi %scan3A_30, %scan3A_31 : i32
    %scan3A_33 = arith.constant 1 : i32
    scf.for %scan3A_58 = %scan3A_30 to %scan3A_32 step %scan3A_33  : i32 {
      %mul3A_59 = arith.constant 3 : i32
      %mul3A_60 = arith.muli %scan3A_58, %mul3A_59 : i32
      %add3A_61 = arith.constant 0 : i32
      %add3A_62 = arith.addi %add3A_61, %mul3A_60 : i32
      %dma_start3A_63 = arith.constant 0 : i32
      %dma_start3A_64 = tpu.memref_slice %arg7[%add3A_62, %dma_start3A_63] : memref<64x80xi32, #tpu.memory_space<vmem>> -> memref<1x80xi32, #tpu.memory_space<vmem>>
      %dma_start3A_65 = tpu.memref_squeeze %dma_start3A_64 : memref<1x80xi32, #tpu.memory_space<vmem>> -> memref<80xi32, #tpu.memory_space<vmem>>
      %dma_start3A_66 = arith.constant 0 : i32
      %dma_start3A_67 = arith.constant 0 : i32
      %dma_start3A_68 = tpu.memref_slice %arg2[%dma_start3A_66, %dma_start3A_67] : memref<20000x128xf32, #tpu.memory_space<hbm>> -> memref<20000x128xf32, #tpu.memory_space<hbm>>
      tpu.enqueue_indirect_dma source(%dma_start3A_68 : memref<20000x128xf32, #tpu.memory_space<hbm>>) target(%arg9 : memref<80x128xf32, #tpu.memory_space<vmem>>) offsets(%dma_start3A_65 : memref<80xi32, #tpu.memory_space<vmem>>) semaphore(%arg12 : memref<!tpu.dma_semaphore, #tpu.memory_space<semaphore_mem>>)
      %add3A_69 = arith.constant 1 : i32
      %add3A_70 = arith.addi %add3A_62, %add3A_69 : i32
      %dma_start3A_71 = arith.constant 0 : i32
      %dma_start3A_72 = tpu.memref_slice %arg7[%add3A_70, %dma_start3A_71] : memref<64x80xi32, #tpu.memory_space<vmem>> -> memref<1x80xi32, #tpu.memory_space<vmem>>
      %dma_start3A_73 = tpu.memref_squeeze %dma_start3A_72 : memref<1x80xi32, #tpu.memory_space<vmem>> -> memref<80xi32, #tpu.memory_space<vmem>>
      %dma_start3A_74 = arith.constant 0 : i32
      %dma_start3A_75 = arith.constant 0 : i32
      %dma_start3A_76 = tpu.memref_slice %arg2[%dma_start3A_74, %dma_start3A_75] : memref<20000x128xf32, #tpu.memory_space<hbm>> -> memref<20000x128xf32, #tpu.memory_space<hbm>>
      tpu.enqueue_indirect_dma source(%dma_start3A_76 : memref<20000x128xf32, #tpu.memory_space<hbm>>) target(%arg10 : memref<80x128xf32, #tpu.memory_space<vmem>>) offsets(%dma_start3A_73 : memref<80xi32, #tpu.memory_space<vmem>>) semaphore(%arg13 : memref<!tpu.dma_semaphore, #tpu.memory_space<semaphore_mem>>)
      %add3A_77 = arith.constant 2 : i32
      %add3A_78 = arith.addi %add3A_62, %add3A_77 : i32
      %dma_start3A_79 = arith.constant 0 : i32
      %dma_start3A_80 = tpu.memref_slice %arg7[%add3A_78, %dma_start3A_79] : memref<64x80xi32, #tpu.memory_space<vmem>> -> memref<1x80xi32, #tpu.memory_space<vmem>>
      %dma_start3A_81 = tpu.memref_squeeze %dma_start3A_80 : memref<1x80xi32, #tpu.memory_space<vmem>> -> memref<80xi32, #tpu.memory_space<vmem>>
      %dma_start3A_82 = arith.constant 0 : i32
      %dma_start3A_83 = arith.constant 0 : i32
      %dma_start3A_84 = tpu.memref_slice %arg2[%dma_start3A_82, %dma_start3A_83] : memref<20000x128xf32, #tpu.memory_space<hbm>> -> memref<20000x128xf32, #tpu.memory_space<hbm>>
      tpu.enqueue_indirect_dma source(%dma_start3A_84 : memref<20000x128xf32, #tpu.memory_space<hbm>>) target(%arg11 : memref<80x128xf32, #tpu.memory_space<vmem>>) offsets(%dma_start3A_81 : memref<80xi32, #tpu.memory_space<vmem>>) semaphore(%arg14 : memref<!tpu.dma_semaphore, #tpu.memory_space<semaphore_mem>>)
      %dma_wait3A_85 = arith.constant 0 : i32
      %dma_wait3A_86 = tpu.memref_slice %arg7[%add3A_62, %dma_wait3A_85] : memref<64x80xi32, #tpu.memory_space<vmem>> -> memref<1x80xi32, #tpu.memory_space<vmem>>
      %dma_wait3A_87 = tpu.memref_squeeze %dma_wait3A_86 : memref<1x80xi32, #tpu.memory_space<vmem>> -> memref<80xi32, #tpu.memory_space<vmem>>
      %dma_wait3A_88 = arith.constant 0 : i32
      %dma_wait3A_89 = arith.constant 0 : i32
      %dma_wait3A_90 = tpu.memref_slice %arg2[%dma_wait3A_88, %dma_wait3A_89] : memref<20000x128xf32, #tpu.memory_space<hbm>> -> memref<20000x128xf32, #tpu.memory_space<hbm>>
      tpu.wait_indirect_dma semaphore(%arg12 : memref<!tpu.dma_semaphore, #tpu.memory_space<semaphore_mem>>) src(%dma_wait3A_90 : memref<20000x128xf32, #tpu.memory_space<hbm>>) dst(%arg9 : memref<80x128xf32, #tpu.memory_space<vmem>>)
      "tpu.region"() ({
        %run_scoped3A_107 = tpu.sem_alloc : memref<!tpu.dma_semaphore, #tpu.memory_space<semaphore_mem>>
        %dma_start3A_108 = arith.constant 0 : i32
        %dma_start3A_109 = tpu.memref_slice %arg8[%add3A_62, %dma_start3A_108] : memref<64x80xi32, #tpu.memory_space<vmem>> -> memref<1x80xi32, #tpu.memory_space<vmem>>
        %dma_start3A_110 = tpu.memref_squeeze %dma_start3A_109 : memref<1x80xi32, #tpu.memory_space<vmem>> -> memref<80xi32, #tpu.memory_space<vmem>>
        %dma_start3A_111 = arith.constant 0 : i32
        %dma_start3A_112 = arith.constant 0 : i32
        %dma_start3A_113 = tpu.memref_slice %arg6[%dma_start3A_111, %dma_start3A_112] : memref<10000x128xf32, #tpu.memory_space<vmem_shared>> -> memref<10000x128xf32, #tpu.memory_space<vmem_shared>>
        tpu.enqueue_indirect_dma source(%arg9 : memref<80x128xf32, #tpu.memory_space<vmem>>) target(%dma_start3A_113 : memref<10000x128xf32, #tpu.memory_space<vmem_shared>>) offsets(%dma_start3A_110 : memref<80xi32, #tpu.memory_space<vmem>>) semaphore(%run_scoped3A_107 : memref<!tpu.dma_semaphore, #tpu.memory_space<semaphore_mem>>) {add = true}
        %dma_wait3A_114 = arith.constant 0 : i32
        %dma_wait3A_115 = tpu.memref_slice %arg8[%add3A_62, %dma_wait3A_114] : memref<64x80xi32, #tpu.memory_space<vmem>> -> memref<1x80xi32, #tpu.memory_space<vmem>>
        %dma_wait3A_116 = tpu.memref_squeeze %dma_wait3A_115 : memref<1x80xi32, #tpu.memory_space<vmem>> -> memref<80xi32, #tpu.memory_space<vmem>>
        %dma_wait3A_117 = arith.constant 0 : i32
        %dma_wait3A_118 = arith.constant 0 : i32
        %dma_wait3A_119 = tpu.memref_slice %arg6[%dma_wait3A_117, %dma_wait3A_118] : memref<10000x128xf32, #tpu.memory_space<vmem_shared>> -> memref<10000x128xf32, #tpu.memory_space<vmem_shared>>
        tpu.wait_indirect_dma semaphore(%run_scoped3A_107 : memref<!tpu.dma_semaphore, #tpu.memory_space<semaphore_mem>>) src(%arg9 : memref<80x128xf32, #tpu.memory_space<vmem>>) dst(%dma_wait3A_119 : memref<10000x128xf32, #tpu.memory_space<vmem_shared>>)
        tpu.yield
      }) : () -> ()
      %dma_wait3A_91 = arith.constant 0 : i32
      %dma_wait3A_92 = tpu.memref_slice %arg7[%add3A_70, %dma_wait3A_91] : memref<64x80xi32, #tpu.memory_space<vmem>> -> memref<1x80xi32, #tpu.memory_space<vmem>>
      %dma_wait3A_93 = tpu.memref_squeeze %dma_wait3A_92 : memref<1x80xi32, #tpu.memory_space<vmem>> -> memref<80xi32, #tpu.memory_space<vmem>>
      %dma_wait3A_94 = arith.constant 0 : i32
      %dma_wait3A_95 = arith.constant 0 : i32
      %dma_wait3A_96 = tpu.memref_slice %arg2[%dma_wait3A_94, %dma_wait3A_95] : memref<20000x128xf32, #tpu.memory_space<hbm>> -> memref<20000x128xf32, #tpu.memory_space<hbm>>
      tpu.wait_indirect_dma semaphore(%arg13 : memref<!tpu.dma_semaphore, #tpu.memory_space<semaphore_mem>>) src(%dma_wait3A_96 : memref<20000x128xf32, #tpu.memory_space<hbm>>) dst(%arg10 : memref<80x128xf32, #tpu.memory_space<vmem>>)
      %add3A_97 = arith.constant 1 : i32
      %add3A_98 = arith.addi %add3A_62, %add3A_97 : i32
      "tpu.region"() ({
        %run_scoped3A_107 = tpu.sem_alloc : memref<!tpu.dma_semaphore, #tpu.memory_space<semaphore_mem>>
        %dma_start3A_108 = arith.constant 0 : i32
        %dma_start3A_109 = tpu.memref_slice %arg8[%add3A_98, %dma_start3A_108] : memref<64x80xi32, #tpu.memory_space<vmem>> -> memref<1x80xi32, #tpu.memory_space<vmem>>
        %dma_start3A_110 = tpu.memref_squeeze %dma_start3A_109 : memref<1x80xi32, #tpu.memory_space<vmem>> -> memref<80xi32, #tpu.memory_space<vmem>>
        %dma_start3A_111 = arith.constant 0 : i32
        %dma_start3A_112 = arith.constant 0 : i32
        %dma_start3A_113 = tpu.memref_slice %arg6[%dma_start3A_111, %dma_start3A_112] : memref<10000x128xf32, #tpu.memory_space<vmem_shared>> -> memref<10000x128xf32, #tpu.memory_space<vmem_shared>>
        tpu.enqueue_indirect_dma source(%arg10 : memref<80x128xf32, #tpu.memory_space<vmem>>) target(%dma_start3A_113 : memref<10000x128xf32, #tpu.memory_space<vmem_shared>>) offsets(%dma_start3A_110 : memref<80xi32, #tpu.memory_space<vmem>>) semaphore(%run_scoped3A_107 : memref<!tpu.dma_semaphore, #tpu.memory_space<semaphore_mem>>) {add = true}
        %dma_wait3A_114 = arith.constant 0 : i32
        %dma_wait3A_115 = tpu.memref_slice %arg8[%add3A_98, %dma_wait3A_114] : memref<64x80xi32, #tpu.memory_space<vmem>> -> memref<1x80xi32, #tpu.memory_space<vmem>>
        %dma_wait3A_116 = tpu.memref_squeeze %dma_wait3A_115 : memref<1x80xi32, #tpu.memory_space<vmem>> -> memref<80xi32, #tpu.memory_space<vmem>>
        %dma_wait3A_117 = arith.constant 0 : i32
        %dma_wait3A_118 = arith.constant 0 : i32
        %dma_wait3A_119 = tpu.memref_slice %arg6[%dma_wait3A_117, %dma_wait3A_118] : memref<10000x128xf32, #tpu.memory_space<vmem_shared>> -> memref<10000x128xf32, #tpu.memory_space<vmem_shared>>
        tpu.wait_indirect_dma semaphore(%run_scoped3A_107 : memref<!tpu.dma_semaphore, #tpu.memory_space<semaphore_mem>>) src(%arg10 : memref<80x128xf32, #tpu.memory_space<vmem>>) dst(%dma_wait3A_119 : memref<10000x128xf32, #tpu.memory_space<vmem_shared>>)
        tpu.yield
      }) : () -> ()
      %dma_wait3A_99 = arith.constant 0 : i32
      %dma_wait3A_100 = tpu.memref_slice %arg7[%add3A_78, %dma_wait3A_99] : memref<64x80xi32, #tpu.memory_space<vmem>> -> memref<1x80xi32, #tpu.memory_space<vmem>>
      %dma_wait3A_101 = tpu.memref_squeeze %dma_wait3A_100 : memref<1x80xi32, #tpu.memory_space<vmem>> -> memref<80xi32, #tpu.memory_space<vmem>>
      %dma_wait3A_102 = arith.constant 0 : i32
      %dma_wait3A_103 = arith.constant 0 : i32
      %dma_wait3A_104 = tpu.memref_slice %arg2[%dma_wait3A_102, %dma_wait3A_103] : memref<20000x128xf32, #tpu.memory_space<hbm>> -> memref<20000x128xf32, #tpu.memory_space<hbm>>
      tpu.wait_indirect_dma semaphore(%arg14 : memref<!tpu.dma_semaphore, #tpu.memory_space<semaphore_mem>>) src(%dma_wait3A_104 : memref<20000x128xf32, #tpu.memory_space<hbm>>) dst(%arg11 : memref<80x128xf32, #tpu.memory_space<vmem>>)
      %add3A_105 = arith.constant 2 : i32
      %add3A_106 = arith.addi %add3A_62, %add3A_105 : i32
      "tpu.region"() ({
        %run_scoped3A_107 = tpu.sem_alloc : memref<!tpu.dma_semaphore, #tpu.memory_space<semaphore_mem>>
        %dma_start3A_108 = arith.constant 0 : i32
        %dma_start3A_109 = tpu.memref_slice %arg8[%add3A_106, %dma_start3A_108] : memref<64x80xi32, #tpu.memory_space<vmem>> -> memref<1x80xi32, #tpu.memory_space<vmem>>
        %dma_start3A_110 = tpu.memref_squeeze %dma_start3A_109 : memref<1x80xi32, #tpu.memory_space<vmem>> -> memref<80xi32, #tpu.memory_space<vmem>>
        %dma_start3A_111 = arith.constant 0 : i32
        %dma_start3A_112 = arith.constant 0 : i32
        %dma_start3A_113 = tpu.memref_slice %arg6[%dma_start3A_111, %dma_start3A_112] : memref<10000x128xf32, #tpu.memory_space<vmem_shared>> -> memref<10000x128xf32, #tpu.memory_space<vmem_shared>>
        tpu.enqueue_indirect_dma source(%arg11 : memref<80x128xf32, #tpu.memory_space<vmem>>) target(%dma_start3A_113 : memref<10000x128xf32, #tpu.memory_space<vmem_shared>>) offsets(%dma_start3A_110 : memref<80xi32, #tpu.memory_space<vmem>>) semaphore(%run_scoped3A_107 : memref<!tpu.dma_semaphore, #tpu.memory_space<semaphore_mem>>) {add = true}
        %dma_wait3A_114 = arith.constant 0 : i32
        %dma_wait3A_115 = tpu.memref_slice %arg8[%add3A_106, %dma_wait3A_114] : memref<64x80xi32, #tpu.memory_space<vmem>> -> memref<1x80xi32, #tpu.memory_space<vmem>>
        %dma_wait3A_116 = tpu.memref_squeeze %dma_wait3A_115 : memref<1x80xi32, #tpu.memory_space<vmem>> -> memref<80xi32, #tpu.memory_space<vmem>>
        %dma_wait3A_117 = arith.constant 0 : i32
        %dma_wait3A_118 = arith.constant 0 : i32
        %dma_wait3A_119 = tpu.memref_slice %arg6[%dma_wait3A_117, %dma_wait3A_118] : memref<10000x128xf32, #tpu.memory_space<vmem_shared>> -> memref<10000x128xf32, #tpu.memory_space<vmem_shared>>
        tpu.wait_indirect_dma semaphore(%run_scoped3A_107 : memref<!tpu.dma_semaphore, #tpu.memory_space<semaphore_mem>>) src(%arg11 : memref<80x128xf32, #tpu.memory_space<vmem>>) dst(%dma_wait3A_119 : memref<10000x128xf32, #tpu.memory_space<vmem_shared>>)
        tpu.yield
      }) : () -> ()
    }
    %scan3A_34 = arith.constant 20 : i32
    %dma_start3A_35 = arith.constant 60 : i32
    %dma_start3A_36 = arith.constant 0 : i32
    %dma_start3A_37 = tpu.memref_slice %arg7[%dma_start3A_35, %dma_start3A_36] : memref<64x80xi32, #tpu.memory_space<vmem>> -> memref<1x80xi32, #tpu.memory_space<vmem>>
    %dma_start3A_38 = tpu.memref_squeeze %dma_start3A_37 : memref<1x80xi32, #tpu.memory_space<vmem>> -> memref<80xi32, #tpu.memory_space<vmem>>
    %dma_start3A_39 = arith.constant 0 : i32
    %dma_start3A_40 = arith.constant 0 : i32
    %dma_start3A_41 = tpu.memref_slice %arg2[%dma_start3A_39, %dma_start3A_40] : memref<20000x128xf32, #tpu.memory_space<hbm>> -> memref<20000x128xf32, #tpu.memory_space<hbm>>
    tpu.enqueue_indirect_dma source(%dma_start3A_41 : memref<20000x128xf32, #tpu.memory_space<hbm>>) target(%arg9 : memref<80x128xf32, #tpu.memory_space<vmem>>) offsets(%dma_start3A_38 : memref<80xi32, #tpu.memory_space<vmem>>) semaphore(%arg12 : memref<!tpu.dma_semaphore, #tpu.memory_space<semaphore_mem>>)
    %dma_wait3A_42 = arith.constant 60 : i32
    %dma_wait3A_43 = arith.constant 0 : i32
    %dma_wait3A_44 = tpu.memref_slice %arg7[%dma_wait3A_42, %dma_wait3A_43] : memref<64x80xi32, #tpu.memory_space<vmem>> -> memref<1x80xi32, #tpu.memory_space<vmem>>
    %dma_wait3A_45 = tpu.memref_squeeze %dma_wait3A_44 : memref<1x80xi32, #tpu.memory_space<vmem>> -> memref<80xi32, #tpu.memory_space<vmem>>
    %dma_wait3A_46 = arith.constant 0 : i32
    %dma_wait3A_47 = arith.constant 0 : i32
    %dma_wait3A_48 = tpu.memref_slice %arg2[%dma_wait3A_46, %dma_wait3A_47] : memref<20000x128xf32, #tpu.memory_space<hbm>> -> memref<20000x128xf32, #tpu.memory_space<hbm>>
    tpu.wait_indirect_dma semaphore(%arg12 : memref<!tpu.dma_semaphore, #tpu.memory_space<semaphore_mem>>) src(%dma_wait3A_48 : memref<20000x128xf32, #tpu.memory_space<hbm>>) dst(%arg9 : memref<80x128xf32, #tpu.memory_space<vmem>>)
    %run_scoped3A_49 = arith.constant 60 : i32
    "tpu.region"() ({
      %run_scoped3A_58 = tpu.sem_alloc : memref<!tpu.dma_semaphore, #tpu.memory_space<semaphore_mem>>
      %dma_start3A_59 = arith.constant 0 : i32
      %dma_start3A_60 = tpu.memref_slice %arg8[%run_scoped3A_49, %dma_start3A_59] : memref<64x80xi32, #tpu.memory_space<vmem>> -> memref<1x80xi32, #tpu.memory_space<vmem>>
      %dma_start3A_61 = tpu.memref_squeeze %dma_start3A_60 : memref<1x80xi32, #tpu.memory_space<vmem>> -> memref<80xi32, #tpu.memory_space<vmem>>
      %dma_start3A_62 = arith.constant 0 : i32
      %dma_start3A_63 = arith.constant 0 : i32
      %dma_start3A_64 = tpu.memref_slice %arg6[%dma_start3A_62, %dma_start3A_63] : memref<10000x128xf32, #tpu.memory_space<vmem_shared>> -> memref<10000x128xf32, #tpu.memory_space<vmem_shared>>
      tpu.enqueue_indirect_dma source(%arg9 : memref<80x128xf32, #tpu.memory_space<vmem>>) target(%dma_start3A_64 : memref<10000x128xf32, #tpu.memory_space<vmem_shared>>) offsets(%dma_start3A_61 : memref<80xi32, #tpu.memory_space<vmem>>) semaphore(%run_scoped3A_58 : memref<!tpu.dma_semaphore, #tpu.memory_space<semaphore_mem>>) {add = true}
      %dma_wait3A_65 = arith.constant 0 : i32
      %dma_wait3A_66 = tpu.memref_slice %arg8[%run_scoped3A_49, %dma_wait3A_65] : memref<64x80xi32, #tpu.memory_space<vmem>> -> memref<1x80xi32, #tpu.memory_space<vmem>>
      %dma_wait3A_67 = tpu.memref_squeeze %dma_wait3A_66 : memref<1x80xi32, #tpu.memory_space<vmem>> -> memref<80xi32, #tpu.memory_space<vmem>>
      %dma_wait3A_68 = arith.constant 0 : i32
      %dma_wait3A_69 = arith.constant 0 : i32
      %dma_wait3A_70 = tpu.memref_slice %arg6[%dma_wait3A_68, %dma_wait3A_69] : memref<10000x128xf32, #tpu.memory_space<vmem_shared>> -> memref<10000x128xf32, #tpu.memory_space<vmem_shared>>
      tpu.wait_indirect_dma semaphore(%run_scoped3A_58 : memref<!tpu.dma_semaphore, #tpu.memory_space<semaphore_mem>>) src(%arg9 : memref<80x128xf32, #tpu.memory_space<vmem>>) dst(%dma_wait3A_70 : memref<10000x128xf32, #tpu.memory_space<vmem_shared>>)
      tpu.yield
    }) : () -> ()
    %barrier3A_50 = arith.constant 0 : index
    tpu.barrier barrier_id(%barrier3A_50)
    %mul3A_51 = arith.constant 10000 : i32
    %mul3A_52 = arith.muli %arg0, %mul3A_51 : i32
    %add3A = arith.addi %mul3A_52, %mul3A_0 : i32
    "tpu.region"() ({
      %run_scoped3A_58 = tpu.sem_alloc : memref<!tpu.dma_semaphore, #tpu.memory_space<semaphore_mem>>
      %dma_start3A_59 = arith.constant 0 : i32
      %dma_start3A_60 = tpu.memref_slice %arg5[%add3A, %dma_start3A_59] : memref<20000x128xf32, #tpu.memory_space<hbm>> -> memref<624x128xf32, #tpu.memory_space<hbm>>
      %dma_start3A_61 = arith.constant 0 : i32
      %dma_start3A_62 = tpu.memref_slice %arg6[%mul3A_0, %dma_start3A_61] : memref<10000x128xf32, #tpu.memory_space<vmem_shared>> -> memref<624x128xf32, #tpu.memory_space<vmem_shared>>
      tpu.enqueue_dma source(%dma_start3A_62 : memref<624x128xf32, #tpu.memory_space<vmem_shared>>) target(%dma_start3A_60 : memref<624x128xf32, #tpu.memory_space<hbm>>) target_semaphore(%run_scoped3A_58 : memref<!tpu.dma_semaphore, #tpu.memory_space<semaphore_mem>>)
      %dma_wait3A_63 = arith.constant 0 : i32
      %dma_wait3A_64 = tpu.memref_slice %arg5[%add3A, %dma_wait3A_63] : memref<20000x128xf32, #tpu.memory_space<hbm>> -> memref<624x128xf32, #tpu.memory_space<hbm>>
      %dma_wait3A_65 = arith.constant 0 : i32
      %dma_wait3A_66 = tpu.memref_slice %arg6[%mul3A_0, %dma_wait3A_65] : memref<10000x128xf32, #tpu.memory_space<vmem_shared>> -> memref<624x128xf32, #tpu.memory_space<vmem_shared>>
      tpu.wait_dma2 semaphore(%run_scoped3A_58 : memref<!tpu.dma_semaphore, #tpu.memory_space<semaphore_mem>>) src(%dma_wait3A_66 : memref<624x128xf32, #tpu.memory_space<vmem_shared>>) dst(%dma_wait3A_64 : memref<624x128xf32, #tpu.memory_space<hbm>>)
      tpu.yield
    }) : () -> ()
    %eq3A_53 = arith.constant 0 : i32
    %eq3A_54 = arith.cmpi eq, %arg1, %eq3A_53 : i32
    %convert_element_type3A_55 = arith.extui %eq3A_54 : i1 to i32
    %cond3A_56 = arith.constant 0 : i32
    %cond3A_57 = arith.cmpi ne, %convert_element_type3A_55, %cond3A_56 : i32
    scf.if %cond3A_57 {
      %mul3A_58 = arith.constant 10000 : i32
      %mul3A_59 = arith.muli %arg0, %mul3A_58 : i32
      %add3A_60 = arith.constant 9984 : i32
      %add3A_61 = arith.addi %mul3A_59, %add3A_60 : i32
      "tpu.region"() ({
        %run_scoped3A_62 = tpu.sem_alloc : memref<!tpu.dma_semaphore, #tpu.memory_space<semaphore_mem>>
        %dma_start3A_63 = arith.constant 0 : i32
        %dma_start3A_64 = tpu.memref_slice %arg5[%add3A_61, %dma_start3A_63] : memref<20000x128xf32, #tpu.memory_space<hbm>> -> memref<16x128xf32, #tpu.memory_space<hbm>>
        %dma_start3A_65 = arith.constant 9984 : i32
        %dma_start3A_66 = arith.constant 0 : i32
        %dma_start3A_67 = tpu.memref_slice %arg6[%dma_start3A_65, %dma_start3A_66] : memref<10000x128xf32, #tpu.memory_space<vmem_shared>> -> memref<16x128xf32, #tpu.memory_space<vmem_shared>>
        tpu.enqueue_dma source(%dma_start3A_67 : memref<16x128xf32, #tpu.memory_space<vmem_shared>>) target(%dma_start3A_64 : memref<16x128xf32, #tpu.memory_space<hbm>>) target_semaphore(%run_scoped3A_62 : memref<!tpu.dma_semaphore, #tpu.memory_space<semaphore_mem>>)
        %dma_wait3A_68 = arith.constant 0 : i32
        %dma_wait3A_69 = tpu.memref_slice %arg5[%add3A_61, %dma_wait3A_68] : memref<20000x128xf32, #tpu.memory_space<hbm>> -> memref<16x128xf32, #tpu.memory_space<hbm>>
        %dma_wait3A_70 = arith.constant 9984 : i32
        %dma_wait3A_71 = arith.constant 0 : i32
        %dma_wait3A_72 = tpu.memref_slice %arg6[%dma_wait3A_70, %dma_wait3A_71] : memref<10000x128xf32, #tpu.memory_space<vmem_shared>> -> memref<16x128xf32, #tpu.memory_space<vmem_shared>>
        tpu.wait_dma2 semaphore(%run_scoped3A_62 : memref<!tpu.dma_semaphore, #tpu.memory_space<semaphore_mem>>) src(%dma_wait3A_72 : memref<16x128xf32, #tpu.memory_space<vmem_shared>>) dst(%dma_wait3A_69 : memref<16x128xf32, #tpu.memory_space<hbm>>)
        tpu.yield
      }) : () -> ()
    } else {
    }
    return
  }
}

#map = affine_map<(d0, d1) -> (0, 0)>
#map1 = affine_map<(d0, d1) -> (0, 0, 0, 0)>
#map2 = affine_map<(d0, d1) -> (0, 0, 0)>
module attributes {stable_mosaic.version = 14 : i64} {
  func.func @_sc_agg_body(%arg0: i32, %arg1: i32, %arg2: memref<20000x128xf32, #tpu.memory_space<hbm>>, %arg3: memref<2x16x125x80xi32, #tpu.memory_space<hbm>>, %arg4: memref<16x125x80xi32, #tpu.memory_space<hbm>>, %arg5: memref<20000x128xf32, #tpu.memory_space<hbm>>, %arg6: memref<10000x128xf32, #tpu.memory_space<vmem_shared>>, %arg7: memref<64x80xi32, #tpu.memory_space<vmem>>, %arg8: memref<64x80xi32, #tpu.memory_space<vmem>>, %arg9: memref<80x128xf32, #tpu.memory_space<vmem>>, %arg10: memref<80x128xf32, #tpu.memory_space<vmem>>, %arg11: memref<80x128xf32, #tpu.memory_space<vmem>>, %arg12: memref<!tpu.dma_semaphore, #tpu.memory_space<semaphore_mem>>, %arg13: memref<!tpu.dma_semaphore, #tpu.memory_space<semaphore_mem>>, %arg14: memref<!tpu.dma_semaphore, #tpu.memory_space<semaphore_mem>>) attributes {dimension_semantics = [#tpu.dimension_semantics<core_parallel>, #tpu.dimension_semantics<subcore_parallel>], iteration_bounds = array<i64: 2, 16>, scalar_prefetch = 0 : i64, scratch_operands = 9 : i64, tpu.core_type = #tpu.core_type<sc_vector_subcore>, window_params = [{transform_indices = #map}, {transform_indices = #map1}, {transform_indices = #map2}, {transform_indices = #map}]} {
    %mul3A = arith.constant 624 : i32
    %mul3A_0 = arith.muli %arg1, %mul3A : i32
    %broadcast_in_dim3A = arith.constant 0.000000e+00 : f32
    %broadcast_in_dim3A_1 = vector.broadcast %broadcast_in_dim3A : f32 to vector<16xf32>
    %scan3A = arith.constant 0 : i32
    %scan3A_2 = arith.constant 48 : i32
    %scan3A_3 = arith.addi %scan3A, %scan3A_2 : i32
    %scan3A_4 = arith.constant 1 : i32
    scf.for %scan3A_58 = %scan3A to %scan3A_3 step %scan3A_4  : i32 {
      %mul3A_59 = arith.constant 1 : i32
      %mul3A_60 = arith.muli %scan3A_58, %mul3A_59 : i32
      %add3A_61 = arith.constant 0 : i32
      %add3A_62 = arith.addi %add3A_61, %mul3A_60 : i32
      %swap3A = arith.index_cast %add3A_62 : i32 to index
      %swap3A_63 = arith.constant 0 : index
      %swap3A_64 = tpu.vector_load %arg9[%swap3A, %swap3A_63] {strides = array<i32>} : memref<80x128xf32, #tpu.memory_space<vmem>>, vector<1x16xf32>,
      %swap3A_65 = vector.shape_cast %swap3A_64 : vector<1x16xf32> to vector<16xf32>
      %swap3A_66 = vector.shape_cast %broadcast_in_dim3A_1 : vector<16xf32> to vector<1x16xf32>
      tpu.vector_store %arg9[%swap3A, %swap3A_63], %swap3A_66 {strides = array<i32>} : memref<80x128xf32, #tpu.memory_space<vmem>>, vector<1x16xf32>,
      %swap3A_67 = arith.index_cast %add3A_62 : i32 to index
      %swap3A_68 = arith.constant 16 : index
      %swap3A_69 = tpu.vector_load %arg9[%swap3A_67, %swap3A_68] {strides = array<i32>} : memref<80x128xf32, #tpu.memory_space<vmem>>, vector<1x16xf32>,
      %swap3A_70 = vector.shape_cast %swap3A_69 : vector<1x16xf32> to vector<16xf32>
      %swap3A_71 = vector.shape_cast %broadcast_in_dim3A_1 : vector<16xf32> to vector<1x16xf32>
      tpu.vector_store %arg9[%swap3A_67, %swap3A_68], %swap3A_71 {strides = array<i32>} : memref<80x128xf32, #tpu.memory_space<vmem>>, vector<1x16xf32>,
      %swap3A_72 = arith.index_cast %add3A_62 : i32 to index
      %swap3A_73 = arith.constant 32 : index
      %swap3A_74 = tpu.vector_load %arg9[%swap3A_72, %swap3A_73] {strides = array<i32>} : memref<80x128xf32, #tpu.memory_space<vmem>>, vector<1x16xf32>,
      %swap3A_75 = vector.shape_cast %swap3A_74 : vector<1x16xf32> to vector<16xf32>
      %swap3A_76 = vector.shape_cast %broadcast_in_dim3A_1 : vector<16xf32> to vector<1x16xf32>
      tpu.vector_store %arg9[%swap3A_72, %swap3A_73], %swap3A_76 {strides = array<i32>} : memref<80x128xf32, #tpu.memory_space<vmem>>, vector<1x16xf32>,
      %swap3A_77 = arith.index_cast %add3A_62 : i32 to index
      %swap3A_78 = arith.constant 48 : index
      %swap3A_79 = tpu.vector_load %arg9[%swap3A_77, %swap3A_78] {strides = array<i32>} : memref<80x128xf32, #tpu.memory_space<vmem>>, vector<1x16xf32>,
      %swap3A_80 = vector.shape_cast %swap3A_79 : vector<1x16xf32> to vector<16xf32>
      %swap3A_81 = vector.shape_cast %broadcast_in_dim3A_1 : vector<16xf32> to vector<1x16xf32>
      tpu.vector_store %arg9[%swap3A_77, %swap3A_78], %swap3A_81 {strides = array<i32>} : memref<80x128xf32, #tpu.memory_space<vmem>>, vector<1x16xf32>,
      %swap3A_82 = arith.index_cast %add3A_62 : i32 to index
      %swap3A_83 = arith.constant 64 : index
      %swap3A_84 = tpu.vector_load %arg9[%swap3A_82, %swap3A_83] {strides = array<i32>} : memref<80x128xf32, #tpu.memory_space<vmem>>, vector<1x16xf32>,
      %swap3A_85 = vector.shape_cast %swap3A_84 : vector<1x16xf32> to vector<16xf32>
      %swap3A_86 = vector.shape_cast %broadcast_in_dim3A_1 : vector<16xf32> to vector<1x16xf32>
      tpu.vector_store %arg9[%swap3A_82, %swap3A_83], %swap3A_86 {strides = array<i32>} : memref<80x128xf32, #tpu.memory_space<vmem>>, vector<1x16xf32>,
      %swap3A_87 = arith.index_cast %add3A_62 : i32 to index
      %swap3A_88 = arith.constant 80 : index
      %swap3A_89 = tpu.vector_load %arg9[%swap3A_87, %swap3A_88] {strides = array<i32>} : memref<80x128xf32, #tpu.memory_space<vmem>>, vector<1x16xf32>,
      %swap3A_90 = vector.shape_cast %swap3A_89 : vector<1x16xf32> to vector<16xf32>
      %swap3A_91 = vector.shape_cast %broadcast_in_dim3A_1 : vector<16xf32> to vector<1x16xf32>
      tpu.vector_store %arg9[%swap3A_87, %swap3A_88], %swap3A_91 {strides = array<i32>} : memref<80x128xf32, #tpu.memory_space<vmem>>, vector<1x16xf32>,
      %swap3A_92 = arith.index_cast %add3A_62 : i32 to index
      %swap3A_93 = arith.constant 96 : index
      %swap3A_94 = tpu.vector_load %arg9[%swap3A_92, %swap3A_93] {strides = array<i32>} : memref<80x128xf32, #tpu.memory_space<vmem>>, vector<1x16xf32>,
      %swap3A_95 = vector.shape_cast %swap3A_94 : vector<1x16xf32> to vector<16xf32>
      %swap3A_96 = vector.shape_cast %broadcast_in_dim3A_1 : vector<16xf32> to vector<1x16xf32>
      tpu.vector_store %arg9[%swap3A_92, %swap3A_93], %swap3A_96 {strides = array<i32>} : memref<80x128xf32, #tpu.memory_space<vmem>>, vector<1x16xf32>,
      %swap3A_97 = arith.index_cast %add3A_62 : i32 to index
      %swap3A_98 = arith.constant 112 : index
      %swap3A_99 = tpu.vector_load %arg9[%swap3A_97, %swap3A_98] {strides = array<i32>} : memref<80x128xf32, #tpu.memory_space<vmem>>, vector<1x16xf32>,
      %swap3A_100 = vector.shape_cast %swap3A_99 : vector<1x16xf32> to vector<16xf32>
      %swap3A_101 = vector.shape_cast %broadcast_in_dim3A_1 : vector<16xf32> to vector<1x16xf32>
      tpu.vector_store %arg9[%swap3A_97, %swap3A_98], %swap3A_101 {strides = array<i32>} : memref<80x128xf32, #tpu.memory_space<vmem>>, vector<1x16xf32>,
    }
    %scan3A_5 = arith.constant 48 : i32
    %scan3A_6 = arith.constant 0 : i32
    %scan3A_7 = arith.constant 13 : i32
    %scan3A_8 = arith.addi %scan3A_6, %scan3A_7 : i32
    %scan3A_9 = arith.constant 1 : i32
    scf.for %scan3A_58 = %scan3A_6 to %scan3A_8 step %scan3A_9  : i32 {
      %mul3A_59 = arith.constant 1 : i32
      %mul3A_60 = arith.muli %scan3A_58, %mul3A_59 : i32
      %add3A_61 = arith.constant 0 : i32
      %add3A_62 = arith.addi %add3A_61, %mul3A_60 : i32
      %mul3A_63 = arith.constant 48 : i32
      %mul3A_64 = arith.muli %add3A_62, %mul3A_63 : i32
      %add3A_65 = arith.addi %mul3A_0, %mul3A_64 : i32
      "tpu.region"() ({
        %run_scoped3A_66 = tpu.sem_alloc : memref<!tpu.dma_semaphore, #tpu.memory_space<semaphore_mem>>
        %dma_start3A_67 = arith.constant 0 : i32
        %dma_start3A_68 = arith.constant 0 : i32
        %dma_start3A_69 = tpu.memref_slice %arg9[%dma_start3A_67, %dma_start3A_68] : memref<80x128xf32, #tpu.memory_space<vmem>> -> memref<48x128xf32, #tpu.memory_space<vmem>>
        %dma_start3A_70 = arith.constant 0 : i32
        %dma_start3A_71 = tpu.memref_slice %arg6[%add3A_65, %dma_start3A_70] : memref<10000x128xf32, #tpu.memory_space<vmem_shared>> -> memref<48x128xf32, #tpu.memory_space<vmem_shared>>
        %dma_start3A_72 = arith.constant 0 : i32
        %dma_start3A_73 = tpu.memref_slice %arg6[%add3A_65, %dma_start3A_72] : memref<10000x128xf32, #tpu.memory_space<vmem_shared>> -> memref<48x128xf32, #tpu.memory_space<vmem_shared>>
        %dma_start3A_74 = arith.constant 0 : i32
        %dma_start3A_75 = arith.constant 0 : i32
        %dma_start3A_76 = tpu.memref_slice %arg9[%dma_start3A_74, %dma_start3A_75] : memref<80x128xf32, #tpu.memory_space<vmem>> -> memref<48x128xf32, #tpu.memory_space<vmem>>
        tpu.enqueue_dma source(%dma_start3A_76 : memref<48x128xf32, #tpu.memory_space<vmem>>) target(%dma_start3A_73 : memref<48x128xf32, #tpu.memory_space<vmem_shared>>) target_semaphore(%run_scoped3A_66 : memref<!tpu.dma_semaphore, #tpu.memory_space<semaphore_mem>>)
        %dma_wait3A_77 = arith.constant 0 : i32
        %dma_wait3A_78 = arith.constant 0 : i32
        %dma_wait3A_79 = tpu.memref_slice %arg9[%dma_wait3A_77, %dma_wait3A_78] : memref<80x128xf32, #tpu.memory_space<vmem>> -> memref<48x128xf32, #tpu.memory_space<vmem>>
        %dma_wait3A_80 = arith.constant 0 : i32
        %dma_wait3A_81 = tpu.memref_slice %arg6[%add3A_65, %dma_wait3A_80] : memref<10000x128xf32, #tpu.memory_space<vmem_shared>> -> memref<48x128xf32, #tpu.memory_space<vmem_shared>>
        %dma_wait3A_82 = arith.constant 0 : i32
        %dma_wait3A_83 = tpu.memref_slice %arg6[%add3A_65, %dma_wait3A_82] : memref<10000x128xf32, #tpu.memory_space<vmem_shared>> -> memref<48x128xf32, #tpu.memory_space<vmem_shared>>
        %dma_wait3A_84 = arith.constant 0 : i32
        %dma_wait3A_85 = arith.constant 0 : i32
        %dma_wait3A_86 = tpu.memref_slice %arg9[%dma_wait3A_84, %dma_wait3A_85] : memref<80x128xf32, #tpu.memory_space<vmem>> -> memref<48x128xf32, #tpu.memory_space<vmem>>
        tpu.wait_dma2 semaphore(%run_scoped3A_66 : memref<!tpu.dma_semaphore, #tpu.memory_space<semaphore_mem>>) src(%dma_wait3A_86 : memref<48x128xf32, #tpu.memory_space<vmem>>) dst(%dma_wait3A_83 : memref<48x128xf32, #tpu.memory_space<vmem_shared>>)
        tpu.yield
      }) : () -> ()
    }
    %scan3A_10 = arith.constant 13 : i32
    %eq3A = arith.constant 0 : i32
    %eq3A_11 = arith.cmpi eq, %arg1, %eq3A : i32
    %convert_element_type3A = arith.extui %eq3A_11 : i1 to i32
    %cond3A = arith.constant 0 : i32
    %cond3A_12 = arith.cmpi ne, %convert_element_type3A, %cond3A : i32
    scf.if %cond3A_12 {
      "tpu.region"() ({
        %run_scoped3A_58 = tpu.sem_alloc : memref<!tpu.dma_semaphore, #tpu.memory_space<semaphore_mem>>
        %dma_start3A_59 = arith.constant 0 : i32
        %dma_start3A_60 = arith.constant 0 : i32
        %dma_start3A_61 = tpu.memref_slice %arg9[%dma_start3A_59, %dma_start3A_60] : memref<80x128xf32, #tpu.memory_space<vmem>> -> memref<16x128xf32, #tpu.memory_space<vmem>>
        %dma_start3A_62 = arith.constant 9984 : i32
        %dma_start3A_63 = arith.constant 0 : i32
        %dma_start3A_64 = tpu.memref_slice %arg6[%dma_start3A_62, %dma_start3A_63] : memref<10000x128xf32, #tpu.memory_space<vmem_shared>> -> memref<16x128xf32, #tpu.memory_space<vmem_shared>>
        %dma_start3A_65 = arith.constant 9984 : i32
        %dma_start3A_66 = arith.constant 0 : i32
        %dma_start3A_67 = tpu.memref_slice %arg6[%dma_start3A_65, %dma_start3A_66] : memref<10000x128xf32, #tpu.memory_space<vmem_shared>> -> memref<16x128xf32, #tpu.memory_space<vmem_shared>>
        %dma_start3A_68 = arith.constant 0 : i32
        %dma_start3A_69 = arith.constant 0 : i32
        %dma_start3A_70 = tpu.memref_slice %arg9[%dma_start3A_68, %dma_start3A_69] : memref<80x128xf32, #tpu.memory_space<vmem>> -> memref<16x128xf32, #tpu.memory_space<vmem>>
        tpu.enqueue_dma source(%dma_start3A_70 : memref<16x128xf32, #tpu.memory_space<vmem>>) target(%dma_start3A_67 : memref<16x128xf32, #tpu.memory_space<vmem_shared>>) target_semaphore(%run_scoped3A_58 : memref<!tpu.dma_semaphore, #tpu.memory_space<semaphore_mem>>)
        %dma_wait3A_71 = arith.constant 0 : i32
        %dma_wait3A_72 = arith.constant 0 : i32
        %dma_wait3A_73 = tpu.memref_slice %arg9[%dma_wait3A_71, %dma_wait3A_72] : memref<80x128xf32, #tpu.memory_space<vmem>> -> memref<16x128xf32, #tpu.memory_space<vmem>>
        %dma_wait3A_74 = arith.constant 9984 : i32
        %dma_wait3A_75 = arith.constant 0 : i32
        %dma_wait3A_76 = tpu.memref_slice %arg6[%dma_wait3A_74, %dma_wait3A_75] : memref<10000x128xf32, #tpu.memory_space<vmem_shared>> -> memref<16x128xf32, #tpu.memory_space<vmem_shared>>
        %dma_wait3A_77 = arith.constant 9984 : i32
        %dma_wait3A_78 = arith.constant 0 : i32
        %dma_wait3A_79 = tpu.memref_slice %arg6[%dma_wait3A_77, %dma_wait3A_78] : memref<10000x128xf32, #tpu.memory_space<vmem_shared>> -> memref<16x128xf32, #tpu.memory_space<vmem_shared>>
        %dma_wait3A_80 = arith.constant 0 : i32
        %dma_wait3A_81 = arith.constant 0 : i32
        %dma_wait3A_82 = tpu.memref_slice %arg9[%dma_wait3A_80, %dma_wait3A_81] : memref<80x128xf32, #tpu.memory_space<vmem>> -> memref<16x128xf32, #tpu.memory_space<vmem>>
        tpu.wait_dma2 semaphore(%run_scoped3A_58 : memref<!tpu.dma_semaphore, #tpu.memory_space<semaphore_mem>>) src(%dma_wait3A_82 : memref<16x128xf32, #tpu.memory_space<vmem>>) dst(%dma_wait3A_79 : memref<16x128xf32, #tpu.memory_space<vmem_shared>>)
        tpu.yield
      }) : () -> ()
    } else {
    }
    %barrier3A = arith.constant 0 : index
    tpu.barrier barrier_id(%barrier3A)
    "tpu.region"() ({
      %run_scoped3A_58 = tpu.sem_alloc : memref<!tpu.dma_semaphore, #tpu.memory_space<semaphore_mem>>
      %dma_start3A_59 = arith.constant 0 : i32
      %dma_start3A_60 = arith.constant 0 : i32
      %dma_start3A_61 = tpu.memref_slice %arg7[%dma_start3A_59, %dma_start3A_60] : memref<64x80xi32, #tpu.memory_space<vmem>> -> memref<64x80xi32, #tpu.memory_space<vmem>>
      %dma_start3A_62 = arith.constant 0 : i32
      %dma_start3A_63 = arith.constant 0 : i32
      %dma_start3A_64 = tpu.memref_slice %arg3[%arg0, %arg1, %dma_start3A_62, %dma_start3A_63] : memref<2x16x125x80xi32, #tpu.memory_space<hbm>> -> memref<1x1x64x80xi32, #tpu.memory_space<hbm>>
      %dma_start3A_65 = tpu.memref_squeeze %dma_start3A_64 : memref<1x1x64x80xi32, #tpu.memory_space<hbm>> -> memref<64x80xi32, #tpu.memory_space<hbm>>
      %dma_start3A_66 = arith.constant 0 : i32
      %dma_start3A_67 = arith.constant 0 : i32
      %dma_start3A_68 = tpu.memref_slice %arg7[%dma_start3A_66, %dma_start3A_67] : memref<64x80xi32, #tpu.memory_space<vmem>> -> memref<64x80xi32, #tpu.memory_space<vmem>>
      %dma_start3A_69 = arith.constant 0 : i32
      %dma_start3A_70 = arith.constant 0 : i32
      %dma_start3A_71 = tpu.memref_slice %arg3[%arg0, %arg1, %dma_start3A_69, %dma_start3A_70] : memref<2x16x125x80xi32, #tpu.memory_space<hbm>> -> memref<1x1x64x80xi32, #tpu.memory_space<hbm>>
      %dma_start3A_72 = tpu.memref_squeeze %dma_start3A_71 : memref<1x1x64x80xi32, #tpu.memory_space<hbm>> -> memref<64x80xi32, #tpu.memory_space<hbm>>
      tpu.enqueue_dma source(%dma_start3A_72 : memref<64x80xi32, #tpu.memory_space<hbm>>) target(%dma_start3A_68 : memref<64x80xi32, #tpu.memory_space<vmem>>) target_semaphore(%run_scoped3A_58 : memref<!tpu.dma_semaphore, #tpu.memory_space<semaphore_mem>>)
      %dma_wait3A_73 = arith.constant 0 : i32
      %dma_wait3A_74 = arith.constant 0 : i32
      %dma_wait3A_75 = tpu.memref_slice %arg7[%dma_wait3A_73, %dma_wait3A_74] : memref<64x80xi32, #tpu.memory_space<vmem>> -> memref<64x80xi32, #tpu.memory_space<vmem>>
      %dma_wait3A_76 = arith.constant 0 : i32
      %dma_wait3A_77 = arith.constant 0 : i32
      %dma_wait3A_78 = tpu.memref_slice %arg3[%arg0, %arg1, %dma_wait3A_76, %dma_wait3A_77] : memref<2x16x125x80xi32, #tpu.memory_space<hbm>> -> memref<1x1x64x80xi32, #tpu.memory_space<hbm>>
      %dma_wait3A_79 = tpu.memref_squeeze %dma_wait3A_78 : memref<1x1x64x80xi32, #tpu.memory_space<hbm>> -> memref<64x80xi32, #tpu.memory_space<hbm>>
      %dma_wait3A_80 = arith.constant 0 : i32
      %dma_wait3A_81 = arith.constant 0 : i32
      %dma_wait3A_82 = tpu.memref_slice %arg7[%dma_wait3A_80, %dma_wait3A_81] : memref<64x80xi32, #tpu.memory_space<vmem>> -> memref<64x80xi32, #tpu.memory_space<vmem>>
      %dma_wait3A_83 = arith.constant 0 : i32
      %dma_wait3A_84 = arith.constant 0 : i32
      %dma_wait3A_85 = tpu.memref_slice %arg3[%arg0, %arg1, %dma_wait3A_83, %dma_wait3A_84] : memref<2x16x125x80xi32, #tpu.memory_space<hbm>> -> memref<1x1x64x80xi32, #tpu.memory_space<hbm>>
      %dma_wait3A_86 = tpu.memref_squeeze %dma_wait3A_85 : memref<1x1x64x80xi32, #tpu.memory_space<hbm>> -> memref<64x80xi32, #tpu.memory_space<hbm>>
      tpu.wait_dma2 semaphore(%run_scoped3A_58 : memref<!tpu.dma_semaphore, #tpu.memory_space<semaphore_mem>>) src(%dma_wait3A_86 : memref<64x80xi32, #tpu.memory_space<hbm>>) dst(%dma_wait3A_82 : memref<64x80xi32, #tpu.memory_space<vmem>>)
      tpu.yield
    }) : () -> ()
    "tpu.region"() ({
      %run_scoped3A_58 = tpu.sem_alloc : memref<!tpu.dma_semaphore, #tpu.memory_space<semaphore_mem>>
      %dma_start3A_59 = arith.constant 0 : i32
      %dma_start3A_60 = arith.constant 0 : i32
      %dma_start3A_61 = tpu.memref_slice %arg8[%dma_start3A_59, %dma_start3A_60] : memref<64x80xi32, #tpu.memory_space<vmem>> -> memref<64x80xi32, #tpu.memory_space<vmem>>
      %dma_start3A_62 = arith.constant 0 : i32
      %dma_start3A_63 = arith.constant 0 : i32
      %dma_start3A_64 = tpu.memref_slice %arg4[%arg1, %dma_start3A_62, %dma_start3A_63] : memref<16x125x80xi32, #tpu.memory_space<hbm>> -> memref<1x64x80xi32, #tpu.memory_space<hbm>>
      %dma_start3A_65 = tpu.memref_squeeze %dma_start3A_64 : memref<1x64x80xi32, #tpu.memory_space<hbm>> -> memref<64x80xi32, #tpu.memory_space<hbm>>
      %dma_start3A_66 = arith.constant 0 : i32
      %dma_start3A_67 = arith.constant 0 : i32
      %dma_start3A_68 = tpu.memref_slice %arg8[%dma_start3A_66, %dma_start3A_67] : memref<64x80xi32, #tpu.memory_space<vmem>> -> memref<64x80xi32, #tpu.memory_space<vmem>>
      %dma_start3A_69 = arith.constant 0 : i32
      %dma_start3A_70 = arith.constant 0 : i32
      %dma_start3A_71 = tpu.memref_slice %arg4[%arg1, %dma_start3A_69, %dma_start3A_70] : memref<16x125x80xi32, #tpu.memory_space<hbm>> -> memref<1x64x80xi32, #tpu.memory_space<hbm>>
      %dma_start3A_72 = tpu.memref_squeeze %dma_start3A_71 : memref<1x64x80xi32, #tpu.memory_space<hbm>> -> memref<64x80xi32, #tpu.memory_space<hbm>>
      tpu.enqueue_dma source(%dma_start3A_72 : memref<64x80xi32, #tpu.memory_space<hbm>>) target(%dma_start3A_68 : memref<64x80xi32, #tpu.memory_space<vmem>>) target_semaphore(%run_scoped3A_58 : memref<!tpu.dma_semaphore, #tpu.memory_space<semaphore_mem>>)
      %dma_wait3A_73 = arith.constant 0 : i32
      %dma_wait3A_74 = arith.constant 0 : i32
      %dma_wait3A_75 = tpu.memref_slice %arg8[%dma_wait3A_73, %dma_wait3A_74] : memref<64x80xi32, #tpu.memory_space<vmem>> -> memref<64x80xi32, #tpu.memory_space<vmem>>
      %dma_wait3A_76 = arith.constant 0 : i32
      %dma_wait3A_77 = arith.constant 0 : i32
      %dma_wait3A_78 = tpu.memref_slice %arg4[%arg1, %dma_wait3A_76, %dma_wait3A_77] : memref<16x125x80xi32, #tpu.memory_space<hbm>> -> memref<1x64x80xi32, #tpu.memory_space<hbm>>
      %dma_wait3A_79 = tpu.memref_squeeze %dma_wait3A_78 : memref<1x64x80xi32, #tpu.memory_space<hbm>> -> memref<64x80xi32, #tpu.memory_space<hbm>>
      %dma_wait3A_80 = arith.constant 0 : i32
      %dma_wait3A_81 = arith.constant 0 : i32
      %dma_wait3A_82 = tpu.memref_slice %arg8[%dma_wait3A_80, %dma_wait3A_81] : memref<64x80xi32, #tpu.memory_space<vmem>> -> memref<64x80xi32, #tpu.memory_space<vmem>>
      %dma_wait3A_83 = arith.constant 0 : i32
      %dma_wait3A_84 = arith.constant 0 : i32
      %dma_wait3A_85 = tpu.memref_slice %arg4[%arg1, %dma_wait3A_83, %dma_wait3A_84] : memref<16x125x80xi32, #tpu.memory_space<hbm>> -> memref<1x64x80xi32, #tpu.memory_space<hbm>>
      %dma_wait3A_86 = tpu.memref_squeeze %dma_wait3A_85 : memref<1x64x80xi32, #tpu.memory_space<hbm>> -> memref<64x80xi32, #tpu.memory_space<hbm>>
      tpu.wait_dma2 semaphore(%run_scoped3A_58 : memref<!tpu.dma_semaphore, #tpu.memory_space<semaphore_mem>>) src(%dma_wait3A_86 : memref<64x80xi32, #tpu.memory_space<hbm>>) dst(%dma_wait3A_82 : memref<64x80xi32, #tpu.memory_space<vmem>>)
      tpu.yield
    }) : () -> ()
    %scan3A_13 = arith.constant 0 : i32
    %scan3A_14 = arith.constant 21 : i32
    %scan3A_15 = arith.addi %scan3A_13, %scan3A_14 : i32
    %scan3A_16 = arith.constant 1 : i32
    scf.for %scan3A_58 = %scan3A_13 to %scan3A_15 step %scan3A_16  : i32 {
      %mul3A_59 = arith.constant 3 : i32
      %mul3A_60 = arith.muli %scan3A_58, %mul3A_59 : i32
      %add3A_61 = arith.constant 0 : i32
      %add3A_62 = arith.addi %add3A_61, %mul3A_60 : i32
      %dma_start3A_63 = arith.constant 0 : i32
      %dma_start3A_64 = tpu.memref_slice %arg7[%add3A_62, %dma_start3A_63] : memref<64x80xi32, #tpu.memory_space<vmem>> -> memref<1x80xi32, #tpu.memory_space<vmem>>
      %dma_start3A_65 = tpu.memref_squeeze %dma_start3A_64 : memref<1x80xi32, #tpu.memory_space<vmem>> -> memref<80xi32, #tpu.memory_space<vmem>>
      %dma_start3A_66 = arith.constant 0 : i32
      %dma_start3A_67 = arith.constant 0 : i32
      %dma_start3A_68 = tpu.memref_slice %arg2[%dma_start3A_66, %dma_start3A_67] : memref<20000x128xf32, #tpu.memory_space<hbm>> -> memref<20000x128xf32, #tpu.memory_space<hbm>>
      tpu.enqueue_indirect_dma source(%dma_start3A_68 : memref<20000x128xf32, #tpu.memory_space<hbm>>) target(%arg9 : memref<80x128xf32, #tpu.memory_space<vmem>>) offsets(%dma_start3A_65 : memref<80xi32, #tpu.memory_space<vmem>>) semaphore(%arg12 : memref<!tpu.dma_semaphore, #tpu.memory_space<semaphore_mem>>)
      %add3A_69 = arith.constant 1 : i32
      %add3A_70 = arith.addi %add3A_62, %add3A_69 : i32
      %dma_start3A_71 = arith.constant 0 : i32
      %dma_start3A_72 = tpu.memref_slice %arg7[%add3A_70, %dma_start3A_71] : memref<64x80xi32, #tpu.memory_space<vmem>> -> memref<1x80xi32, #tpu.memory_space<vmem>>
      %dma_start3A_73 = tpu.memref_squeeze %dma_start3A_72 : memref<1x80xi32, #tpu.memory_space<vmem>> -> memref<80xi32, #tpu.memory_space<vmem>>
      %dma_start3A_74 = arith.constant 0 : i32
      %dma_start3A_75 = arith.constant 0 : i32
      %dma_start3A_76 = tpu.memref_slice %arg2[%dma_start3A_74, %dma_start3A_75] : memref<20000x128xf32, #tpu.memory_space<hbm>> -> memref<20000x128xf32, #tpu.memory_space<hbm>>
      tpu.enqueue_indirect_dma source(%dma_start3A_76 : memref<20000x128xf32, #tpu.memory_space<hbm>>) target(%arg10 : memref<80x128xf32, #tpu.memory_space<vmem>>) offsets(%dma_start3A_73 : memref<80xi32, #tpu.memory_space<vmem>>) semaphore(%arg13 : memref<!tpu.dma_semaphore, #tpu.memory_space<semaphore_mem>>)
      %add3A_77 = arith.constant 2 : i32
      %add3A_78 = arith.addi %add3A_62, %add3A_77 : i32
      %dma_start3A_79 = arith.constant 0 : i32
      %dma_start3A_80 = tpu.memref_slice %arg7[%add3A_78, %dma_start3A_79] : memref<64x80xi32, #tpu.memory_space<vmem>> -> memref<1x80xi32, #tpu.memory_space<vmem>>
      %dma_start3A_81 = tpu.memref_squeeze %dma_start3A_80 : memref<1x80xi32, #tpu.memory_space<vmem>> -> memref<80xi32, #tpu.memory_space<vmem>>
      %dma_start3A_82 = arith.constant 0 : i32
      %dma_start3A_83 = arith.constant 0 : i32
      %dma_start3A_84 = tpu.memref_slice %arg2[%dma_start3A_82, %dma_start3A_83] : memref<20000x128xf32, #tpu.memory_space<hbm>> -> memref<20000x128xf32, #tpu.memory_space<hbm>>
      tpu.enqueue_indirect_dma source(%dma_start3A_84 : memref<20000x128xf32, #tpu.memory_space<hbm>>) target(%arg11 : memref<80x128xf32, #tpu.memory_space<vmem>>) offsets(%dma_start3A_81 : memref<80xi32, #tpu.memory_space<vmem>>) semaphore(%arg14 : memref<!tpu.dma_semaphore, #tpu.memory_space<semaphore_mem>>)
      %dma_wait3A_85 = arith.constant 0 : i32
      %dma_wait3A_86 = tpu.memref_slice %arg7[%add3A_62, %dma_wait3A_85] : memref<64x80xi32, #tpu.memory_space<vmem>> -> memref<1x80xi32, #tpu.memory_space<vmem>>
      %dma_wait3A_87 = tpu.memref_squeeze %dma_wait3A_86 : memref<1x80xi32, #tpu.memory_space<vmem>> -> memref<80xi32, #tpu.memory_space<vmem>>
      %dma_wait3A_88 = arith.constant 0 : i32
      %dma_wait3A_89 = arith.constant 0 : i32
      %dma_wait3A_90 = tpu.memref_slice %arg2[%dma_wait3A_88, %dma_wait3A_89] : memref<20000x128xf32, #tpu.memory_space<hbm>> -> memref<20000x128xf32, #tpu.memory_space<hbm>>
      tpu.wait_indirect_dma semaphore(%arg12 : memref<!tpu.dma_semaphore, #tpu.memory_space<semaphore_mem>>) src(%dma_wait3A_90 : memref<20000x128xf32, #tpu.memory_space<hbm>>) dst(%arg9 : memref<80x128xf32, #tpu.memory_space<vmem>>)
      "tpu.region"() ({
        %run_scoped3A_107 = tpu.sem_alloc : memref<!tpu.dma_semaphore, #tpu.memory_space<semaphore_mem>>
        %dma_start3A_108 = arith.constant 0 : i32
        %dma_start3A_109 = tpu.memref_slice %arg8[%add3A_62, %dma_start3A_108] : memref<64x80xi32, #tpu.memory_space<vmem>> -> memref<1x80xi32, #tpu.memory_space<vmem>>
        %dma_start3A_110 = tpu.memref_squeeze %dma_start3A_109 : memref<1x80xi32, #tpu.memory_space<vmem>> -> memref<80xi32, #tpu.memory_space<vmem>>
        %dma_start3A_111 = arith.constant 0 : i32
        %dma_start3A_112 = arith.constant 0 : i32
        %dma_start3A_113 = tpu.memref_slice %arg6[%dma_start3A_111, %dma_start3A_112] : memref<10000x128xf32, #tpu.memory_space<vmem_shared>> -> memref<10000x128xf32, #tpu.memory_space<vmem_shared>>
        tpu.enqueue_indirect_dma source(%arg9 : memref<80x128xf32, #tpu.memory_space<vmem>>) target(%dma_start3A_113 : memref<10000x128xf32, #tpu.memory_space<vmem_shared>>) offsets(%dma_start3A_110 : memref<80xi32, #tpu.memory_space<vmem>>) semaphore(%run_scoped3A_107 : memref<!tpu.dma_semaphore, #tpu.memory_space<semaphore_mem>>) {add = true}
        %dma_wait3A_114 = arith.constant 0 : i32
        %dma_wait3A_115 = tpu.memref_slice %arg8[%add3A_62, %dma_wait3A_114] : memref<64x80xi32, #tpu.memory_space<vmem>> -> memref<1x80xi32, #tpu.memory_space<vmem>>
        %dma_wait3A_116 = tpu.memref_squeeze %dma_wait3A_115 : memref<1x80xi32, #tpu.memory_space<vmem>> -> memref<80xi32, #tpu.memory_space<vmem>>
        %dma_wait3A_117 = arith.constant 0 : i32
        %dma_wait3A_118 = arith.constant 0 : i32
        %dma_wait3A_119 = tpu.memref_slice %arg6[%dma_wait3A_117, %dma_wait3A_118] : memref<10000x128xf32, #tpu.memory_space<vmem_shared>> -> memref<10000x128xf32, #tpu.memory_space<vmem_shared>>
        tpu.wait_indirect_dma semaphore(%run_scoped3A_107 : memref<!tpu.dma_semaphore, #tpu.memory_space<semaphore_mem>>) src(%arg9 : memref<80x128xf32, #tpu.memory_space<vmem>>) dst(%dma_wait3A_119 : memref<10000x128xf32, #tpu.memory_space<vmem_shared>>)
        tpu.yield
      }) : () -> ()
      %dma_wait3A_91 = arith.constant 0 : i32
      %dma_wait3A_92 = tpu.memref_slice %arg7[%add3A_70, %dma_wait3A_91] : memref<64x80xi32, #tpu.memory_space<vmem>> -> memref<1x80xi32, #tpu.memory_space<vmem>>
      %dma_wait3A_93 = tpu.memref_squeeze %dma_wait3A_92 : memref<1x80xi32, #tpu.memory_space<vmem>> -> memref<80xi32, #tpu.memory_space<vmem>>
      %dma_wait3A_94 = arith.constant 0 : i32
      %dma_wait3A_95 = arith.constant 0 : i32
      %dma_wait3A_96 = tpu.memref_slice %arg2[%dma_wait3A_94, %dma_wait3A_95] : memref<20000x128xf32, #tpu.memory_space<hbm>> -> memref<20000x128xf32, #tpu.memory_space<hbm>>
      tpu.wait_indirect_dma semaphore(%arg13 : memref<!tpu.dma_semaphore, #tpu.memory_space<semaphore_mem>>) src(%dma_wait3A_96 : memref<20000x128xf32, #tpu.memory_space<hbm>>) dst(%arg10 : memref<80x128xf32, #tpu.memory_space<vmem>>)
      %add3A_97 = arith.constant 1 : i32
      %add3A_98 = arith.addi %add3A_62, %add3A_97 : i32
      "tpu.region"() ({
        %run_scoped3A_107 = tpu.sem_alloc : memref<!tpu.dma_semaphore, #tpu.memory_space<semaphore_mem>>
        %dma_start3A_108 = arith.constant 0 : i32
        %dma_start3A_109 = tpu.memref_slice %arg8[%add3A_98, %dma_start3A_108] : memref<64x80xi32, #tpu.memory_space<vmem>> -> memref<1x80xi32, #tpu.memory_space<vmem>>
        %dma_start3A_110 = tpu.memref_squeeze %dma_start3A_109 : memref<1x80xi32, #tpu.memory_space<vmem>> -> memref<80xi32, #tpu.memory_space<vmem>>
        %dma_start3A_111 = arith.constant 0 : i32
        %dma_start3A_112 = arith.constant 0 : i32
        %dma_start3A_113 = tpu.memref_slice %arg6[%dma_start3A_111, %dma_start3A_112] : memref<10000x128xf32, #tpu.memory_space<vmem_shared>> -> memref<10000x128xf32, #tpu.memory_space<vmem_shared>>
        tpu.enqueue_indirect_dma source(%arg10 : memref<80x128xf32, #tpu.memory_space<vmem>>) target(%dma_start3A_113 : memref<10000x128xf32, #tpu.memory_space<vmem_shared>>) offsets(%dma_start3A_110 : memref<80xi32, #tpu.memory_space<vmem>>) semaphore(%run_scoped3A_107 : memref<!tpu.dma_semaphore, #tpu.memory_space<semaphore_mem>>) {add = true}
        %dma_wait3A_114 = arith.constant 0 : i32
        %dma_wait3A_115 = tpu.memref_slice %arg8[%add3A_98, %dma_wait3A_114] : memref<64x80xi32, #tpu.memory_space<vmem>> -> memref<1x80xi32, #tpu.memory_space<vmem>>
        %dma_wait3A_116 = tpu.memref_squeeze %dma_wait3A_115 : memref<1x80xi32, #tpu.memory_space<vmem>> -> memref<80xi32, #tpu.memory_space<vmem>>
        %dma_wait3A_117 = arith.constant 0 : i32
        %dma_wait3A_118 = arith.constant 0 : i32
        %dma_wait3A_119 = tpu.memref_slice %arg6[%dma_wait3A_117, %dma_wait3A_118] : memref<10000x128xf32, #tpu.memory_space<vmem_shared>> -> memref<10000x128xf32, #tpu.memory_space<vmem_shared>>
        tpu.wait_indirect_dma semaphore(%run_scoped3A_107 : memref<!tpu.dma_semaphore, #tpu.memory_space<semaphore_mem>>) src(%arg10 : memref<80x128xf32, #tpu.memory_space<vmem>>) dst(%dma_wait3A_119 : memref<10000x128xf32, #tpu.memory_space<vmem_shared>>)
        tpu.yield
      }) : () -> ()
      %dma_wait3A_99 = arith.constant 0 : i32
      %dma_wait3A_100 = tpu.memref_slice %arg7[%add3A_78, %dma_wait3A_99] : memref<64x80xi32, #tpu.memory_space<vmem>> -> memref<1x80xi32, #tpu.memory_space<vmem>>
      %dma_wait3A_101 = tpu.memref_squeeze %dma_wait3A_100 : memref<1x80xi32, #tpu.memory_space<vmem>> -> memref<80xi32, #tpu.memory_space<vmem>>
      %dma_wait3A_102 = arith.constant 0 : i32
      %dma_wait3A_103 = arith.constant 0 : i32
      %dma_wait3A_104 = tpu.memref_slice %arg2[%dma_wait3A_102, %dma_wait3A_103] : memref<20000x128xf32, #tpu.memory_space<hbm>> -> memref<20000x128xf32, #tpu.memory_space<hbm>>
      tpu.wait_indirect_dma semaphore(%arg14 : memref<!tpu.dma_semaphore, #tpu.memory_space<semaphore_mem>>) src(%dma_wait3A_104 : memref<20000x128xf32, #tpu.memory_space<hbm>>) dst(%arg11 : memref<80x128xf32, #tpu.memory_space<vmem>>)
      %add3A_105 = arith.constant 2 : i32
      %add3A_106 = arith.addi %add3A_62, %add3A_105 : i32
      "tpu.region"() ({
        %run_scoped3A_107 = tpu.sem_alloc : memref<!tpu.dma_semaphore, #tpu.memory_space<semaphore_mem>>
        %dma_start3A_108 = arith.constant 0 : i32
        %dma_start3A_109 = tpu.memref_slice %arg8[%add3A_106, %dma_start3A_108] : memref<64x80xi32, #tpu.memory_space<vmem>> -> memref<1x80xi32, #tpu.memory_space<vmem>>
        %dma_start3A_110 = tpu.memref_squeeze %dma_start3A_109 : memref<1x80xi32, #tpu.memory_space<vmem>> -> memref<80xi32, #tpu.memory_space<vmem>>
        %dma_start3A_111 = arith.constant 0 : i32
        %dma_start3A_112 = arith.constant 0 : i32
        %dma_start3A_113 = tpu.memref_slice %arg6[%dma_start3A_111, %dma_start3A_112] : memref<10000x128xf32, #tpu.memory_space<vmem_shared>> -> memref<10000x128xf32, #tpu.memory_space<vmem_shared>>
        tpu.enqueue_indirect_dma source(%arg11 : memref<80x128xf32, #tpu.memory_space<vmem>>) target(%dma_start3A_113 : memref<10000x128xf32, #tpu.memory_space<vmem_shared>>) offsets(%dma_start3A_110 : memref<80xi32, #tpu.memory_space<vmem>>) semaphore(%run_scoped3A_107 : memref<!tpu.dma_semaphore, #tpu.memory_space<semaphore_mem>>) {add = true}
        %dma_wait3A_114 = arith.constant 0 : i32
        %dma_wait3A_115 = tpu.memref_slice %arg8[%add3A_106, %dma_wait3A_114] : memref<64x80xi32, #tpu.memory_space<vmem>> -> memref<1x80xi32, #tpu.memory_space<vmem>>
        %dma_wait3A_116 = tpu.memref_squeeze %dma_wait3A_115 : memref<1x80xi32, #tpu.memory_space<vmem>> -> memref<80xi32, #tpu.memory_space<vmem>>
        %dma_wait3A_117 = arith.constant 0 : i32
        %dma_wait3A_118 = arith.constant 0 : i32
        %dma_wait3A_119 = tpu.memref_slice %arg6[%dma_wait3A_117, %dma_wait3A_118] : memref<10000x128xf32, #tpu.memory_space<vmem_shared>> -> memref<10000x128xf32, #tpu.memory_space<vmem_shared>>
        tpu.wait_indirect_dma semaphore(%run_scoped3A_107 : memref<!tpu.dma_semaphore, #tpu.memory_space<semaphore_mem>>) src(%arg11 : memref<80x128xf32, #tpu.memory_space<vmem>>) dst(%dma_wait3A_119 : memref<10000x128xf32, #tpu.memory_space<vmem_shared>>)
        tpu.yield
      }) : () -> ()
    }
    %scan3A_17 = arith.constant 21 : i32
    %dma_start3A = arith.constant 63 : i32
    %dma_start3A_18 = arith.constant 0 : i32
    %dma_start3A_19 = tpu.memref_slice %arg7[%dma_start3A, %dma_start3A_18] : memref<64x80xi32, #tpu.memory_space<vmem>> -> memref<1x80xi32, #tpu.memory_space<vmem>>
    %dma_start3A_20 = tpu.memref_squeeze %dma_start3A_19 : memref<1x80xi32, #tpu.memory_space<vmem>> -> memref<80xi32, #tpu.memory_space<vmem>>
    %dma_start3A_21 = arith.constant 0 : i32
    %dma_start3A_22 = arith.constant 0 : i32
    %dma_start3A_23 = tpu.memref_slice %arg2[%dma_start3A_21, %dma_start3A_22] : memref<20000x128xf32, #tpu.memory_space<hbm>> -> memref<20000x128xf32, #tpu.memory_space<hbm>>
    tpu.enqueue_indirect_dma source(%dma_start3A_23 : memref<20000x128xf32, #tpu.memory_space<hbm>>) target(%arg9 : memref<80x128xf32, #tpu.memory_space<vmem>>) offsets(%dma_start3A_20 : memref<80xi32, #tpu.memory_space<vmem>>) semaphore(%arg12 : memref<!tpu.dma_semaphore, #tpu.memory_space<semaphore_mem>>)
    %dma_wait3A = arith.constant 63 : i32
    %dma_wait3A_24 = arith.constant 0 : i32
    %dma_wait3A_25 = tpu.memref_slice %arg7[%dma_wait3A, %dma_wait3A_24] : memref<64x80xi32, #tpu.memory_space<vmem>> -> memref<1x80xi32, #tpu.memory_space<vmem>>
    %dma_wait3A_26 = tpu.memref_squeeze %dma_wait3A_25 : memref<1x80xi32, #tpu.memory_space<vmem>> -> memref<80xi32, #tpu.memory_space<vmem>>
    %dma_wait3A_27 = arith.constant 0 : i32
    %dma_wait3A_28 = arith.constant 0 : i32
    %dma_wait3A_29 = tpu.memref_slice %arg2[%dma_wait3A_27, %dma_wait3A_28] : memref<20000x128xf32, #tpu.memory_space<hbm>> -> memref<20000x128xf32, #tpu.memory_space<hbm>>
    tpu.wait_indirect_dma semaphore(%arg12 : memref<!tpu.dma_semaphore, #tpu.memory_space<semaphore_mem>>) src(%dma_wait3A_29 : memref<20000x128xf32, #tpu.memory_space<hbm>>) dst(%arg9 : memref<80x128xf32, #tpu.memory_space<vmem>>)
    %run_scoped3A = arith.constant 63 : i32
    "tpu.region"() ({
      %run_scoped3A_58 = tpu.sem_alloc : memref<!tpu.dma_semaphore, #tpu.memory_space<semaphore_mem>>
      %dma_start3A_59 = arith.constant 0 : i32
      %dma_start3A_60 = tpu.memref_slice %arg8[%run_scoped3A, %dma_start3A_59] : memref<64x80xi32, #tpu.memory_space<vmem>> -> memref<1x80xi32, #tpu.memory_space<vmem>>
      %dma_start3A_61 = tpu.memref_squeeze %dma_start3A_60 : memref<1x80xi32, #tpu.memory_space<vmem>> -> memref<80xi32, #tpu.memory_space<vmem>>
      %dma_start3A_62 = arith.constant 0 : i32
      %dma_start3A_63 = arith.constant 0 : i32
      %dma_start3A_64 = tpu.memref_slice %arg6[%dma_start3A_62, %dma_start3A_63] : memref<10000x128xf32, #tpu.memory_space<vmem_shared>> -> memref<10000x128xf32, #tpu.memory_space<vmem_shared>>
      tpu.enqueue_indirect_dma source(%arg9 : memref<80x128xf32, #tpu.memory_space<vmem>>) target(%dma_start3A_64 : memref<10000x128xf32, #tpu.memory_space<vmem_shared>>) offsets(%dma_start3A_61 : memref<80xi32, #tpu.memory_space<vmem>>) semaphore(%run_scoped3A_58 : memref<!tpu.dma_semaphore, #tpu.memory_space<semaphore_mem>>) {add = true}
      %dma_wait3A_65 = arith.constant 0 : i32
      %dma_wait3A_66 = tpu.memref_slice %arg8[%run_scoped3A, %dma_wait3A_65] : memref<64x80xi32, #tpu.memory_space<vmem>> -> memref<1x80xi32, #tpu.memory_space<vmem>>
      %dma_wait3A_67 = tpu.memref_squeeze %dma_wait3A_66 : memref<1x80xi32, #tpu.memory_space<vmem>> -> memref<80xi32, #tpu.memory_space<vmem>>
      %dma_wait3A_68 = arith.constant 0 : i32
      %dma_wait3A_69 = arith.constant 0 : i32
      %dma_wait3A_70 = tpu.memref_slice %arg6[%dma_wait3A_68, %dma_wait3A_69] : memref<10000x128xf32, #tpu.memory_space<vmem_shared>> -> memref<10000x128xf32, #tpu.memory_space<vmem_shared>>
      tpu.wait_indirect_dma semaphore(%run_scoped3A_58 : memref<!tpu.dma_semaphore, #tpu.memory_space<semaphore_mem>>) src(%arg9 : memref<80x128xf32, #tpu.memory_space<vmem>>) dst(%dma_wait3A_70 : memref<10000x128xf32, #tpu.memory_space<vmem_shared>>)
      tpu.yield
    }) : () -> ()
    "tpu.region"() ({
      %run_scoped3A_58 = tpu.sem_alloc : memref<!tpu.dma_semaphore, #tpu.memory_space<semaphore_mem>>
      %dma_start3A_59 = arith.constant 0 : i32
      %dma_start3A_60 = arith.constant 0 : i32
      %dma_start3A_61 = tpu.memref_slice %arg7[%dma_start3A_59, %dma_start3A_60] : memref<64x80xi32, #tpu.memory_space<vmem>> -> memref<61x80xi32, #tpu.memory_space<vmem>>
      %dma_start3A_62 = arith.constant 64 : i32
      %dma_start3A_63 = arith.constant 0 : i32
      %dma_start3A_64 = tpu.memref_slice %arg3[%arg0, %arg1, %dma_start3A_62, %dma_start3A_63] : memref<2x16x125x80xi32, #tpu.memory_space<hbm>> -> memref<1x1x61x80xi32, #tpu.memory_space<hbm>>
      %dma_start3A_65 = tpu.memref_squeeze %dma_start3A_64 : memref<1x1x61x80xi32, #tpu.memory_space<hbm>> -> memref<61x80xi32, #tpu.memory_space<hbm>>
      %dma_start3A_66 = arith.constant 0 : i32
      %dma_start3A_67 = arith.constant 0 : i32
      %dma_start3A_68 = tpu.memref_slice %arg7[%dma_start3A_66, %dma_start3A_67] : memref<64x80xi32, #tpu.memory_space<vmem>> -> memref<61x80xi32, #tpu.memory_space<vmem>>
      %dma_start3A_69 = arith.constant 64 : i32
      %dma_start3A_70 = arith.constant 0 : i32
      %dma_start3A_71 = tpu.memref_slice %arg3[%arg0, %arg1, %dma_start3A_69, %dma_start3A_70] : memref<2x16x125x80xi32, #tpu.memory_space<hbm>> -> memref<1x1x61x80xi32, #tpu.memory_space<hbm>>
      %dma_start3A_72 = tpu.memref_squeeze %dma_start3A_71 : memref<1x1x61x80xi32, #tpu.memory_space<hbm>> -> memref<61x80xi32, #tpu.memory_space<hbm>>
      tpu.enqueue_dma source(%dma_start3A_72 : memref<61x80xi32, #tpu.memory_space<hbm>>) target(%dma_start3A_68 : memref<61x80xi32, #tpu.memory_space<vmem>>) target_semaphore(%run_scoped3A_58 : memref<!tpu.dma_semaphore, #tpu.memory_space<semaphore_mem>>)
      %dma_wait3A_73 = arith.constant 0 : i32
      %dma_wait3A_74 = arith.constant 0 : i32
      %dma_wait3A_75 = tpu.memref_slice %arg7[%dma_wait3A_73, %dma_wait3A_74] : memref<64x80xi32, #tpu.memory_space<vmem>> -> memref<61x80xi32, #tpu.memory_space<vmem>>
      %dma_wait3A_76 = arith.constant 64 : i32
      %dma_wait3A_77 = arith.constant 0 : i32
      %dma_wait3A_78 = tpu.memref_slice %arg3[%arg0, %arg1, %dma_wait3A_76, %dma_wait3A_77] : memref<2x16x125x80xi32, #tpu.memory_space<hbm>> -> memref<1x1x61x80xi32, #tpu.memory_space<hbm>>
      %dma_wait3A_79 = tpu.memref_squeeze %dma_wait3A_78 : memref<1x1x61x80xi32, #tpu.memory_space<hbm>> -> memref<61x80xi32, #tpu.memory_space<hbm>>
      %dma_wait3A_80 = arith.constant 0 : i32
      %dma_wait3A_81 = arith.constant 0 : i32
      %dma_wait3A_82 = tpu.memref_slice %arg7[%dma_wait3A_80, %dma_wait3A_81] : memref<64x80xi32, #tpu.memory_space<vmem>> -> memref<61x80xi32, #tpu.memory_space<vmem>>
      %dma_wait3A_83 = arith.constant 64 : i32
      %dma_wait3A_84 = arith.constant 0 : i32
      %dma_wait3A_85 = tpu.memref_slice %arg3[%arg0, %arg1, %dma_wait3A_83, %dma_wait3A_84] : memref<2x16x125x80xi32, #tpu.memory_space<hbm>> -> memref<1x1x61x80xi32, #tpu.memory_space<hbm>>
      %dma_wait3A_86 = tpu.memref_squeeze %dma_wait3A_85 : memref<1x1x61x80xi32, #tpu.memory_space<hbm>> -> memref<61x80xi32, #tpu.memory_space<hbm>>
      tpu.wait_dma2 semaphore(%run_scoped3A_58 : memref<!tpu.dma_semaphore, #tpu.memory_space<semaphore_mem>>) src(%dma_wait3A_86 : memref<61x80xi32, #tpu.memory_space<hbm>>) dst(%dma_wait3A_82 : memref<61x80xi32, #tpu.memory_space<vmem>>)
      tpu.yield
    }) : () -> ()
    "tpu.region"() ({
      %run_scoped3A_58 = tpu.sem_alloc : memref<!tpu.dma_semaphore, #tpu.memory_space<semaphore_mem>>
      %dma_start3A_59 = arith.constant 0 : i32
      %dma_start3A_60 = arith.constant 0 : i32
      %dma_start3A_61 = tpu.memref_slice %arg8[%dma_start3A_59, %dma_start3A_60] : memref<64x80xi32, #tpu.memory_space<vmem>> -> memref<61x80xi32, #tpu.memory_space<vmem>>
      %dma_start3A_62 = arith.constant 64 : i32
      %dma_start3A_63 = arith.constant 0 : i32
      %dma_start3A_64 = tpu.memref_slice %arg4[%arg1, %dma_start3A_62, %dma_start3A_63] : memref<16x125x80xi32, #tpu.memory_space<hbm>> -> memref<1x61x80xi32, #tpu.memory_space<hbm>>
      %dma_start3A_65 = tpu.memref_squeeze %dma_start3A_64 : memref<1x61x80xi32, #tpu.memory_space<hbm>> -> memref<61x80xi32, #tpu.memory_space<hbm>>
      %dma_start3A_66 = arith.constant 0 : i32
      %dma_start3A_67 = arith.constant 0 : i32
      %dma_start3A_68 = tpu.memref_slice %arg8[%dma_start3A_66, %dma_start3A_67] : memref<64x80xi32, #tpu.memory_space<vmem>> -> memref<61x80xi32, #tpu.memory_space<vmem>>
      %dma_start3A_69 = arith.constant 64 : i32
      %dma_start3A_70 = arith.constant 0 : i32
      %dma_start3A_71 = tpu.memref_slice %arg4[%arg1, %dma_start3A_69, %dma_start3A_70] : memref<16x125x80xi32, #tpu.memory_space<hbm>> -> memref<1x61x80xi32, #tpu.memory_space<hbm>>
      %dma_start3A_72 = tpu.memref_squeeze %dma_start3A_71 : memref<1x61x80xi32, #tpu.memory_space<hbm>> -> memref<61x80xi32, #tpu.memory_space<hbm>>
      tpu.enqueue_dma source(%dma_start3A_72 : memref<61x80xi32, #tpu.memory_space<hbm>>) target(%dma_start3A_68 : memref<61x80xi32, #tpu.memory_space<vmem>>) target_semaphore(%run_scoped3A_58 : memref<!tpu.dma_semaphore, #tpu.memory_space<semaphore_mem>>)
      %dma_wait3A_73 = arith.constant 0 : i32
      %dma_wait3A_74 = arith.constant 0 : i32
      %dma_wait3A_75 = tpu.memref_slice %arg8[%dma_wait3A_73, %dma_wait3A_74] : memref<64x80xi32, #tpu.memory_space<vmem>> -> memref<61x80xi32, #tpu.memory_space<vmem>>
      %dma_wait3A_76 = arith.constant 64 : i32
      %dma_wait3A_77 = arith.constant 0 : i32
      %dma_wait3A_78 = tpu.memref_slice %arg4[%arg1, %dma_wait3A_76, %dma_wait3A_77] : memref<16x125x80xi32, #tpu.memory_space<hbm>> -> memref<1x61x80xi32, #tpu.memory_space<hbm>>
      %dma_wait3A_79 = tpu.memref_squeeze %dma_wait3A_78 : memref<1x61x80xi32, #tpu.memory_space<hbm>> -> memref<61x80xi32, #tpu.memory_space<hbm>>
      %dma_wait3A_80 = arith.constant 0 : i32
      %dma_wait3A_81 = arith.constant 0 : i32
      %dma_wait3A_82 = tpu.memref_slice %arg8[%dma_wait3A_80, %dma_wait3A_81] : memref<64x80xi32, #tpu.memory_space<vmem>> -> memref<61x80xi32, #tpu.memory_space<vmem>>
      %dma_wait3A_83 = arith.constant 64 : i32
      %dma_wait3A_84 = arith.constant 0 : i32
      %dma_wait3A_85 = tpu.memref_slice %arg4[%arg1, %dma_wait3A_83, %dma_wait3A_84] : memref<16x125x80xi32, #tpu.memory_space<hbm>> -> memref<1x61x80xi32, #tpu.memory_space<hbm>>
      %dma_wait3A_86 = tpu.memref_squeeze %dma_wait3A_85 : memref<1x61x80xi32, #tpu.memory_space<hbm>> -> memref<61x80xi32, #tpu.memory_space<hbm>>
      tpu.wait_dma2 semaphore(%run_scoped3A_58 : memref<!tpu.dma_semaphore, #tpu.memory_space<semaphore_mem>>) src(%dma_wait3A_86 : memref<61x80xi32, #tpu.memory_space<hbm>>) dst(%dma_wait3A_82 : memref<61x80xi32, #tpu.memory_space<vmem>>)
      tpu.yield
    }) : () -> ()
    %scan3A_30 = arith.constant 0 : i32
    %scan3A_31 = arith.constant 20 : i32
    %scan3A_32 = arith.addi %scan3A_30, %scan3A_31 : i32
    %scan3A_33 = arith.constant 1 : i32
    scf.for %scan3A_58 = %scan3A_30 to %scan3A_32 step %scan3A_33  : i32 {
      %mul3A_59 = arith.constant 3 : i32
      %mul3A_60 = arith.muli %scan3A_58, %mul3A_59 : i32
      %add3A_61 = arith.constant 0 : i32
      %add3A_62 = arith.addi %add3A_61, %mul3A_60 : i32
      %dma_start3A_63 = arith.constant 0 : i32
      %dma_start3A_64 = tpu.memref_slice %arg7[%add3A_62, %dma_start3A_63] : memref<64x80xi32, #tpu.memory_space<vmem>> -> memref<1x80xi32, #tpu.memory_space<vmem>>
      %dma_start3A_65 = tpu.memref_squeeze %dma_start3A_64 : memref<1x80xi32, #tpu.memory_space<vmem>> -> memref<80xi32, #tpu.memory_space<vmem>>
      %dma_start3A_66 = arith.constant 0 : i32
      %dma_start3A_67 = arith.constant 0 : i32
      %dma_start3A_68 = tpu.memref_slice %arg2[%dma_start3A_66, %dma_start3A_67] : memref<20000x128xf32, #tpu.memory_space<hbm>> -> memref<20000x128xf32, #tpu.memory_space<hbm>>
      tpu.enqueue_indirect_dma source(%dma_start3A_68 : memref<20000x128xf32, #tpu.memory_space<hbm>>) target(%arg9 : memref<80x128xf32, #tpu.memory_space<vmem>>) offsets(%dma_start3A_65 : memref<80xi32, #tpu.memory_space<vmem>>) semaphore(%arg12 : memref<!tpu.dma_semaphore, #tpu.memory_space<semaphore_mem>>)
      %add3A_69 = arith.constant 1 : i32
      %add3A_70 = arith.addi %add3A_62, %add3A_69 : i32
      %dma_start3A_71 = arith.constant 0 : i32
      %dma_start3A_72 = tpu.memref_slice %arg7[%add3A_70, %dma_start3A_71] : memref<64x80xi32, #tpu.memory_space<vmem>> -> memref<1x80xi32, #tpu.memory_space<vmem>>
      %dma_start3A_73 = tpu.memref_squeeze %dma_start3A_72 : memref<1x80xi32, #tpu.memory_space<vmem>> -> memref<80xi32, #tpu.memory_space<vmem>>
      %dma_start3A_74 = arith.constant 0 : i32
      %dma_start3A_75 = arith.constant 0 : i32
      %dma_start3A_76 = tpu.memref_slice %arg2[%dma_start3A_74, %dma_start3A_75] : memref<20000x128xf32, #tpu.memory_space<hbm>> -> memref<20000x128xf32, #tpu.memory_space<hbm>>
      tpu.enqueue_indirect_dma source(%dma_start3A_76 : memref<20000x128xf32, #tpu.memory_space<hbm>>) target(%arg10 : memref<80x128xf32, #tpu.memory_space<vmem>>) offsets(%dma_start3A_73 : memref<80xi32, #tpu.memory_space<vmem>>) semaphore(%arg13 : memref<!tpu.dma_semaphore, #tpu.memory_space<semaphore_mem>>)
      %add3A_77 = arith.constant 2 : i32
      %add3A_78 = arith.addi %add3A_62, %add3A_77 : i32
      %dma_start3A_79 = arith.constant 0 : i32
      %dma_start3A_80 = tpu.memref_slice %arg7[%add3A_78, %dma_start3A_79] : memref<64x80xi32, #tpu.memory_space<vmem>> -> memref<1x80xi32, #tpu.memory_space<vmem>>
      %dma_start3A_81 = tpu.memref_squeeze %dma_start3A_80 : memref<1x80xi32, #tpu.memory_space<vmem>> -> memref<80xi32, #tpu.memory_space<vmem>>
      %dma_start3A_82 = arith.constant 0 : i32
      %dma_start3A_83 = arith.constant 0 : i32
      %dma_start3A_84 = tpu.memref_slice %arg2[%dma_start3A_82, %dma_start3A_83] : memref<20000x128xf32, #tpu.memory_space<hbm>> -> memref<20000x128xf32, #tpu.memory_space<hbm>>
      tpu.enqueue_indirect_dma source(%dma_start3A_84 : memref<20000x128xf32, #tpu.memory_space<hbm>>) target(%arg11 : memref<80x128xf32, #tpu.memory_space<vmem>>) offsets(%dma_start3A_81 : memref<80xi32, #tpu.memory_space<vmem>>) semaphore(%arg14 : memref<!tpu.dma_semaphore, #tpu.memory_space<semaphore_mem>>)
      %dma_wait3A_85 = arith.constant 0 : i32
      %dma_wait3A_86 = tpu.memref_slice %arg7[%add3A_62, %dma_wait3A_85] : memref<64x80xi32, #tpu.memory_space<vmem>> -> memref<1x80xi32, #tpu.memory_space<vmem>>
      %dma_wait3A_87 = tpu.memref_squeeze %dma_wait3A_86 : memref<1x80xi32, #tpu.memory_space<vmem>> -> memref<80xi32, #tpu.memory_space<vmem>>
      %dma_wait3A_88 = arith.constant 0 : i32
      %dma_wait3A_89 = arith.constant 0 : i32
      %dma_wait3A_90 = tpu.memref_slice %arg2[%dma_wait3A_88, %dma_wait3A_89] : memref<20000x128xf32, #tpu.memory_space<hbm>> -> memref<20000x128xf32, #tpu.memory_space<hbm>>
      tpu.wait_indirect_dma semaphore(%arg12 : memref<!tpu.dma_semaphore, #tpu.memory_space<semaphore_mem>>) src(%dma_wait3A_90 : memref<20000x128xf32, #tpu.memory_space<hbm>>) dst(%arg9 : memref<80x128xf32, #tpu.memory_space<vmem>>)
      "tpu.region"() ({
        %run_scoped3A_107 = tpu.sem_alloc : memref<!tpu.dma_semaphore, #tpu.memory_space<semaphore_mem>>
        %dma_start3A_108 = arith.constant 0 : i32
        %dma_start3A_109 = tpu.memref_slice %arg8[%add3A_62, %dma_start3A_108] : memref<64x80xi32, #tpu.memory_space<vmem>> -> memref<1x80xi32, #tpu.memory_space<vmem>>
        %dma_start3A_110 = tpu.memref_squeeze %dma_start3A_109 : memref<1x80xi32, #tpu.memory_space<vmem>> -> memref<80xi32, #tpu.memory_space<vmem>>
        %dma_start3A_111 = arith.constant 0 : i32
        %dma_start3A_112 = arith.constant 0 : i32
        %dma_start3A_113 = tpu.memref_slice %arg6[%dma_start3A_111, %dma_start3A_112] : memref<10000x128xf32, #tpu.memory_space<vmem_shared>> -> memref<10000x128xf32, #tpu.memory_space<vmem_shared>>
        tpu.enqueue_indirect_dma source(%arg9 : memref<80x128xf32, #tpu.memory_space<vmem>>) target(%dma_start3A_113 : memref<10000x128xf32, #tpu.memory_space<vmem_shared>>) offsets(%dma_start3A_110 : memref<80xi32, #tpu.memory_space<vmem>>) semaphore(%run_scoped3A_107 : memref<!tpu.dma_semaphore, #tpu.memory_space<semaphore_mem>>) {add = true}
        %dma_wait3A_114 = arith.constant 0 : i32
        %dma_wait3A_115 = tpu.memref_slice %arg8[%add3A_62, %dma_wait3A_114] : memref<64x80xi32, #tpu.memory_space<vmem>> -> memref<1x80xi32, #tpu.memory_space<vmem>>
        %dma_wait3A_116 = tpu.memref_squeeze %dma_wait3A_115 : memref<1x80xi32, #tpu.memory_space<vmem>> -> memref<80xi32, #tpu.memory_space<vmem>>
        %dma_wait3A_117 = arith.constant 0 : i32
        %dma_wait3A_118 = arith.constant 0 : i32
        %dma_wait3A_119 = tpu.memref_slice %arg6[%dma_wait3A_117, %dma_wait3A_118] : memref<10000x128xf32, #tpu.memory_space<vmem_shared>> -> memref<10000x128xf32, #tpu.memory_space<vmem_shared>>
        tpu.wait_indirect_dma semaphore(%run_scoped3A_107 : memref<!tpu.dma_semaphore, #tpu.memory_space<semaphore_mem>>) src(%arg9 : memref<80x128xf32, #tpu.memory_space<vmem>>) dst(%dma_wait3A_119 : memref<10000x128xf32, #tpu.memory_space<vmem_shared>>)
        tpu.yield
      }) : () -> ()
      %dma_wait3A_91 = arith.constant 0 : i32
      %dma_wait3A_92 = tpu.memref_slice %arg7[%add3A_70, %dma_wait3A_91] : memref<64x80xi32, #tpu.memory_space<vmem>> -> memref<1x80xi32, #tpu.memory_space<vmem>>
      %dma_wait3A_93 = tpu.memref_squeeze %dma_wait3A_92 : memref<1x80xi32, #tpu.memory_space<vmem>> -> memref<80xi32, #tpu.memory_space<vmem>>
      %dma_wait3A_94 = arith.constant 0 : i32
      %dma_wait3A_95 = arith.constant 0 : i32
      %dma_wait3A_96 = tpu.memref_slice %arg2[%dma_wait3A_94, %dma_wait3A_95] : memref<20000x128xf32, #tpu.memory_space<hbm>> -> memref<20000x128xf32, #tpu.memory_space<hbm>>
      tpu.wait_indirect_dma semaphore(%arg13 : memref<!tpu.dma_semaphore, #tpu.memory_space<semaphore_mem>>) src(%dma_wait3A_96 : memref<20000x128xf32, #tpu.memory_space<hbm>>) dst(%arg10 : memref<80x128xf32, #tpu.memory_space<vmem>>)
      %add3A_97 = arith.constant 1 : i32
      %add3A_98 = arith.addi %add3A_62, %add3A_97 : i32
      "tpu.region"() ({
        %run_scoped3A_107 = tpu.sem_alloc : memref<!tpu.dma_semaphore, #tpu.memory_space<semaphore_mem>>
        %dma_start3A_108 = arith.constant 0 : i32
        %dma_start3A_109 = tpu.memref_slice %arg8[%add3A_98, %dma_start3A_108] : memref<64x80xi32, #tpu.memory_space<vmem>> -> memref<1x80xi32, #tpu.memory_space<vmem>>
        %dma_start3A_110 = tpu.memref_squeeze %dma_start3A_109 : memref<1x80xi32, #tpu.memory_space<vmem>> -> memref<80xi32, #tpu.memory_space<vmem>>
        %dma_start3A_111 = arith.constant 0 : i32
        %dma_start3A_112 = arith.constant 0 : i32
        %dma_start3A_113 = tpu.memref_slice %arg6[%dma_start3A_111, %dma_start3A_112] : memref<10000x128xf32, #tpu.memory_space<vmem_shared>> -> memref<10000x128xf32, #tpu.memory_space<vmem_shared>>
        tpu.enqueue_indirect_dma source(%arg10 : memref<80x128xf32, #tpu.memory_space<vmem>>) target(%dma_start3A_113 : memref<10000x128xf32, #tpu.memory_space<vmem_shared>>) offsets(%dma_start3A_110 : memref<80xi32, #tpu.memory_space<vmem>>) semaphore(%run_scoped3A_107 : memref<!tpu.dma_semaphore, #tpu.memory_space<semaphore_mem>>) {add = true}
        %dma_wait3A_114 = arith.constant 0 : i32
        %dma_wait3A_115 = tpu.memref_slice %arg8[%add3A_98, %dma_wait3A_114] : memref<64x80xi32, #tpu.memory_space<vmem>> -> memref<1x80xi32, #tpu.memory_space<vmem>>
        %dma_wait3A_116 = tpu.memref_squeeze %dma_wait3A_115 : memref<1x80xi32, #tpu.memory_space<vmem>> -> memref<80xi32, #tpu.memory_space<vmem>>
        %dma_wait3A_117 = arith.constant 0 : i32
        %dma_wait3A_118 = arith.constant 0 : i32
        %dma_wait3A_119 = tpu.memref_slice %arg6[%dma_wait3A_117, %dma_wait3A_118] : memref<10000x128xf32, #tpu.memory_space<vmem_shared>> -> memref<10000x128xf32, #tpu.memory_space<vmem_shared>>
        tpu.wait_indirect_dma semaphore(%run_scoped3A_107 : memref<!tpu.dma_semaphore, #tpu.memory_space<semaphore_mem>>) src(%arg10 : memref<80x128xf32, #tpu.memory_space<vmem>>) dst(%dma_wait3A_119 : memref<10000x128xf32, #tpu.memory_space<vmem_shared>>)
        tpu.yield
      }) : () -> ()
      %dma_wait3A_99 = arith.constant 0 : i32
      %dma_wait3A_100 = tpu.memref_slice %arg7[%add3A_78, %dma_wait3A_99] : memref<64x80xi32, #tpu.memory_space<vmem>> -> memref<1x80xi32, #tpu.memory_space<vmem>>
      %dma_wait3A_101 = tpu.memref_squeeze %dma_wait3A_100 : memref<1x80xi32, #tpu.memory_space<vmem>> -> memref<80xi32, #tpu.memory_space<vmem>>
      %dma_wait3A_102 = arith.constant 0 : i32
      %dma_wait3A_103 = arith.constant 0 : i32
      %dma_wait3A_104 = tpu.memref_slice %arg2[%dma_wait3A_102, %dma_wait3A_103] : memref<20000x128xf32, #tpu.memory_space<hbm>> -> memref<20000x128xf32, #tpu.memory_space<hbm>>
      tpu.wait_indirect_dma semaphore(%arg14 : memref<!tpu.dma_semaphore, #tpu.memory_space<semaphore_mem>>) src(%dma_wait3A_104 : memref<20000x128xf32, #tpu.memory_space<hbm>>) dst(%arg11 : memref<80x128xf32, #tpu.memory_space<vmem>>)
      %add3A_105 = arith.constant 2 : i32
      %add3A_106 = arith.addi %add3A_62, %add3A_105 : i32
      "tpu.region"() ({
        %run_scoped3A_107 = tpu.sem_alloc : memref<!tpu.dma_semaphore, #tpu.memory_space<semaphore_mem>>
        %dma_start3A_108 = arith.constant 0 : i32
        %dma_start3A_109 = tpu.memref_slice %arg8[%add3A_106, %dma_start3A_108] : memref<64x80xi32, #tpu.memory_space<vmem>> -> memref<1x80xi32, #tpu.memory_space<vmem>>
        %dma_start3A_110 = tpu.memref_squeeze %dma_start3A_109 : memref<1x80xi32, #tpu.memory_space<vmem>> -> memref<80xi32, #tpu.memory_space<vmem>>
        %dma_start3A_111 = arith.constant 0 : i32
        %dma_start3A_112 = arith.constant 0 : i32
        %dma_start3A_113 = tpu.memref_slice %arg6[%dma_start3A_111, %dma_start3A_112] : memref<10000x128xf32, #tpu.memory_space<vmem_shared>> -> memref<10000x128xf32, #tpu.memory_space<vmem_shared>>
        tpu.enqueue_indirect_dma source(%arg11 : memref<80x128xf32, #tpu.memory_space<vmem>>) target(%dma_start3A_113 : memref<10000x128xf32, #tpu.memory_space<vmem_shared>>) offsets(%dma_start3A_110 : memref<80xi32, #tpu.memory_space<vmem>>) semaphore(%run_scoped3A_107 : memref<!tpu.dma_semaphore, #tpu.memory_space<semaphore_mem>>) {add = true}
        %dma_wait3A_114 = arith.constant 0 : i32
        %dma_wait3A_115 = tpu.memref_slice %arg8[%add3A_106, %dma_wait3A_114] : memref<64x80xi32, #tpu.memory_space<vmem>> -> memref<1x80xi32, #tpu.memory_space<vmem>>
        %dma_wait3A_116 = tpu.memref_squeeze %dma_wait3A_115 : memref<1x80xi32, #tpu.memory_space<vmem>> -> memref<80xi32, #tpu.memory_space<vmem>>
        %dma_wait3A_117 = arith.constant 0 : i32
        %dma_wait3A_118 = arith.constant 0 : i32
        %dma_wait3A_119 = tpu.memref_slice %arg6[%dma_wait3A_117, %dma_wait3A_118] : memref<10000x128xf32, #tpu.memory_space<vmem_shared>> -> memref<10000x128xf32, #tpu.memory_space<vmem_shared>>
        tpu.wait_indirect_dma semaphore(%run_scoped3A_107 : memref<!tpu.dma_semaphore, #tpu.memory_space<semaphore_mem>>) src(%arg11 : memref<80x128xf32, #tpu.memory_space<vmem>>) dst(%dma_wait3A_119 : memref<10000x128xf32, #tpu.memory_space<vmem_shared>>)
        tpu.yield
      }) : () -> ()
    }
    %scan3A_34 = arith.constant 20 : i32
    %dma_start3A_35 = arith.constant 60 : i32
    %dma_start3A_36 = arith.constant 0 : i32
    %dma_start3A_37 = tpu.memref_slice %arg7[%dma_start3A_35, %dma_start3A_36] : memref<64x80xi32, #tpu.memory_space<vmem>> -> memref<1x80xi32, #tpu.memory_space<vmem>>
    %dma_start3A_38 = tpu.memref_squeeze %dma_start3A_37 : memref<1x80xi32, #tpu.memory_space<vmem>> -> memref<80xi32, #tpu.memory_space<vmem>>
    %dma_start3A_39 = arith.constant 0 : i32
    %dma_start3A_40 = arith.constant 0 : i32
    %dma_start3A_41 = tpu.memref_slice %arg2[%dma_start3A_39, %dma_start3A_40] : memref<20000x128xf32, #tpu.memory_space<hbm>> -> memref<20000x128xf32, #tpu.memory_space<hbm>>
    tpu.enqueue_indirect_dma source(%dma_start3A_41 : memref<20000x128xf32, #tpu.memory_space<hbm>>) target(%arg9 : memref<80x128xf32, #tpu.memory_space<vmem>>) offsets(%dma_start3A_38 : memref<80xi32, #tpu.memory_space<vmem>>) semaphore(%arg12 : memref<!tpu.dma_semaphore, #tpu.memory_space<semaphore_mem>>)
    %dma_wait3A_42 = arith.constant 60 : i32
    %dma_wait3A_43 = arith.constant 0 : i32
    %dma_wait3A_44 = tpu.memref_slice %arg7[%dma_wait3A_42, %dma_wait3A_43] : memref<64x80xi32, #tpu.memory_space<vmem>> -> memref<1x80xi32, #tpu.memory_space<vmem>>
    %dma_wait3A_45 = tpu.memref_squeeze %dma_wait3A_44 : memref<1x80xi32, #tpu.memory_space<vmem>> -> memref<80xi32, #tpu.memory_space<vmem>>
    %dma_wait3A_46 = arith.constant 0 : i32
    %dma_wait3A_47 = arith.constant 0 : i32
    %dma_wait3A_48 = tpu.memref_slice %arg2[%dma_wait3A_46, %dma_wait3A_47] : memref<20000x128xf32, #tpu.memory_space<hbm>> -> memref<20000x128xf32, #tpu.memory_space<hbm>>
    tpu.wait_indirect_dma semaphore(%arg12 : memref<!tpu.dma_semaphore, #tpu.memory_space<semaphore_mem>>) src(%dma_wait3A_48 : memref<20000x128xf32, #tpu.memory_space<hbm>>) dst(%arg9 : memref<80x128xf32, #tpu.memory_space<vmem>>)
    %run_scoped3A_49 = arith.constant 60 : i32
    "tpu.region"() ({
      %run_scoped3A_58 = tpu.sem_alloc : memref<!tpu.dma_semaphore, #tpu.memory_space<semaphore_mem>>
      %dma_start3A_59 = arith.constant 0 : i32
      %dma_start3A_60 = tpu.memref_slice %arg8[%run_scoped3A_49, %dma_start3A_59] : memref<64x80xi32, #tpu.memory_space<vmem>> -> memref<1x80xi32, #tpu.memory_space<vmem>>
      %dma_start3A_61 = tpu.memref_squeeze %dma_start3A_60 : memref<1x80xi32, #tpu.memory_space<vmem>> -> memref<80xi32, #tpu.memory_space<vmem>>
      %dma_start3A_62 = arith.constant 0 : i32
      %dma_start3A_63 = arith.constant 0 : i32
      %dma_start3A_64 = tpu.memref_slice %arg6[%dma_start3A_62, %dma_start3A_63] : memref<10000x128xf32, #tpu.memory_space<vmem_shared>> -> memref<10000x128xf32, #tpu.memory_space<vmem_shared>>
      tpu.enqueue_indirect_dma source(%arg9 : memref<80x128xf32, #tpu.memory_space<vmem>>) target(%dma_start3A_64 : memref<10000x128xf32, #tpu.memory_space<vmem_shared>>) offsets(%dma_start3A_61 : memref<80xi32, #tpu.memory_space<vmem>>) semaphore(%run_scoped3A_58 : memref<!tpu.dma_semaphore, #tpu.memory_space<semaphore_mem>>) {add = true}
      %dma_wait3A_65 = arith.constant 0 : i32
      %dma_wait3A_66 = tpu.memref_slice %arg8[%run_scoped3A_49, %dma_wait3A_65] : memref<64x80xi32, #tpu.memory_space<vmem>> -> memref<1x80xi32, #tpu.memory_space<vmem>>
      %dma_wait3A_67 = tpu.memref_squeeze %dma_wait3A_66 : memref<1x80xi32, #tpu.memory_space<vmem>> -> memref<80xi32, #tpu.memory_space<vmem>>
      %dma_wait3A_68 = arith.constant 0 : i32
      %dma_wait3A_69 = arith.constant 0 : i32
      %dma_wait3A_70 = tpu.memref_slice %arg6[%dma_wait3A_68, %dma_wait3A_69] : memref<10000x128xf32, #tpu.memory_space<vmem_shared>> -> memref<10000x128xf32, #tpu.memory_space<vmem_shared>>
      tpu.wait_indirect_dma semaphore(%run_scoped3A_58 : memref<!tpu.dma_semaphore, #tpu.memory_space<semaphore_mem>>) src(%arg9 : memref<80x128xf32, #tpu.memory_space<vmem>>) dst(%dma_wait3A_70 : memref<10000x128xf32, #tpu.memory_space<vmem_shared>>)
      tpu.yield
    }) : () -> ()
    %barrier3A_50 = arith.constant 0 : index
    tpu.barrier barrier_id(%barrier3A_50)
    %mul3A_51 = arith.constant 10000 : i32
    %mul3A_52 = arith.muli %arg0, %mul3A_51 : i32
    %add3A = arith.addi %mul3A_52, %mul3A_0 : i32
    "tpu.region"() ({
      %run_scoped3A_58 = tpu.sem_alloc : memref<!tpu.dma_semaphore, #tpu.memory_space<semaphore_mem>>
      %dma_start3A_59 = arith.constant 0 : i32
      %dma_start3A_60 = tpu.memref_slice %arg5[%add3A, %dma_start3A_59] : memref<20000x128xf32, #tpu.memory_space<hbm>> -> memref<624x128xf32, #tpu.memory_space<hbm>>
      %dma_start3A_61 = arith.constant 0 : i32
      %dma_start3A_62 = tpu.memref_slice %arg6[%mul3A_0, %dma_start3A_61] : memref<10000x128xf32, #tpu.memory_space<vmem_shared>> -> memref<624x128xf32, #tpu.memory_space<vmem_shared>>
      tpu.enqueue_dma source(%dma_start3A_62 : memref<624x128xf32, #tpu.memory_space<vmem_shared>>) target(%dma_start3A_60 : memref<624x128xf32, #tpu.memory_space<hbm>>) target_semaphore(%run_scoped3A_58 : memref<!tpu.dma_semaphore, #tpu.memory_space<semaphore_mem>>)
      %dma_wait3A_63 = arith.constant 0 : i32
      %dma_wait3A_64 = tpu.memref_slice %arg5[%add3A, %dma_wait3A_63] : memref<20000x128xf32, #tpu.memory_space<hbm>> -> memref<624x128xf32, #tpu.memory_space<hbm>>
      %dma_wait3A_65 = arith.constant 0 : i32
      %dma_wait3A_66 = tpu.memref_slice %arg6[%mul3A_0, %dma_wait3A_65] : memref<10000x128xf32, #tpu.memory_space<vmem_shared>> -> memref<624x128xf32, #tpu.memory_space<vmem_shared>>
      tpu.wait_dma2 semaphore(%run_scoped3A_58 : memref<!tpu.dma_semaphore, #tpu.memory_space<semaphore_mem>>) src(%dma_wait3A_66 : memref<624x128xf32, #tpu.memory_space<vmem_shared>>) dst(%dma_wait3A_64 : memref<624x128xf32, #tpu.memory_space<hbm>>)
      tpu.yield
    }) : () -> ()
    %eq3A_53 = arith.constant 0 : i32
    %eq3A_54 = arith.cmpi eq, %arg1, %eq3A_53 : i32
    %convert_element_type3A_55 = arith.extui %eq3A_54 : i1 to i32
    %cond3A_56 = arith.constant 0 : i32
    %cond3A_57 = arith.cmpi ne, %convert_element_type3A_55, %cond3A_56 : i32
    scf.if %cond3A_57 {
      %mul3A_58 = arith.constant 10000 : i32
      %mul3A_59 = arith.muli %arg0, %mul3A_58 : i32
      %add3A_60 = arith.constant 9984 : i32
      %add3A_61 = arith.addi %mul3A_59, %add3A_60 : i32
      "tpu.region"() ({
        %run_scoped3A_62 = tpu.sem_alloc : memref<!tpu.dma_semaphore, #tpu.memory_space<semaphore_mem>>
        %dma_start3A_63 = arith.constant 0 : i32
        %dma_start3A_64 = tpu.memref_slice %arg5[%add3A_61, %dma_start3A_63] : memref<20000x128xf32, #tpu.memory_space<hbm>> -> memref<16x128xf32, #tpu.memory_space<hbm>>
        %dma_start3A_65 = arith.constant 9984 : i32
        %dma_start3A_66 = arith.constant 0 : i32
        %dma_start3A_67 = tpu.memref_slice %arg6[%dma_start3A_65, %dma_start3A_66] : memref<10000x128xf32, #tpu.memory_space<vmem_shared>> -> memref<16x128xf32, #tpu.memory_space<vmem_shared>>
        tpu.enqueue_dma source(%dma_start3A_67 : memref<16x128xf32, #tpu.memory_space<vmem_shared>>) target(%dma_start3A_64 : memref<16x128xf32, #tpu.memory_space<hbm>>) target_semaphore(%run_scoped3A_62 : memref<!tpu.dma_semaphore, #tpu.memory_space<semaphore_mem>>)
        %dma_wait3A_68 = arith.constant 0 : i32
        %dma_wait3A_69 = tpu.memref_slice %arg5[%add3A_61, %dma_wait3A_68] : memref<20000x128xf32, #tpu.memory_space<hbm>> -> memref<16x128xf32, #tpu.memory_space<hbm>>
        %dma_wait3A_70 = arith.constant 9984 : i32
        %dma_wait3A_71 = arith.constant 0 : i32
        %dma_wait3A_72 = tpu.memref_slice %arg6[%dma_wait3A_70, %dma_wait3A_71] : memref<10000x128xf32, #tpu.memory_space<vmem_shared>> -> memref<16x128xf32, #tpu.memory_space<vmem_shared>>
        tpu.wait_dma2 semaphore(%run_scoped3A_62 : memref<!tpu.dma_semaphore, #tpu.memory_space<semaphore_mem>>) src(%dma_wait3A_72 : memref<16x128xf32, #tpu.memory_space<vmem_shared>>) dst(%dma_wait3A_69 : memref<16x128xf32, #tpu.memory_space<hbm>>)
        tpu.yield
      }) : () -> ()
    } else {
    }
    return
  }
}

#map = affine_map<(d0, d1) -> (0, 0, 0, 0)>
#map1 = affine_map<(d0, d1) -> (0, 0)>
module attributes {stable_mosaic.version = 14 : i64} {
  func.func @_sc_deg_body(%arg0: i32, %arg1: i32, %arg2: memref<2x16x125x40xi32, #tpu.memory_space<hbm>>, %arg3: memref<20000x128xf32, #tpu.memory_space<hbm>>, %arg4: memref<10000x128xf32, #tpu.memory_space<vmem_shared>>, %arg5: memref<125x40xi32, #tpu.memory_space<vmem>>, %arg6: memref<40x128xf32, #tpu.memory_space<vmem>>, %arg7: memref<24x128xf32, #tpu.memory_space<vmem>>, %arg8: memref<!tpu.dma_semaphore, #tpu.memory_space<semaphore_mem>>, %arg9: memref<!tpu.dma_semaphore, #tpu.memory_space<semaphore_mem>>) attributes {dimension_semantics = [#tpu.dimension_semantics<core_parallel>, #tpu.dimension_semantics<subcore_parallel>], iteration_bounds = array<i64: 2, 16>, scalar_prefetch = 0 : i64, scratch_operands = 6 : i64, tpu.core_type = #tpu.core_type<sc_vector_subcore>, window_params = [{transform_indices = #map}, {transform_indices = #map1}]} {
    %mul3A = arith.constant 624 : i32
    %mul3A_0 = arith.muli %arg1, %mul3A : i32
    %broadcast_in_dim3A = arith.constant 0.000000e+00 : f32
    %broadcast_in_dim3A_1 = vector.broadcast %broadcast_in_dim3A : f32 to vector<16xf32>
    %broadcast_in_dim3A_2 = arith.constant 1.000000e+00 : f32
    %broadcast_in_dim3A_3 = vector.broadcast %broadcast_in_dim3A_2 : f32 to vector<16xf32>
    %scan3A = arith.constant 0 : i32
    %scan3A_4 = arith.constant 24 : i32
    %scan3A_5 = arith.addi %scan3A, %scan3A_4 : i32
    %scan3A_6 = arith.constant 1 : i32
    scf.for %scan3A_33 = %scan3A to %scan3A_5 step %scan3A_6  : i32 {
      %mul3A_34 = arith.constant 1 : i32
      %mul3A_35 = arith.muli %scan3A_33, %mul3A_34 : i32
      %add3A_36 = arith.constant 0 : i32
      %add3A_37 = arith.addi %add3A_36, %mul3A_35 : i32
      %swap3A = arith.index_cast %add3A_37 : i32 to index
      %swap3A_38 = arith.constant 0 : index
      %swap3A_39 = tpu.vector_load %arg7[%swap3A, %swap3A_38] {strides = array<i32>} : memref<24x128xf32, #tpu.memory_space<vmem>>, vector<1x16xf32>,
      %swap3A_40 = vector.shape_cast %swap3A_39 : vector<1x16xf32> to vector<16xf32>
      %swap3A_41 = vector.shape_cast %broadcast_in_dim3A_1 : vector<16xf32> to vector<1x16xf32>
      tpu.vector_store %arg7[%swap3A, %swap3A_38], %swap3A_41 {strides = array<i32>} : memref<24x128xf32, #tpu.memory_space<vmem>>, vector<1x16xf32>,
      %swap3A_42 = arith.index_cast %add3A_37 : i32 to index
      %swap3A_43 = arith.constant 16 : index
      %swap3A_44 = tpu.vector_load %arg7[%swap3A_42, %swap3A_43] {strides = array<i32>} : memref<24x128xf32, #tpu.memory_space<vmem>>, vector<1x16xf32>,
      %swap3A_45 = vector.shape_cast %swap3A_44 : vector<1x16xf32> to vector<16xf32>
      %swap3A_46 = vector.shape_cast %broadcast_in_dim3A_1 : vector<16xf32> to vector<1x16xf32>
      tpu.vector_store %arg7[%swap3A_42, %swap3A_43], %swap3A_46 {strides = array<i32>} : memref<24x128xf32, #tpu.memory_space<vmem>>, vector<1x16xf32>,
      %swap3A_47 = arith.index_cast %add3A_37 : i32 to index
      %swap3A_48 = arith.constant 32 : index
      %swap3A_49 = tpu.vector_load %arg7[%swap3A_47, %swap3A_48] {strides = array<i32>} : memref<24x128xf32, #tpu.memory_space<vmem>>, vector<1x16xf32>,
      %swap3A_50 = vector.shape_cast %swap3A_49 : vector<1x16xf32> to vector<16xf32>
      %swap3A_51 = vector.shape_cast %broadcast_in_dim3A_1 : vector<16xf32> to vector<1x16xf32>
      tpu.vector_store %arg7[%swap3A_47, %swap3A_48], %swap3A_51 {strides = array<i32>} : memref<24x128xf32, #tpu.memory_space<vmem>>, vector<1x16xf32>,
      %swap3A_52 = arith.index_cast %add3A_37 : i32 to index
      %swap3A_53 = arith.constant 48 : index
      %swap3A_54 = tpu.vector_load %arg7[%swap3A_52, %swap3A_53] {strides = array<i32>} : memref<24x128xf32, #tpu.memory_space<vmem>>, vector<1x16xf32>,
      %swap3A_55 = vector.shape_cast %swap3A_54 : vector<1x16xf32> to vector<16xf32>
      %swap3A_56 = vector.shape_cast %broadcast_in_dim3A_1 : vector<16xf32> to vector<1x16xf32>
      tpu.vector_store %arg7[%swap3A_52, %swap3A_53], %swap3A_56 {strides = array<i32>} : memref<24x128xf32, #tpu.memory_space<vmem>>, vector<1x16xf32>,
      %swap3A_57 = arith.index_cast %add3A_37 : i32 to index
      %swap3A_58 = arith.constant 64 : index
      %swap3A_59 = tpu.vector_load %arg7[%swap3A_57, %swap3A_58] {strides = array<i32>} : memref<24x128xf32, #tpu.memory_space<vmem>>, vector<1x16xf32>,
      %swap3A_60 = vector.shape_cast %swap3A_59 : vector<1x16xf32> to vector<16xf32>
      %swap3A_61 = vector.shape_cast %broadcast_in_dim3A_1 : vector<16xf32> to vector<1x16xf32>
      tpu.vector_store %arg7[%swap3A_57, %swap3A_58], %swap3A_61 {strides = array<i32>} : memref<24x128xf32, #tpu.memory_space<vmem>>, vector<1x16xf32>,
      %swap3A_62 = arith.index_cast %add3A_37 : i32 to index
      %swap3A_63 = arith.constant 80 : index
      %swap3A_64 = tpu.vector_load %arg7[%swap3A_62, %swap3A_63] {strides = array<i32>} : memref<24x128xf32, #tpu.memory_space<vmem>>, vector<1x16xf32>,
      %swap3A_65 = vector.shape_cast %swap3A_64 : vector<1x16xf32> to vector<16xf32>
      %swap3A_66 = vector.shape_cast %broadcast_in_dim3A_1 : vector<16xf32> to vector<1x16xf32>
      tpu.vector_store %arg7[%swap3A_62, %swap3A_63], %swap3A_66 {strides = array<i32>} : memref<24x128xf32, #tpu.memory_space<vmem>>, vector<1x16xf32>,
      %swap3A_67 = arith.index_cast %add3A_37 : i32 to index
      %swap3A_68 = arith.constant 96 : index
      %swap3A_69 = tpu.vector_load %arg7[%swap3A_67, %swap3A_68] {strides = array<i32>} : memref<24x128xf32, #tpu.memory_space<vmem>>, vector<1x16xf32>,
      %swap3A_70 = vector.shape_cast %swap3A_69 : vector<1x16xf32> to vector<16xf32>
      %swap3A_71 = vector.shape_cast %broadcast_in_dim3A_1 : vector<16xf32> to vector<1x16xf32>
      tpu.vector_store %arg7[%swap3A_67, %swap3A_68], %swap3A_71 {strides = array<i32>} : memref<24x128xf32, #tpu.memory_space<vmem>>, vector<1x16xf32>,
      %swap3A_72 = arith.index_cast %add3A_37 : i32 to index
      %swap3A_73 = arith.constant 112 : index
      %swap3A_74 = tpu.vector_load %arg7[%swap3A_72, %swap3A_73] {strides = array<i32>} : memref<24x128xf32, #tpu.memory_space<vmem>>, vector<1x16xf32>,
      %swap3A_75 = vector.shape_cast %swap3A_74 : vector<1x16xf32> to vector<16xf32>
      %swap3A_76 = vector.shape_cast %broadcast_in_dim3A_1 : vector<16xf32> to vector<1x16xf32>
      tpu.vector_store %arg7[%swap3A_72, %swap3A_73], %swap3A_76 {strides = array<i32>} : memref<24x128xf32, #tpu.memory_space<vmem>>, vector<1x16xf32>,
    }
    %scan3A_7 = arith.constant 24 : i32
    %scan3A_8 = arith.constant 0 : i32
    %scan3A_9 = arith.constant 40 : i32
    %scan3A_10 = arith.addi %scan3A_8, %scan3A_9 : i32
    %scan3A_11 = arith.constant 1 : i32
    scf.for %scan3A_33 = %scan3A_8 to %scan3A_10 step %scan3A_11  : i32 {
      %mul3A_34 = arith.constant 1 : i32
      %mul3A_35 = arith.muli %scan3A_33, %mul3A_34 : i32
      %add3A_36 = arith.constant 0 : i32
      %add3A_37 = arith.addi %add3A_36, %mul3A_35 : i32
      %swap3A = arith.index_cast %add3A_37 : i32 to index
      %swap3A_38 = arith.constant 0 : index
      %swap3A_39 = tpu.vector_load %arg6[%swap3A, %swap3A_38] {strides = array<i32>} : memref<40x128xf32, #tpu.memory_space<vmem>>, vector<1x16xf32>,
      %swap3A_40 = vector.shape_cast %swap3A_39 : vector<1x16xf32> to vector<16xf32>
      %swap3A_41 = vector.shape_cast %broadcast_in_dim3A_3 : vector<16xf32> to vector<1x16xf32>
      tpu.vector_store %arg6[%swap3A, %swap3A_38], %swap3A_41 {strides = array<i32>} : memref<40x128xf32, #tpu.memory_space<vmem>>, vector<1x16xf32>,
      %swap3A_42 = arith.index_cast %add3A_37 : i32 to index
      %swap3A_43 = arith.constant 16 : index
      %swap3A_44 = tpu.vector_load %arg6[%swap3A_42, %swap3A_43] {strides = array<i32>} : memref<40x128xf32, #tpu.memory_space<vmem>>, vector<1x16xf32>,
      %swap3A_45 = vector.shape_cast %swap3A_44 : vector<1x16xf32> to vector<16xf32>
      %swap3A_46 = vector.shape_cast %broadcast_in_dim3A_3 : vector<16xf32> to vector<1x16xf32>
      tpu.vector_store %arg6[%swap3A_42, %swap3A_43], %swap3A_46 {strides = array<i32>} : memref<40x128xf32, #tpu.memory_space<vmem>>, vector<1x16xf32>,
      %swap3A_47 = arith.index_cast %add3A_37 : i32 to index
      %swap3A_48 = arith.constant 32 : index
      %swap3A_49 = tpu.vector_load %arg6[%swap3A_47, %swap3A_48] {strides = array<i32>} : memref<40x128xf32, #tpu.memory_space<vmem>>, vector<1x16xf32>,
      %swap3A_50 = vector.shape_cast %swap3A_49 : vector<1x16xf32> to vector<16xf32>
      %swap3A_51 = vector.shape_cast %broadcast_in_dim3A_3 : vector<16xf32> to vector<1x16xf32>
      tpu.vector_store %arg6[%swap3A_47, %swap3A_48], %swap3A_51 {strides = array<i32>} : memref<40x128xf32, #tpu.memory_space<vmem>>, vector<1x16xf32>,
      %swap3A_52 = arith.index_cast %add3A_37 : i32 to index
      %swap3A_53 = arith.constant 48 : index
      %swap3A_54 = tpu.vector_load %arg6[%swap3A_52, %swap3A_53] {strides = array<i32>} : memref<40x128xf32, #tpu.memory_space<vmem>>, vector<1x16xf32>,
      %swap3A_55 = vector.shape_cast %swap3A_54 : vector<1x16xf32> to vector<16xf32>
      %swap3A_56 = vector.shape_cast %broadcast_in_dim3A_3 : vector<16xf32> to vector<1x16xf32>
      tpu.vector_store %arg6[%swap3A_52, %swap3A_53], %swap3A_56 {strides = array<i32>} : memref<40x128xf32, #tpu.memory_space<vmem>>, vector<1x16xf32>,
      %swap3A_57 = arith.index_cast %add3A_37 : i32 to index
      %swap3A_58 = arith.constant 64 : index
      %swap3A_59 = tpu.vector_load %arg6[%swap3A_57, %swap3A_58] {strides = array<i32>} : memref<40x128xf32, #tpu.memory_space<vmem>>, vector<1x16xf32>,
      %swap3A_60 = vector.shape_cast %swap3A_59 : vector<1x16xf32> to vector<16xf32>
      %swap3A_61 = vector.shape_cast %broadcast_in_dim3A_3 : vector<16xf32> to vector<1x16xf32>
      tpu.vector_store %arg6[%swap3A_57, %swap3A_58], %swap3A_61 {strides = array<i32>} : memref<40x128xf32, #tpu.memory_space<vmem>>, vector<1x16xf32>,
      %swap3A_62 = arith.index_cast %add3A_37 : i32 to index
      %swap3A_63 = arith.constant 80 : index
      %swap3A_64 = tpu.vector_load %arg6[%swap3A_62, %swap3A_63] {strides = array<i32>} : memref<40x128xf32, #tpu.memory_space<vmem>>, vector<1x16xf32>,
      %swap3A_65 = vector.shape_cast %swap3A_64 : vector<1x16xf32> to vector<16xf32>
      %swap3A_66 = vector.shape_cast %broadcast_in_dim3A_3 : vector<16xf32> to vector<1x16xf32>
      tpu.vector_store %arg6[%swap3A_62, %swap3A_63], %swap3A_66 {strides = array<i32>} : memref<40x128xf32, #tpu.memory_space<vmem>>, vector<1x16xf32>,
      %swap3A_67 = arith.index_cast %add3A_37 : i32 to index
      %swap3A_68 = arith.constant 96 : index
      %swap3A_69 = tpu.vector_load %arg6[%swap3A_67, %swap3A_68] {strides = array<i32>} : memref<40x128xf32, #tpu.memory_space<vmem>>, vector<1x16xf32>,
      %swap3A_70 = vector.shape_cast %swap3A_69 : vector<1x16xf32> to vector<16xf32>
      %swap3A_71 = vector.shape_cast %broadcast_in_dim3A_3 : vector<16xf32> to vector<1x16xf32>
      tpu.vector_store %arg6[%swap3A_67, %swap3A_68], %swap3A_71 {strides = array<i32>} : memref<40x128xf32, #tpu.memory_space<vmem>>, vector<1x16xf32>,
      %swap3A_72 = arith.index_cast %add3A_37 : i32 to index
      %swap3A_73 = arith.constant 112 : index
      %swap3A_74 = tpu.vector_load %arg6[%swap3A_72, %swap3A_73] {strides = array<i32>} : memref<40x128xf32, #tpu.memory_space<vmem>>, vector<1x16xf32>,
      %swap3A_75 = vector.shape_cast %swap3A_74 : vector<1x16xf32> to vector<16xf32>
      %swap3A_76 = vector.shape_cast %broadcast_in_dim3A_3 : vector<16xf32> to vector<1x16xf32>
      tpu.vector_store %arg6[%swap3A_72, %swap3A_73], %swap3A_76 {strides = array<i32>} : memref<40x128xf32, #tpu.memory_space<vmem>>, vector<1x16xf32>,
    }
    %scan3A_12 = arith.constant 40 : i32
    %scan3A_13 = arith.constant 0 : i32
    %scan3A_14 = arith.constant 26 : i32
    %scan3A_15 = arith.addi %scan3A_13, %scan3A_14 : i32
    %scan3A_16 = arith.constant 1 : i32
    scf.for %scan3A_33 = %scan3A_13 to %scan3A_15 step %scan3A_16  : i32 {
      %mul3A_34 = arith.constant 1 : i32
      %mul3A_35 = arith.muli %scan3A_33, %mul3A_34 : i32
      %add3A_36 = arith.constant 0 : i32
      %add3A_37 = arith.addi %add3A_36, %mul3A_35 : i32
      %mul3A_38 = arith.constant 24 : i32
      %mul3A_39 = arith.muli %add3A_37, %mul3A_38 : i32
      %add3A_40 = arith.addi %mul3A_0, %mul3A_39 : i32
      "tpu.region"() ({
        %run_scoped3A_41 = tpu.sem_alloc : memref<!tpu.dma_semaphore, #tpu.memory_space<semaphore_mem>>
        %dma_start3A = arith.constant 0 : i32
        %dma_start3A_42 = tpu.memref_slice %arg4[%add3A_40, %dma_start3A] : memref<10000x128xf32, #tpu.memory_space<vmem_shared>> -> memref<24x128xf32, #tpu.memory_space<vmem_shared>>
        %dma_start3A_43 = arith.constant 0 : i32
        %dma_start3A_44 = tpu.memref_slice %arg4[%add3A_40, %dma_start3A_43] : memref<10000x128xf32, #tpu.memory_space<vmem_shared>> -> memref<24x128xf32, #tpu.memory_space<vmem_shared>>
        tpu.enqueue_dma source(%arg7 : memref<24x128xf32, #tpu.memory_space<vmem>>) target(%dma_start3A_44 : memref<24x128xf32, #tpu.memory_space<vmem_shared>>) target_semaphore(%run_scoped3A_41 : memref<!tpu.dma_semaphore, #tpu.memory_space<semaphore_mem>>)
        %dma_wait3A = arith.constant 0 : i32
        %dma_wait3A_45 = tpu.memref_slice %arg4[%add3A_40, %dma_wait3A] : memref<10000x128xf32, #tpu.memory_space<vmem_shared>> -> memref<24x128xf32, #tpu.memory_space<vmem_shared>>
        %dma_wait3A_46 = arith.constant 0 : i32
        %dma_wait3A_47 = tpu.memref_slice %arg4[%add3A_40, %dma_wait3A_46] : memref<10000x128xf32, #tpu.memory_space<vmem_shared>> -> memref<24x128xf32, #tpu.memory_space<vmem_shared>>
        tpu.wait_dma2 semaphore(%run_scoped3A_41 : memref<!tpu.dma_semaphore, #tpu.memory_space<semaphore_mem>>) src(%arg7 : memref<24x128xf32, #tpu.memory_space<vmem>>) dst(%dma_wait3A_47 : memref<24x128xf32, #tpu.memory_space<vmem_shared>>)
        tpu.yield
      }) : () -> ()
    }
    %scan3A_17 = arith.constant 26 : i32
    %eq3A = arith.constant 0 : i32
    %eq3A_18 = arith.cmpi eq, %arg1, %eq3A : i32
    %convert_element_type3A = arith.extui %eq3A_18 : i1 to i32
    %cond3A = arith.constant 0 : i32
    %cond3A_19 = arith.cmpi ne, %convert_element_type3A, %cond3A : i32
    scf.if %cond3A_19 {
      "tpu.region"() ({
        %run_scoped3A_33 = tpu.sem_alloc : memref<!tpu.dma_semaphore, #tpu.memory_space<semaphore_mem>>
        %dma_start3A = arith.constant 0 : i32
        %dma_start3A_34 = arith.constant 0 : i32
        %dma_start3A_35 = tpu.memref_slice %arg7[%dma_start3A, %dma_start3A_34] : memref<24x128xf32, #tpu.memory_space<vmem>> -> memref<16x128xf32, #tpu.memory_space<vmem>>
        %dma_start3A_36 = arith.constant 9984 : i32
        %dma_start3A_37 = arith.constant 0 : i32
        %dma_start3A_38 = tpu.memref_slice %arg4[%dma_start3A_36, %dma_start3A_37] : memref<10000x128xf32, #tpu.memory_space<vmem_shared>> -> memref<16x128xf32, #tpu.memory_space<vmem_shared>>
        %dma_start3A_39 = arith.constant 9984 : i32
        %dma_start3A_40 = arith.constant 0 : i32
        %dma_start3A_41 = tpu.memref_slice %arg4[%dma_start3A_39, %dma_start3A_40] : memref<10000x128xf32, #tpu.memory_space<vmem_shared>> -> memref<16x128xf32, #tpu.memory_space<vmem_shared>>
        %dma_start3A_42 = arith.constant 0 : i32
        %dma_start3A_43 = arith.constant 0 : i32
        %dma_start3A_44 = tpu.memref_slice %arg7[%dma_start3A_42, %dma_start3A_43] : memref<24x128xf32, #tpu.memory_space<vmem>> -> memref<16x128xf32, #tpu.memory_space<vmem>>
        tpu.enqueue_dma source(%dma_start3A_44 : memref<16x128xf32, #tpu.memory_space<vmem>>) target(%dma_start3A_41 : memref<16x128xf32, #tpu.memory_space<vmem_shared>>) target_semaphore(%run_scoped3A_33 : memref<!tpu.dma_semaphore, #tpu.memory_space<semaphore_mem>>)
        %dma_wait3A = arith.constant 0 : i32
        %dma_wait3A_45 = arith.constant 0 : i32
        %dma_wait3A_46 = tpu.memref_slice %arg7[%dma_wait3A, %dma_wait3A_45] : memref<24x128xf32, #tpu.memory_space<vmem>> -> memref<16x128xf32, #tpu.memory_space<vmem>>
        %dma_wait3A_47 = arith.constant 9984 : i32
        %dma_wait3A_48 = arith.constant 0 : i32
        %dma_wait3A_49 = tpu.memref_slice %arg4[%dma_wait3A_47, %dma_wait3A_48] : memref<10000x128xf32, #tpu.memory_space<vmem_shared>> -> memref<16x128xf32, #tpu.memory_space<vmem_shared>>
        %dma_wait3A_50 = arith.constant 9984 : i32
        %dma_wait3A_51 = arith.constant 0 : i32
        %dma_wait3A_52 = tpu.memref_slice %arg4[%dma_wait3A_50, %dma_wait3A_51] : memref<10000x128xf32, #tpu.memory_space<vmem_shared>> -> memref<16x128xf32, #tpu.memory_space<vmem_shared>>
        %dma_wait3A_53 = arith.constant 0 : i32
        %dma_wait3A_54 = arith.constant 0 : i32
        %dma_wait3A_55 = tpu.memref_slice %arg7[%dma_wait3A_53, %dma_wait3A_54] : memref<24x128xf32, #tpu.memory_space<vmem>> -> memref<16x128xf32, #tpu.memory_space<vmem>>
        tpu.wait_dma2 semaphore(%run_scoped3A_33 : memref<!tpu.dma_semaphore, #tpu.memory_space<semaphore_mem>>) src(%dma_wait3A_55 : memref<16x128xf32, #tpu.memory_space<vmem>>) dst(%dma_wait3A_52 : memref<16x128xf32, #tpu.memory_space<vmem_shared>>)
        tpu.yield
      }) : () -> ()
    } else {
    }
    %barrier3A = arith.constant 0 : index
    tpu.barrier barrier_id(%barrier3A)
    "tpu.region"() ({
      %run_scoped3A_33 = tpu.sem_alloc : memref<!tpu.dma_semaphore, #tpu.memory_space<semaphore_mem>>
      %dma_start3A = arith.constant 0 : i32
      %dma_start3A_34 = arith.constant 0 : i32
      %dma_start3A_35 = tpu.memref_slice %arg2[%arg0, %arg1, %dma_start3A, %dma_start3A_34] : memref<2x16x125x40xi32, #tpu.memory_space<hbm>> -> memref<1x1x125x40xi32, #tpu.memory_space<hbm>>
      %dma_start3A_36 = tpu.memref_squeeze %dma_start3A_35 : memref<1x1x125x40xi32, #tpu.memory_space<hbm>> -> memref<125x40xi32, #tpu.memory_space<hbm>>
      %dma_start3A_37 = arith.constant 0 : i32
      %dma_start3A_38 = arith.constant 0 : i32
      %dma_start3A_39 = tpu.memref_slice %arg2[%arg0, %arg1, %dma_start3A_37, %dma_start3A_38] : memref<2x16x125x40xi32, #tpu.memory_space<hbm>> -> memref<1x1x125x40xi32, #tpu.memory_space<hbm>>
      %dma_start3A_40 = tpu.memref_squeeze %dma_start3A_39 : memref<1x1x125x40xi32, #tpu.memory_space<hbm>> -> memref<125x40xi32, #tpu.memory_space<hbm>>
      tpu.enqueue_dma source(%dma_start3A_40 : memref<125x40xi32, #tpu.memory_space<hbm>>) target(%arg5 : memref<125x40xi32, #tpu.memory_space<vmem>>) target_semaphore(%run_scoped3A_33 : memref<!tpu.dma_semaphore, #tpu.memory_space<semaphore_mem>>)
      %dma_wait3A = arith.constant 0 : i32
      %dma_wait3A_41 = arith.constant 0 : i32
      %dma_wait3A_42 = tpu.memref_slice %arg2[%arg0, %arg1, %dma_wait3A, %dma_wait3A_41] : memref<2x16x125x40xi32, #tpu.memory_space<hbm>> -> memref<1x1x125x40xi32, #tpu.memory_space<hbm>>
      %dma_wait3A_43 = tpu.memref_squeeze %dma_wait3A_42 : memref<1x1x125x40xi32, #tpu.memory_space<hbm>> -> memref<125x40xi32, #tpu.memory_space<hbm>>
      %dma_wait3A_44 = arith.constant 0 : i32
      %dma_wait3A_45 = arith.constant 0 : i32
      %dma_wait3A_46 = tpu.memref_slice %arg2[%arg0, %arg1, %dma_wait3A_44, %dma_wait3A_45] : memref<2x16x125x40xi32, #tpu.memory_space<hbm>> -> memref<1x1x125x40xi32, #tpu.memory_space<hbm>>
      %dma_wait3A_47 = tpu.memref_squeeze %dma_wait3A_46 : memref<1x1x125x40xi32, #tpu.memory_space<hbm>> -> memref<125x40xi32, #tpu.memory_space<hbm>>
      tpu.wait_dma2 semaphore(%run_scoped3A_33 : memref<!tpu.dma_semaphore, #tpu.memory_space<semaphore_mem>>) src(%dma_wait3A_47 : memref<125x40xi32, #tpu.memory_space<hbm>>) dst(%arg5 : memref<125x40xi32, #tpu.memory_space<vmem>>)
      tpu.yield
    }) : () -> ()
    %scan3A_20 = arith.constant 0 : i32
    %scan3A_21 = arith.constant 62 : i32
    %scan3A_22 = arith.addi %scan3A_20, %scan3A_21 : i32
    %scan3A_23 = arith.constant 1 : i32
    scf.for %scan3A_33 = %scan3A_20 to %scan3A_22 step %scan3A_23  : i32 {
      %mul3A_34 = arith.constant 2 : i32
      %mul3A_35 = arith.muli %scan3A_33, %mul3A_34 : i32
      %add3A_36 = arith.constant 0 : i32
      %add3A_37 = arith.addi %add3A_36, %mul3A_35 : i32
      %dma_start3A = arith.constant 0 : i32
      %dma_start3A_38 = tpu.memref_slice %arg5[%add3A_37, %dma_start3A] : memref<125x40xi32, #tpu.memory_space<vmem>> -> memref<1x40xi32, #tpu.memory_space<vmem>>
      %dma_start3A_39 = tpu.memref_squeeze %dma_start3A_38 : memref<1x40xi32, #tpu.memory_space<vmem>> -> memref<40xi32, #tpu.memory_space<vmem>>
      %dma_start3A_40 = arith.constant 0 : i32
      %dma_start3A_41 = arith.constant 0 : i32
      %dma_start3A_42 = tpu.memref_slice %arg4[%dma_start3A_40, %dma_start3A_41] : memref<10000x128xf32, #tpu.memory_space<vmem_shared>> -> memref<10000x128xf32, #tpu.memory_space<vmem_shared>>
      tpu.enqueue_indirect_dma source(%arg6 : memref<40x128xf32, #tpu.memory_space<vmem>>) target(%dma_start3A_42 : memref<10000x128xf32, #tpu.memory_space<vmem_shared>>) offsets(%dma_start3A_39 : memref<40xi32, #tpu.memory_space<vmem>>) semaphore(%arg8 : memref<!tpu.dma_semaphore, #tpu.memory_space<semaphore_mem>>) {add = true}
      %add3A_43 = arith.constant 1 : i32
      %add3A_44 = arith.addi %add3A_37, %add3A_43 : i32
      %dma_start3A_45 = arith.constant 0 : i32
      %dma_start3A_46 = tpu.memref_slice %arg5[%add3A_44, %dma_start3A_45] : memref<125x40xi32, #tpu.memory_space<vmem>> -> memref<1x40xi32, #tpu.memory_space<vmem>>
      %dma_start3A_47 = tpu.memref_squeeze %dma_start3A_46 : memref<1x40xi32, #tpu.memory_space<vmem>> -> memref<40xi32, #tpu.memory_space<vmem>>
      %dma_start3A_48 = arith.constant 0 : i32
      %dma_start3A_49 = arith.constant 0 : i32
      %dma_start3A_50 = tpu.memref_slice %arg4[%dma_start3A_48, %dma_start3A_49] : memref<10000x128xf32, #tpu.memory_space<vmem_shared>> -> memref<10000x128xf32, #tpu.memory_space<vmem_shared>>
      tpu.enqueue_indirect_dma source(%arg6 : memref<40x128xf32, #tpu.memory_space<vmem>>) target(%dma_start3A_50 : memref<10000x128xf32, #tpu.memory_space<vmem_shared>>) offsets(%dma_start3A_47 : memref<40xi32, #tpu.memory_space<vmem>>) semaphore(%arg9 : memref<!tpu.dma_semaphore, #tpu.memory_space<semaphore_mem>>) {add = true}
      %dma_wait3A = arith.constant 0 : i32
      %dma_wait3A_51 = tpu.memref_slice %arg5[%add3A_37, %dma_wait3A] : memref<125x40xi32, #tpu.memory_space<vmem>> -> memref<1x40xi32, #tpu.memory_space<vmem>>
      %dma_wait3A_52 = tpu.memref_squeeze %dma_wait3A_51 : memref<1x40xi32, #tpu.memory_space<vmem>> -> memref<40xi32, #tpu.memory_space<vmem>>
      %dma_wait3A_53 = arith.constant 0 : i32
      %dma_wait3A_54 = arith.constant 0 : i32
      %dma_wait3A_55 = tpu.memref_slice %arg4[%dma_wait3A_53, %dma_wait3A_54] : memref<10000x128xf32, #tpu.memory_space<vmem_shared>> -> memref<10000x128xf32, #tpu.memory_space<vmem_shared>>
      tpu.wait_indirect_dma semaphore(%arg8 : memref<!tpu.dma_semaphore, #tpu.memory_space<semaphore_mem>>) src(%arg6 : memref<40x128xf32, #tpu.memory_space<vmem>>) dst(%dma_wait3A_55 : memref<10000x128xf32, #tpu.memory_space<vmem_shared>>)
      %dma_wait3A_56 = arith.constant 0 : i32
      %dma_wait3A_57 = tpu.memref_slice %arg5[%add3A_44, %dma_wait3A_56] : memref<125x40xi32, #tpu.memory_space<vmem>> -> memref<1x40xi32, #tpu.memory_space<vmem>>
      %dma_wait3A_58 = tpu.memref_squeeze %dma_wait3A_57 : memref<1x40xi32, #tpu.memory_space<vmem>> -> memref<40xi32, #tpu.memory_space<vmem>>
      %dma_wait3A_59 = arith.constant 0 : i32
      %dma_wait3A_60 = arith.constant 0 : i32
      %dma_wait3A_61 = tpu.memref_slice %arg4[%dma_wait3A_59, %dma_wait3A_60] : memref<10000x128xf32, #tpu.memory_space<vmem_shared>> -> memref<10000x128xf32, #tpu.memory_space<vmem_shared>>
      tpu.wait_indirect_dma semaphore(%arg9 : memref<!tpu.dma_semaphore, #tpu.memory_space<semaphore_mem>>) src(%arg6 : memref<40x128xf32, #tpu.memory_space<vmem>>) dst(%dma_wait3A_61 : memref<10000x128xf32, #tpu.memory_space<vmem_shared>>)
    }
    %scan3A_24 = arith.constant 62 : i32
    %run_scoped3A = arith.constant 124 : i32
    "tpu.region"() ({
      %run_scoped3A_33 = tpu.sem_alloc : memref<!tpu.dma_semaphore, #tpu.memory_space<semaphore_mem>>
      %dma_start3A = arith.constant 0 : i32
      %dma_start3A_34 = tpu.memref_slice %arg5[%run_scoped3A, %dma_start3A] : memref<125x40xi32, #tpu.memory_space<vmem>> -> memref<1x40xi32, #tpu.memory_space<vmem>>
      %dma_start3A_35 = tpu.memref_squeeze %dma_start3A_34 : memref<1x40xi32, #tpu.memory_space<vmem>> -> memref<40xi32, #tpu.memory_space<vmem>>
      %dma_start3A_36 = arith.constant 0 : i32
      %dma_start3A_37 = arith.constant 0 : i32
      %dma_start3A_38 = tpu.memref_slice %arg4[%dma_start3A_36, %dma_start3A_37] : memref<10000x128xf32, #tpu.memory_space<vmem_shared>> -> memref<10000x128xf32, #tpu.memory_space<vmem_shared>>
      tpu.enqueue_indirect_dma source(%arg6 : memref<40x128xf32, #tpu.memory_space<vmem>>) target(%dma_start3A_38 : memref<10000x128xf32, #tpu.memory_space<vmem_shared>>) offsets(%dma_start3A_35 : memref<40xi32, #tpu.memory_space<vmem>>) semaphore(%run_scoped3A_33 : memref<!tpu.dma_semaphore, #tpu.memory_space<semaphore_mem>>) {add = true}
      %dma_wait3A = arith.constant 0 : i32
      %dma_wait3A_39 = tpu.memref_slice %arg5[%run_scoped3A, %dma_wait3A] : memref<125x40xi32, #tpu.memory_space<vmem>> -> memref<1x40xi32, #tpu.memory_space<vmem>>
      %dma_wait3A_40 = tpu.memref_squeeze %dma_wait3A_39 : memref<1x40xi32, #tpu.memory_space<vmem>> -> memref<40xi32, #tpu.memory_space<vmem>>
      %dma_wait3A_41 = arith.constant 0 : i32
      %dma_wait3A_42 = arith.constant 0 : i32
      %dma_wait3A_43 = tpu.memref_slice %arg4[%dma_wait3A_41, %dma_wait3A_42] : memref<10000x128xf32, #tpu.memory_space<vmem_shared>> -> memref<10000x128xf32, #tpu.memory_space<vmem_shared>>
      tpu.wait_indirect_dma semaphore(%run_scoped3A_33 : memref<!tpu.dma_semaphore, #tpu.memory_space<semaphore_mem>>) src(%arg6 : memref<40x128xf32, #tpu.memory_space<vmem>>) dst(%dma_wait3A_43 : memref<10000x128xf32, #tpu.memory_space<vmem_shared>>)
      tpu.yield
    }) : () -> ()
    %barrier3A_25 = arith.constant 0 : index
    tpu.barrier barrier_id(%barrier3A_25)
    %mul3A_26 = arith.constant 10000 : i32
    %mul3A_27 = arith.muli %arg0, %mul3A_26 : i32
    %add3A = arith.addi %mul3A_27, %mul3A_0 : i32
    "tpu.region"() ({
      %run_scoped3A_33 = tpu.sem_alloc : memref<!tpu.dma_semaphore, #tpu.memory_space<semaphore_mem>>
      %dma_start3A = arith.constant 0 : i32
      %dma_start3A_34 = tpu.memref_slice %arg3[%add3A, %dma_start3A] : memref<20000x128xf32, #tpu.memory_space<hbm>> -> memref<624x128xf32, #tpu.memory_space<hbm>>
      %dma_start3A_35 = arith.constant 0 : i32
      %dma_start3A_36 = tpu.memref_slice %arg4[%mul3A_0, %dma_start3A_35] : memref<10000x128xf32, #tpu.memory_space<vmem_shared>> -> memref<624x128xf32, #tpu.memory_space<vmem_shared>>
      tpu.enqueue_dma source(%dma_start3A_36 : memref<624x128xf32, #tpu.memory_space<vmem_shared>>) target(%dma_start3A_34 : memref<624x128xf32, #tpu.memory_space<hbm>>) target_semaphore(%run_scoped3A_33 : memref<!tpu.dma_semaphore, #tpu.memory_space<semaphore_mem>>)
      %dma_wait3A = arith.constant 0 : i32
      %dma_wait3A_37 = tpu.memref_slice %arg3[%add3A, %dma_wait3A] : memref<20000x128xf32, #tpu.memory_space<hbm>> -> memref<624x128xf32, #tpu.memory_space<hbm>>
      %dma_wait3A_38 = arith.constant 0 : i32
      %dma_wait3A_39 = tpu.memref_slice %arg4[%mul3A_0, %dma_wait3A_38] : memref<10000x128xf32, #tpu.memory_space<vmem_shared>> -> memref<624x128xf32, #tpu.memory_space<vmem_shared>>
      tpu.wait_dma2 semaphore(%run_scoped3A_33 : memref<!tpu.dma_semaphore, #tpu.memory_space<semaphore_mem>>) src(%dma_wait3A_39 : memref<624x128xf32, #tpu.memory_space<vmem_shared>>) dst(%dma_wait3A_37 : memref<624x128xf32, #tpu.memory_space<hbm>>)
      tpu.yield
    }) : () -> ()
    %eq3A_28 = arith.constant 0 : i32
    %eq3A_29 = arith.cmpi eq, %arg1, %eq3A_28 : i32
    %convert_element_type3A_30 = arith.extui %eq3A_29 : i1 to i32
    %cond3A_31 = arith.constant 0 : i32
    %cond3A_32 = arith.cmpi ne, %convert_element_type3A_30, %cond3A_31 : i32
    scf.if %cond3A_32 {
      %mul3A_33 = arith.constant 10000 : i32
      %mul3A_34 = arith.muli %arg0, %mul3A_33 : i32
      %add3A_35 = arith.constant 9984 : i32
      %add3A_36 = arith.addi %mul3A_34, %add3A_35 : i32
      "tpu.region"() ({
        %run_scoped3A_37 = tpu.sem_alloc : memref<!tpu.dma_semaphore, #tpu.memory_space<semaphore_mem>>
        %dma_start3A = arith.constant 0 : i32
        %dma_start3A_38 = tpu.memref_slice %arg3[%add3A_36, %dma_start3A] : memref<20000x128xf32, #tpu.memory_space<hbm>> -> memref<16x128xf32, #tpu.memory_space<hbm>>
        %dma_start3A_39 = arith.constant 9984 : i32
        %dma_start3A_40 = arith.constant 0 : i32
        %dma_start3A_41 = tpu.memref_slice %arg4[%dma_start3A_39, %dma_start3A_40] : memref<10000x128xf32, #tpu.memory_space<vmem_shared>> -> memref<16x128xf32, #tpu.memory_space<vmem_shared>>
        tpu.enqueue_dma source(%dma_start3A_41 : memref<16x128xf32, #tpu.memory_space<vmem_shared>>) target(%dma_start3A_38 : memref<16x128xf32, #tpu.memory_space<hbm>>) target_semaphore(%run_scoped3A_37 : memref<!tpu.dma_semaphore, #tpu.memory_space<semaphore_mem>>)
        %dma_wait3A = arith.constant 0 : i32
        %dma_wait3A_42 = tpu.memref_slice %arg3[%add3A_36, %dma_wait3A] : memref<20000x128xf32, #tpu.memory_space<hbm>> -> memref<16x128xf32, #tpu.memory_space<hbm>>
        %dma_wait3A_43 = arith.constant 9984 : i32
        %dma_wait3A_44 = arith.constant 0 : i32
        %dma_wait3A_45 = tpu.memref_slice %arg4[%dma_wait3A_43, %dma_wait3A_44] : memref<10000x128xf32, #tpu.memory_space<vmem_shared>> -> memref<16x128xf32, #tpu.memory_space<vmem_shared>>
        tpu.wait_dma2 semaphore(%run_scoped3A_37 : memref<!tpu.dma_semaphore, #tpu.memory_space<semaphore_mem>>) src(%dma_wait3A_45 : memref<16x128xf32, #tpu.memory_space<vmem_shared>>) dst(%dma_wait3A_42 : memref<16x128xf32, #tpu.memory_space<hbm>>)
        tpu.yield
      }) : () -> ()
    } else {
    }
    return
  }
}

module attributes {stable_mosaic.version = 14 : i64} {
  func.func @_l1_body(%arg0: i32, %arg1: i32, %arg2: memref<1000x256xf32, #tpu.memory_space<vmem>>, %arg3: memref<256x256xf32, #tpu.memory_space<vmem>>, %arg4: memref<1x256xf32, #tpu.memory_space<vmem>>, %arg5: memref<256x128xf32, #tpu.memory_space<vmem>>, %arg6: memref<1000x256xf32, #tpu.memory_space<vmem>>, %arg7: memref<1000x128xf32, #tpu.memory_space<vmem>>) attributes {dimension_semantics = [#tpu.dimension_semantics<arbitrary>, #tpu.dimension_semantics<arbitrary>], iteration_bounds = array<i64: 10, 2>, scalar_prefetch = 0 : i64, scratch_operands = 0 : i64, tpu.core_type = #tpu.core_type<tc>, window_params = [{transform_indices = @transform_0, window_bounds = array<i64: 1000, 256>}, {pipeline_mode = #tpu.pipeline_mode<synchronous>, transform_indices = @transform_1, window_bounds = array<i64: 256, 256>}, {pipeline_mode = #tpu.pipeline_mode<synchronous>, transform_indices = @transform_2, window_bounds = array<i64: 1, 256>}, {transform_indices = @transform_3, window_bounds = array<i64: 256, 128>}, {transform_indices = @transform_4, window_bounds = array<i64: 1000, 256>}, {transform_indices = @transform_5, window_bounds = array<i64: 1000, 128>}]} {
    %eq3A = arith.constant 0 : i32
    %eq3A_0 = arith.cmpi eq, %arg1, %eq3A : i32
    %convert_element_type3A = arith.extui %eq3A_0 : i1 to i32
    %cond3A = arith.constant 0 : i32
    %cond3A_1 = arith.cmpi ne, %convert_element_type3A, %cond3A : i32
    scf.if %cond3A_1 {
      %get3A_10 = arith.constant 0 : index
      %get3A_11 = arith.constant 0 : index
      %get3A_12 = vector.load %arg2[%get3A_10, %get3A_11] : memref<1000x256xf32, #tpu.memory_space<vmem>>, vector<1000x256xf32>
      %get3A_13 = arith.constant 0 : index
      %get3A_14 = arith.constant 0 : index
      %get3A_15 = vector.load %arg3[%get3A_13, %get3A_14] : memref<256x256xf32, #tpu.memory_space<vmem>>, vector<256x256xf32>
      %dot_general3A_16 = arith.constant dense<0.000000e+00> : vector<1000x256xf32>
      %dot_general3A_17 = tpu.matmul %get3A_12, %get3A_15, %dot_general3A_16 {dimension_numbers = #tpu.dot_dimension_numbers<[1], [0], [0], [1], [0, 0, 1, 1], [], []>, transpose_lhs_hint = false} : vector<1000x256xf32>, vector<256x256xf32>, vector<1000x256xf32> -> vector<1000x256xf32>
      %get3A_18 = arith.constant 0 : index
      %get3A_19 = arith.constant 0 : index
      %get3A_20 = vector.load %arg4[%get3A_18, %get3A_19] : memref<1x256xf32, #tpu.memory_space<vmem>>, vector<1x256xf32>
      %add3A = vector.broadcast %get3A_20 : vector<1x256xf32> to vector<1000x256xf32>
      %add3A_21 = arith.addf %dot_general3A_17, %add3A : vector<1000x256xf32>
      %max3A = arith.constant 0.000000e+00 : f32
      %max3A_22 = vector.broadcast %max3A : f32 to vector<1000x256xf32>
      %max3A_23 = arith.maximumf %add3A_21, %max3A_22 : vector<1000x256xf32>
      %swap3A_24 = arith.constant 0 : index
      %swap3A_25 = arith.constant 0 : index
      %swap3A_26 = vector.load %arg6[%swap3A_24, %swap3A_25] : memref<1000x256xf32, #tpu.memory_space<vmem>>, vector<1000x256xf32>
      tpu.vector_store %arg6[%swap3A_24, %swap3A_25], %max3A_23 {strides = array<i32>} : memref<1000x256xf32, #tpu.memory_space<vmem>>, vector<1000x256xf32>,
    } else {
    }
    %get3A = arith.constant 0 : index
    %get3A_2 = arith.constant 0 : index
    %get3A_3 = vector.load %arg2[%get3A, %get3A_2] : memref<1000x256xf32, #tpu.memory_space<vmem>>, vector<1000x256xf32>
    %get3A_4 = arith.constant 0 : index
    %get3A_5 = arith.constant 0 : index
    %get3A_6 = vector.load %arg5[%get3A_4, %get3A_5] : memref<256x128xf32, #tpu.memory_space<vmem>>, vector<256x128xf32>
    %dot_general3A = arith.constant dense<0.000000e+00> : vector<1000x128xf32>
    %dot_general3A_7 = tpu.matmul %get3A_3, %get3A_6, %dot_general3A {dimension_numbers = #tpu.dot_dimension_numbers<[1], [0], [0], [1], [0, 0, 1, 1], [], []>, transpose_lhs_hint = false} : vector<1000x256xf32>, vector<256x128xf32>, vector<1000x128xf32> -> vector<1000x128xf32>
    %swap3A = arith.constant 0 : index
    %swap3A_8 = arith.constant 0 : index
    %swap3A_9 = vector.load %arg7[%swap3A, %swap3A_8] : memref<1000x128xf32, #tpu.memory_space<vmem>>, vector<1000x128xf32>
    tpu.vector_store %arg7[%swap3A, %swap3A_8], %dot_general3A_7 {strides = array<i32>} : memref<1000x128xf32, #tpu.memory_space<vmem>>, vector<1000x128xf32>,
    return
  }
  func.func @transform_0(%arg0: i32, %arg1: i32) -> (i32, i32) {
    %c0_i32 = arith.constant 0 : i32
    %c0_i32_0 = arith.constant 0 : i32
    return %arg0, %c0_i32 : i32, i32
  }
  func.func @transform_1(%arg0: i32, %arg1: i32) -> (i32, i32) {
    %c0_i32 = arith.constant 0 : i32
    %c0_i32_0 = arith.constant 0 : i32
    %c0_i32_1 = arith.constant 0 : i32
    return %c0_i32, %c0_i32_0 : i32, i32
  }
  func.func @transform_2(%arg0: i32, %arg1: i32) -> (i32, i32) {
    %c0_i32 = arith.constant 0 : i32
    %c0_i32_0 = arith.constant 0 : i32
    %c0_i32_1 = arith.constant 0 : i32
    return %c0_i32, %c0_i32_0 : i32, i32
  }
  func.func @transform_3(%arg0: i32, %arg1: i32) -> (i32, i32) {
    %c0_i32 = arith.constant 0 : i32
    %c0_i32_0 = arith.constant 0 : i32
    return %c0_i32, %arg1 : i32, i32
  }
  func.func @transform_4(%arg0: i32, %arg1: i32) -> (i32, i32) {
    %c0_i32 = arith.constant 0 : i32
    %c0_i32_0 = arith.constant 0 : i32
    return %arg0, %c0_i32 : i32, i32
  }
  func.func @transform_5(%arg0: i32, %arg1: i32) -> (i32, i32) {
    %mul3A = arith.constant 10 : i32
    %mul3A_0 = arith.muli %arg1, %mul3A : i32
    %add3A = arith.addi %mul3A_0, %arg0 : i32
    %c0_i32 = arith.constant 0 : i32
    %c0_i32_1 = arith.constant 0 : i32
    return %add3A, %c0_i32 : i32, i32
  }
}

module attributes {stable_mosaic.version = 14 : i64} {
  func.func @_l2_body(%arg0: i32, %arg1: i32, %arg2: memref<1000x256xf32, #tpu.memory_space<vmem>>, %arg3: memref<1000x128xf32, #tpu.memory_space<vmem>>, %arg4: memref<1000x128xf32, #tpu.memory_space<vmem>>, %arg5: memref<1000x128xf32, #tpu.memory_space<vmem>>, %arg6: memref<1000x128xf32, #tpu.memory_space<vmem>>, %arg7: memref<1x256xf32, #tpu.memory_space<vmem>>, %arg8: memref<512x256xf32, #tpu.memory_space<vmem>>, %arg9: memref<1x256xf32, #tpu.memory_space<vmem>>, %arg10: memref<512x128xf32, #tpu.memory_space<vmem>>, %arg11: memref<1000x256xf32, #tpu.memory_space<vmem>>, %arg12: memref<1000x128xf32, #tpu.memory_space<vmem>>, %arg13: memref<1000x256xf32, #tpu.memory_space<vmem>>) attributes {dimension_semantics = [#tpu.dimension_semantics<arbitrary>, #tpu.dimension_semantics<arbitrary>], iteration_bounds = array<i64: 10, 2>, scalar_prefetch = 0 : i64, scratch_operands = 1 : i64, tpu.core_type = #tpu.core_type<tc>, window_params = [{transform_indices = @transform_0, window_bounds = array<i64: 1000, 256>}, {transform_indices = @transform_1, window_bounds = array<i64: 1000, 128>}, {transform_indices = @transform_2, window_bounds = array<i64: 1000, 128>}, {transform_indices = @transform_3, window_bounds = array<i64: 1000, 128>}, {transform_indices = @transform_4, window_bounds = array<i64: 1000, 128>}, {pipeline_mode = #tpu.pipeline_mode<synchronous>, transform_indices = @transform_5, window_bounds = array<i64: 1, 256>}, {pipeline_mode = #tpu.pipeline_mode<synchronous>, transform_indices = @transform_6, window_bounds = array<i64: 512, 256>}, {pipeline_mode = #tpu.pipeline_mode<synchronous>, transform_indices = @transform_7, window_bounds = array<i64: 1, 256>}, {transform_indices = @transform_8, window_bounds = array<i64: 512, 128>}, {transform_indices = @transform_9, window_bounds = array<i64: 1000, 256>}, {transform_indices = @transform_10, window_bounds = array<i64: 1000, 128>}]} {
    %eq3A = arith.constant 0 : i32
    %eq3A_0 = arith.cmpi eq, %arg1, %eq3A : i32
    %convert_element_type3A = arith.extui %eq3A_0 : i1 to i32
    %cond3A = arith.constant 0 : i32
    %cond3A_1 = arith.cmpi ne, %convert_element_type3A, %cond3A : i32
    scf.if %cond3A_1 {
      %get3A_16 = arith.constant 0 : index
      %get3A_17 = arith.constant 0 : index
      %get3A_18 = vector.load %arg5[%get3A_16, %get3A_17] : memref<1000x128xf32, #tpu.memory_space<vmem>>, vector<1000x1xf32>
      %get3A_19 = arith.constant 0 : index
      %get3A_20 = arith.constant 0 : index
      %get3A_21 = vector.load %arg6[%get3A_19, %get3A_20] : memref<1000x128xf32, #tpu.memory_space<vmem>>, vector<1000x1xf32>
      %add3A_22 = arith.addf %get3A_18, %get3A_21 : vector<1000x1xf32>
      %max3A = arith.constant 1.000000e+00 : f32
      %max3A_23 = vector.broadcast %max3A : f32 to vector<1000x1xf32>
      %max3A_24 = arith.maximumf %add3A_22, %max3A_23 : vector<1000x1xf32>
      %get3A_25 = arith.constant 0 : index
      %get3A_26 = arith.constant 0 : index
      %get3A_27 = vector.load %arg3[%get3A_25, %get3A_26] : memref<1000x128xf32, #tpu.memory_space<vmem>>, vector<1000x128xf32>
      %get3A_28 = arith.constant 0 : index
      %get3A_29 = arith.constant 0 : index
      %get3A_30 = vector.load %arg4[%get3A_28, %get3A_29] : memref<1000x128xf32, #tpu.memory_space<vmem>>, vector<1000x128xf32>
      %concatenate3A = tpu.concatenate %get3A_27, %get3A_30 in 1 : vector<1000x128xf32>, vector<1000x128xf32> -> vector<1000x256xf32>
      %div3A = vector.broadcast %max3A_24 : vector<1000x1xf32> to vector<1000x256xf32>
      %div3A_31 = arith.divf %concatenate3A, %div3A : vector<1000x256xf32>
      %get3A_32 = arith.constant 0 : index
      %get3A_33 = arith.constant 0 : index
      %get3A_34 = vector.load %arg7[%get3A_32, %get3A_33] : memref<1x256xf32, #tpu.memory_space<vmem>>, vector<1x256xf32>
      %add3A_35 = vector.broadcast %get3A_34 : vector<1x256xf32> to vector<1000x256xf32>
      %add3A_36 = arith.addf %div3A_31, %add3A_35 : vector<1000x256xf32>
      %max3A_37 = arith.constant 0.000000e+00 : f32
      %max3A_38 = vector.broadcast %max3A_37 : f32 to vector<1000x256xf32>
      %max3A_39 = arith.maximumf %add3A_36, %max3A_38 : vector<1000x256xf32>
      %swap3A_40 = arith.constant 0 : index
      %swap3A_41 = arith.constant 0 : index
      %swap3A_42 = vector.load %arg13[%swap3A_40, %swap3A_41] : memref<1000x256xf32, #tpu.memory_space<vmem>>, vector<1000x256xf32>
      tpu.vector_store %arg13[%swap3A_40, %swap3A_41], %max3A_39 {strides = array<i32>} : memref<1000x256xf32, #tpu.memory_space<vmem>>, vector<1000x256xf32>,
      %get3A_43 = arith.constant 0 : index
      %get3A_44 = arith.constant 0 : index
      %get3A_45 = vector.load %arg8[%get3A_43, %get3A_44] : memref<512x256xf32, #tpu.memory_space<vmem>>, vector<512x256xf32>
      %get3A_46 = arith.constant 0 : index
      %get3A_47 = arith.constant 0 : index
      %get3A_48 = vector.load %arg2[%get3A_46, %get3A_47] : memref<1000x256xf32, #tpu.memory_space<vmem>>, vector<1000x256xf32>
      %slice3A_49 = vector.extract_strided_slice %get3A_45 {offsets = [0, 0], sizes = [256, 256], strides = [1, 1]} : vector<512x256xf32> to vector<256x256xf32>
      %dot_general3A_50 = arith.constant dense<0.000000e+00> : vector<1000x256xf32>
      %dot_general3A_51 = tpu.matmul %get3A_48, %slice3A_49, %dot_general3A_50 {dimension_numbers = #tpu.dot_dimension_numbers<[1], [0], [0], [1], [0, 0, 1, 1], [], []>, transpose_lhs_hint = false} : vector<1000x256xf32>, vector<256x256xf32>, vector<1000x256xf32> -> vector<1000x256xf32>
      %slice3A_52 = vector.extract_strided_slice %get3A_45 {offsets = [256, 0], sizes = [256, 256], strides = [1, 1]} : vector<512x256xf32> to vector<256x256xf32>
      %dot_general3A_53 = arith.constant dense<0.000000e+00> : vector<1000x256xf32>
      %dot_general3A_54 = tpu.matmul %max3A_39, %slice3A_52, %dot_general3A_53 {dimension_numbers = #tpu.dot_dimension_numbers<[1], [0], [0], [1], [0, 0, 1, 1], [], []>, transpose_lhs_hint = false} : vector<1000x256xf32>, vector<256x256xf32>, vector<1000x256xf32> -> vector<1000x256xf32>
      %add3A_55 = arith.addf %dot_general3A_51, %dot_general3A_54 : vector<1000x256xf32>
      %get3A_56 = arith.constant 0 : index
      %get3A_57 = arith.constant 0 : index
      %get3A_58 = vector.load %arg9[%get3A_56, %get3A_57] : memref<1x256xf32, #tpu.memory_space<vmem>>, vector<1x256xf32>
      %add3A_59 = vector.broadcast %get3A_58 : vector<1x256xf32> to vector<1000x256xf32>
      %add3A_60 = arith.addf %add3A_55, %add3A_59 : vector<1000x256xf32>
      %max3A_61 = arith.constant 0.000000e+00 : f32
      %max3A_62 = vector.broadcast %max3A_61 : f32 to vector<1000x256xf32>
      %max3A_63 = arith.maximumf %add3A_60, %max3A_62 : vector<1000x256xf32>
      %swap3A_64 = arith.constant 0 : index
      %swap3A_65 = arith.constant 0 : index
      %swap3A_66 = vector.load %arg11[%swap3A_64, %swap3A_65] : memref<1000x256xf32, #tpu.memory_space<vmem>>, vector<1000x256xf32>
      tpu.vector_store %arg11[%swap3A_64, %swap3A_65], %max3A_63 {strides = array<i32>} : memref<1000x256xf32, #tpu.memory_space<vmem>>, vector<1000x256xf32>,
    } else {
    }
    %get3A = arith.constant 0 : index
    %get3A_2 = arith.constant 0 : index
    %get3A_3 = vector.load %arg10[%get3A, %get3A_2] : memref<512x128xf32, #tpu.memory_space<vmem>>, vector<512x128xf32>
    %get3A_4 = arith.constant 0 : index
    %get3A_5 = arith.constant 0 : index
    %get3A_6 = vector.load %arg2[%get3A_4, %get3A_5] : memref<1000x256xf32, #tpu.memory_space<vmem>>, vector<1000x256xf32>
    %slice3A = vector.extract_strided_slice %get3A_3 {offsets = [0, 0], sizes = [256, 128], strides = [1, 1]} : vector<512x128xf32> to vector<256x128xf32>
    %dot_general3A = arith.constant dense<0.000000e+00> : vector<1000x128xf32>
    %dot_general3A_7 = tpu.matmul %get3A_6, %slice3A, %dot_general3A {dimension_numbers = #tpu.dot_dimension_numbers<[1], [0], [0], [1], [0, 0, 1, 1], [], []>, transpose_lhs_hint = false} : vector<1000x256xf32>, vector<256x128xf32>, vector<1000x128xf32> -> vector<1000x128xf32>
    %get3A_8 = arith.constant 0 : index
    %get3A_9 = arith.constant 0 : index
    %get3A_10 = vector.load %arg13[%get3A_8, %get3A_9] : memref<1000x256xf32, #tpu.memory_space<vmem>>, vector<1000x256xf32>
    %slice3A_11 = vector.extract_strided_slice %get3A_3 {offsets = [256, 0], sizes = [256, 128], strides = [1, 1]} : vector<512x128xf32> to vector<256x128xf32>
    %dot_general3A_12 = arith.constant dense<0.000000e+00> : vector<1000x128xf32>
    %dot_general3A_13 = tpu.matmul %get3A_10, %slice3A_11, %dot_general3A_12 {dimension_numbers = #tpu.dot_dimension_numbers<[1], [0], [0], [1], [0, 0, 1, 1], [], []>, transpose_lhs_hint = false} : vector<1000x256xf32>, vector<256x128xf32>, vector<1000x128xf32> -> vector<1000x128xf32>
    %add3A = arith.addf %dot_general3A_7, %dot_general3A_13 : vector<1000x128xf32>
    %swap3A = arith.constant 0 : index
    %swap3A_14 = arith.constant 0 : index
    %swap3A_15 = vector.load %arg12[%swap3A, %swap3A_14] : memref<1000x128xf32, #tpu.memory_space<vmem>>, vector<1000x128xf32>
    tpu.vector_store %arg12[%swap3A, %swap3A_14], %add3A {strides = array<i32>} : memref<1000x128xf32, #tpu.memory_space<vmem>>, vector<1000x128xf32>,
    return
  }
  func.func @transform_0(%arg0: i32, %arg1: i32) -> (i32, i32) {
    %c0_i32 = arith.constant 0 : i32
    %c0_i32_0 = arith.constant 0 : i32
    return %arg0, %c0_i32 : i32, i32
  }
  func.func @transform_1(%arg0: i32, %arg1: i32) -> (i32, i32) {
    %c0_i32 = arith.constant 0 : i32
    %c0_i32_0 = arith.constant 0 : i32
    return %arg0, %c0_i32 : i32, i32
  }
  func.func @transform_2(%arg0: i32, %arg1: i32) -> (i32, i32) {
    %add3A = arith.constant 10 : i32
    %add3A_0 = arith.addi %add3A, %arg0 : i32
    %c0_i32 = arith.constant 0 : i32
    %c0_i32_1 = arith.constant 0 : i32
    return %add3A_0, %c0_i32 : i32, i32
  }
  func.func @transform_3(%arg0: i32, %arg1: i32) -> (i32, i32) {
    %c0_i32 = arith.constant 0 : i32
    %c0_i32_0 = arith.constant 0 : i32
    return %arg0, %c0_i32 : i32, i32
  }
  func.func @transform_4(%arg0: i32, %arg1: i32) -> (i32, i32) {
    %add3A = arith.constant 10 : i32
    %add3A_0 = arith.addi %add3A, %arg0 : i32
    %c0_i32 = arith.constant 0 : i32
    %c0_i32_1 = arith.constant 0 : i32
    return %add3A_0, %c0_i32 : i32, i32
  }
  func.func @transform_5(%arg0: i32, %arg1: i32) -> (i32, i32) {
    %c0_i32 = arith.constant 0 : i32
    %c0_i32_0 = arith.constant 0 : i32
    %c0_i32_1 = arith.constant 0 : i32
    return %c0_i32, %c0_i32_0 : i32, i32
  }
  func.func @transform_6(%arg0: i32, %arg1: i32) -> (i32, i32) {
    %c0_i32 = arith.constant 0 : i32
    %c0_i32_0 = arith.constant 0 : i32
    %c0_i32_1 = arith.constant 0 : i32
    return %c0_i32, %c0_i32_0 : i32, i32
  }
  func.func @transform_7(%arg0: i32, %arg1: i32) -> (i32, i32) {
    %c0_i32 = arith.constant 0 : i32
    %c0_i32_0 = arith.constant 0 : i32
    %c0_i32_1 = arith.constant 0 : i32
    return %c0_i32, %c0_i32_0 : i32, i32
  }
  func.func @transform_8(%arg0: i32, %arg1: i32) -> (i32, i32) {
    %c0_i32 = arith.constant 0 : i32
    %c0_i32_0 = arith.constant 0 : i32
    return %c0_i32, %arg1 : i32, i32
  }
  func.func @transform_9(%arg0: i32, %arg1: i32) -> (i32, i32) {
    %c0_i32 = arith.constant 0 : i32
    %c0_i32_0 = arith.constant 0 : i32
    return %arg0, %c0_i32 : i32, i32
  }
  func.func @transform_10(%arg0: i32, %arg1: i32) -> (i32, i32) {
    %mul3A = arith.constant 10 : i32
    %mul3A_0 = arith.muli %arg1, %mul3A : i32
    %add3A = arith.addi %mul3A_0, %arg0 : i32
    %c0_i32 = arith.constant 0 : i32
    %c0_i32_1 = arith.constant 0 : i32
    return %add3A, %c0_i32 : i32, i32
  }
}

module attributes {stable_mosaic.version = 14 : i64} {
  func.func @_l3_body(%arg0: i32, %arg1: memref<1000x256xf32, #tpu.memory_space<vmem>>, %arg2: memref<1000x128xf32, #tpu.memory_space<vmem>>, %arg3: memref<1000x128xf32, #tpu.memory_space<vmem>>, %arg4: memref<1000x128xf32, #tpu.memory_space<vmem>>, %arg5: memref<1000x128xf32, #tpu.memory_space<vmem>>, %arg6: memref<1x256xf32, #tpu.memory_space<vmem>>, %arg7: memref<512x64xf32, #tpu.memory_space<vmem>>, %arg8: memref<1x64xf32, #tpu.memory_space<vmem>>, %arg9: memref<1000x64xf32, #tpu.memory_space<vmem>>) attributes {dimension_semantics = [#tpu.dimension_semantics<arbitrary>], iteration_bounds = array<i64: 10>, scalar_prefetch = 0 : i64, scratch_operands = 0 : i64, tpu.core_type = #tpu.core_type<tc>, window_params = [{transform_indices = @transform_0, window_bounds = array<i64: 1000, 256>}, {transform_indices = @transform_1, window_bounds = array<i64: 1000, 128>}, {transform_indices = @transform_2, window_bounds = array<i64: 1000, 128>}, {transform_indices = @transform_3, window_bounds = array<i64: 1000, 128>}, {transform_indices = @transform_4, window_bounds = array<i64: 1000, 128>}, {pipeline_mode = #tpu.pipeline_mode<synchronous>, transform_indices = @transform_5, window_bounds = array<i64: 1, 256>}, {pipeline_mode = #tpu.pipeline_mode<synchronous>, transform_indices = @transform_6, window_bounds = array<i64: 512, 64>}, {pipeline_mode = #tpu.pipeline_mode<synchronous>, transform_indices = @transform_7, window_bounds = array<i64: 1, 64>}, {transform_indices = @transform_8, window_bounds = array<i64: 1000, 64>}]} {
    %get3A = arith.constant 0 : index
    %get3A_0 = arith.constant 0 : index
    %get3A_1 = vector.load %arg4[%get3A, %get3A_0] : memref<1000x128xf32, #tpu.memory_space<vmem>>, vector<1000x1xf32>
    %get3A_2 = arith.constant 0 : index
    %get3A_3 = arith.constant 0 : index
    %get3A_4 = vector.load %arg5[%get3A_2, %get3A_3] : memref<1000x128xf32, #tpu.memory_space<vmem>>, vector<1000x1xf32>
    %add3A = arith.addf %get3A_1, %get3A_4 : vector<1000x1xf32>
    %max3A = arith.constant 1.000000e+00 : f32
    %max3A_5 = vector.broadcast %max3A : f32 to vector<1000x1xf32>
    %max3A_6 = arith.maximumf %add3A, %max3A_5 : vector<1000x1xf32>
    %get3A_7 = arith.constant 0 : index
    %get3A_8 = arith.constant 0 : index
    %get3A_9 = vector.load %arg2[%get3A_7, %get3A_8] : memref<1000x128xf32, #tpu.memory_space<vmem>>, vector<1000x128xf32>
    %get3A_10 = arith.constant 0 : index
    %get3A_11 = arith.constant 0 : index
    %get3A_12 = vector.load %arg3[%get3A_10, %get3A_11] : memref<1000x128xf32, #tpu.memory_space<vmem>>, vector<1000x128xf32>
    %concatenate3A = tpu.concatenate %get3A_9, %get3A_12 in 1 : vector<1000x128xf32>, vector<1000x128xf32> -> vector<1000x256xf32>
    %div3A = vector.broadcast %max3A_6 : vector<1000x1xf32> to vector<1000x256xf32>
    %div3A_13 = arith.divf %concatenate3A, %div3A : vector<1000x256xf32>
    %get3A_14 = arith.constant 0 : index
    %get3A_15 = arith.constant 0 : index
    %get3A_16 = vector.load %arg6[%get3A_14, %get3A_15] : memref<1x256xf32, #tpu.memory_space<vmem>>, vector<1x256xf32>
    %add3A_17 = vector.broadcast %get3A_16 : vector<1x256xf32> to vector<1000x256xf32>
    %add3A_18 = arith.addf %div3A_13, %add3A_17 : vector<1000x256xf32>
    %max3A_19 = arith.constant 0.000000e+00 : f32
    %max3A_20 = vector.broadcast %max3A_19 : f32 to vector<1000x256xf32>
    %max3A_21 = arith.maximumf %add3A_18, %max3A_20 : vector<1000x256xf32>
    %get3A_22 = arith.constant 0 : index
    %get3A_23 = arith.constant 0 : index
    %get3A_24 = vector.load %arg1[%get3A_22, %get3A_23] : memref<1000x256xf32, #tpu.memory_space<vmem>>, vector<1000x256xf32>
    %mul3A = arith.mulf %get3A_24, %get3A_24 : vector<1000x256xf32>
    %reduce_sum3A = arith.constant dense<0.000000e+00> : vector<1000xf32>
    %reduce_sum3A_25 = vector.multi_reduction <add>, %mul3A, %reduce_sum3A [1] : vector<1000x256xf32> to vector<1000xf32>
    %broadcast_in_dim3A = vector.shape_cast %reduce_sum3A_25 : vector<1000xf32> to vector<1000x1xf32>
    %mul3A_26 = arith.mulf %max3A_21, %max3A_21 : vector<1000x256xf32>
    %reduce_sum3A_27 = arith.constant dense<0.000000e+00> : vector<1000xf32>
    %reduce_sum3A_28 = vector.multi_reduction <add>, %mul3A_26, %reduce_sum3A_27 [1] : vector<1000x256xf32> to vector<1000xf32>
    %broadcast_in_dim3A_29 = vector.shape_cast %reduce_sum3A_28 : vector<1000xf32> to vector<1000x1xf32>
    %add3A_30 = arith.addf %broadcast_in_dim3A, %broadcast_in_dim3A_29 : vector<1000x1xf32>
    %sqrt3A = math.sqrt %add3A_30 : vector<1000x1xf32>
    %max3A_31 = arith.constant 9.99999996E-13 : f32
    %max3A_32 = vector.broadcast %max3A_31 : f32 to vector<1000x1xf32>
    %max3A_33 = arith.maximumf %sqrt3A, %max3A_32 : vector<1000x1xf32>
    %div3A_34 = arith.constant 1.000000e+00 : f32
    %div3A_35 = vector.broadcast %div3A_34 : f32 to vector<1000x1xf32>
    %div3A_36 = arith.divf %div3A_35, %max3A_33 : vector<1000x1xf32>
    %get3A_37 = arith.constant 0 : index
    %get3A_38 = arith.constant 0 : index
    %get3A_39 = vector.load %arg7[%get3A_37, %get3A_38] : memref<512x64xf32, #tpu.memory_space<vmem>>, vector<512x64xf32>
    %mul3A_40 = vector.broadcast %div3A_36 : vector<1000x1xf32> to vector<1000x256xf32>
    %mul3A_41 = arith.mulf %get3A_24, %mul3A_40 : vector<1000x256xf32>
    %slice3A = vector.extract_strided_slice %get3A_39 {offsets = [0, 0], sizes = [256, 64], strides = [1, 1]} : vector<512x64xf32> to vector<256x64xf32>
    %dot_general3A = arith.constant dense<0.000000e+00> : vector<1000x64xf32>
    %dot_general3A_42 = tpu.matmul %mul3A_41, %slice3A, %dot_general3A {dimension_numbers = #tpu.dot_dimension_numbers<[1], [0], [0], [1], [0, 0, 1, 1], [], []>, transpose_lhs_hint = false} : vector<1000x256xf32>, vector<256x64xf32>, vector<1000x64xf32> -> vector<1000x64xf32>
    %mul3A_43 = vector.broadcast %div3A_36 : vector<1000x1xf32> to vector<1000x256xf32>
    %mul3A_44 = arith.mulf %max3A_21, %mul3A_43 : vector<1000x256xf32>
    %slice3A_45 = vector.extract_strided_slice %get3A_39 {offsets = [256, 0], sizes = [256, 64], strides = [1, 1]} : vector<512x64xf32> to vector<256x64xf32>
    %dot_general3A_46 = arith.constant dense<0.000000e+00> : vector<1000x64xf32>
    %dot_general3A_47 = tpu.matmul %mul3A_44, %slice3A_45, %dot_general3A_46 {dimension_numbers = #tpu.dot_dimension_numbers<[1], [0], [0], [1], [0, 0, 1, 1], [], []>, transpose_lhs_hint = false} : vector<1000x256xf32>, vector<256x64xf32>, vector<1000x64xf32> -> vector<1000x64xf32>
    %add3A_48 = arith.addf %dot_general3A_42, %dot_general3A_47 : vector<1000x64xf32>
    %get3A_49 = arith.constant 0 : index
    %get3A_50 = arith.constant 0 : index
    %get3A_51 = vector.load %arg8[%get3A_49, %get3A_50] : memref<1x64xf32, #tpu.memory_space<vmem>>, vector<1x64xf32>
    %add3A_52 = vector.broadcast %get3A_51 : vector<1x64xf32> to vector<1000x64xf32>
    %add3A_53 = arith.addf %add3A_48, %add3A_52 : vector<1000x64xf32>
    %swap3A = arith.constant 0 : index
    %swap3A_54 = arith.constant 0 : index
    %swap3A_55 = vector.load %arg9[%swap3A, %swap3A_54] : memref<1000x64xf32, #tpu.memory_space<vmem>>, vector<1000x64xf32>
    tpu.vector_store %arg9[%swap3A, %swap3A_54], %add3A_53 {strides = array<i32>} : memref<1000x64xf32, #tpu.memory_space<vmem>>, vector<1000x64xf32>,
    return
  }
  func.func @transform_0(%arg0: i32) -> (i32, i32) {
    %c0_i32 = arith.constant 0 : i32
    %c0_i32_0 = arith.constant 0 : i32
    return %arg0, %c0_i32 : i32, i32
  }
  func.func @transform_1(%arg0: i32) -> (i32, i32) {
    %c0_i32 = arith.constant 0 : i32
    %c0_i32_0 = arith.constant 0 : i32
    return %arg0, %c0_i32 : i32, i32
  }
  func.func @transform_2(%arg0: i32) -> (i32, i32) {
    %add3A = arith.constant 10 : i32
    %add3A_0 = arith.addi %add3A, %arg0 : i32
    %c0_i32 = arith.constant 0 : i32
    %c0_i32_1 = arith.constant 0 : i32
    return %add3A_0, %c0_i32 : i32, i32
  }
  func.func @transform_3(%arg0: i32) -> (i32, i32) {
    %c0_i32 = arith.constant 0 : i32
    %c0_i32_0 = arith.constant 0 : i32
    return %arg0, %c0_i32 : i32, i32
  }
  func.func @transform_4(%arg0: i32) -> (i32, i32) {
    %add3A = arith.constant 10 : i32
    %add3A_0 = arith.addi %add3A, %arg0 : i32
    %c0_i32 = arith.constant 0 : i32
    %c0_i32_1 = arith.constant 0 : i32
    return %add3A_0, %c0_i32 : i32, i32
  }
  func.func @transform_5(%arg0: i32) -> (i32, i32) {
    %c0_i32 = arith.constant 0 : i32
    %c0_i32_0 = arith.constant 0 : i32
    %c0_i32_1 = arith.constant 0 : i32
    return %c0_i32, %c0_i32_0 : i32, i32
  }
  func.func @transform_6(%arg0: i32) -> (i32, i32) {
    %c0_i32 = arith.constant 0 : i32
    %c0_i32_0 = arith.constant 0 : i32
    %c0_i32_1 = arith.constant 0 : i32
    return %c0_i32, %c0_i32_0 : i32, i32
  }
  func.func @transform_7(%arg0: i32) -> (i32, i32) {
    %c0_i32 = arith.constant 0 : i32
    %c0_i32_0 = arith.constant 0 : i32
    %c0_i32_1 = arith.constant 0 : i32
    return %c0_i32, %c0_i32_0 : i32, i32
  }
  func.func @transform_8(%arg0: i32) -> (i32, i32) {
    %c0_i32 = arith.constant 0 : i32
    %c0_i32_0 = arith.constant 0 : i32
    return %arg0, %c0_i32 : i32, i32
  }
}

</mosaic_0001>

<sc_bundles>
// kernel: kernel.11.cloned.1.call-start
scs
__scs_entry_jumppad:
0x0: {  	(pc) =	sbr.rel $0x88, $3  }
0x1: {  	(tag) =	ssettag $0x0;
	lr =	simm.s32 $0x1  }
0x2: {  	[smem:$0x3F95] =	sst lr;
	_ =	strace $0xD0000000  }
0x3: {  	_ = 	snop  }
0x4: {  	_ = 	snop  }
0x5: {  	_ = 	snop  }
0x6: {  	_ = 	snop  }
0x7: {  	_ = 	snop  }
__scs_overlays_trampoline_lowered:
0x8: {  	[smem:$0x3FA4] =	sst s0  }
0x9: {  	[smem:$0x3FA5] =	sst s1  }
0xa: {  	[smem:$0x3FA6] =	sst s2  }
0xb: {  	[smem:$0x3FA7] =	sst s3  }
0xc: {  	[smem:$0x3FA8] =	sst s4  }
0xd: {  	[smem:$0x3FA9] =	sst s5  }
0xe: {  	[smem:$0x3FAA] =	sst s6  }
0xf: {  	[smem:$0x3FAB] =	sst s7  }
0x10: {  	[smem:$0x3FAC] =	sst s8  }
0x11: {  	[smem:$0x3FAD] =	sst s9;
	s0 =	simm.s32 @!p0 $0x0  }
0x12: {  	s1 =	sld [smem:$0x3F93];
	s0 =	simm.s32 @p0 $0x1  }
0x13: {  	[smem:$0x3FAE] =	sst s0;
	s0 =	simm.s32 @!p1 $0x0  }
0x14: {  	s2 =	sld [smem:$0x3F92];
	s0 =	simm.s32 @p1 $0x1  }
0x15: {  	[smem:$0x3FAF] =	sst s0;
	s0 =	simm.s32 @!p2 $0x0  }
0x16: {  	s3 =	sld [smem:$0x3FDB];
	s0 =	simm.s32 @p2 $0x1  }
0x17: {  	s4 =	simm.s32 $0x1BF5;
	[smem:$0x3FB1] =	sst s0  }
0x18: {  	s0 =	sld [smem:$0x3F94];
	_ =	swait.ge [sflag:s4], $0x0  }
0x19: {  	s7 =	sld [smem:$0x3F95]  }
0x1a: {  	s8 =	sadd.s32 $0xFFFFE003, lr  }
0x1b: {  	s9 =	sadd.s32 $0xFFFFFEF7, lr;
	s5 =	simm.s32 $0xFFFFFFFF;
	p2 =	slt.u32 s8, $0xFFFFF086  }
0x1c: {  	p1 =	slt.u32 s9, $0xF7A;
	s5 =	simm.s32 @!p2 $0x0  }
0x1d: {  	s5 =	simm.s32 @p1 $0x1;
	p0 =	seq.s32 s7, s2  }
0x1e: {  	s7 =	smul.u32 @!p0 $0xF7A, s2;
	p2 =	seq.s32 @!p0 s5, $0x0  }
0x1f: {  	s9 =	smul.u32 $0xF7A, s1;
	s8 =	simm.s32 @!p0 $0x1BF5;
	p2 =	por !p2, p0  }
0x20: {  	[sflag:s8] =	ssyncset.s32 @!p0 $0xFFFFF086;
	s6 =	sadd.s32 @!p0 s3, s7;
	s7 =	simm.s32 @!p0 $0x108  }
0x21: {  	s3 =	sadd.s32 s3, s9;
	s6 =	sadd.s32 @!p0 $0x88, s6;
	s7 =	simm.s32 @p2 $0x1082  }
0x22: {  	[simem:s7], [sflag:s8] =	dma.local @!p0 [hbm:s6], $0xF7A  }
0x23: {  	s9 =	sor.u32 $0xD0000000, s2;
	s6 =	simm.s32 $0x108;
	_ =	swait.ge @!p0 [sflag:s8], $0x0  }
0x24: {  	s3 =	sadd.s32 $0x88, s3;
	s6 =	simm.s32 @!p1 $0x1082;
	[sflag:s4] =	ssyncset.s32 $0xFFFFF086  }
0x25: {  	[simem:s6], [sflag:s4] =	dma.local [hbm:s3], $0xF7A  }
0x26: {  	[smem:$0x3F95] =	sst s1;
	(tag) =	ssettag s2;
	_ =	strace s9  }
0x27: {  	s1 =	sld [smem:$0x3FA5]  }
0x28: {  	s2 =	sld [smem:$0x3FA6]  }
0x29: {  	s4 =	sld [smem:$0x3FA8]  }
0x2a: {  	p0 =	seq.s32 s5, $0x0;
	s5 =	sld [smem:$0x3FA9]  }
0x2b: {  	s6 =	sld [smem:$0x3FAA]  }
0x2c: {  	s7 =	sld [smem:$0x3FAB]  }
0x2d: {  	s3 =	simm.s32 $0x108;
	s8 =	sld [smem:$0x3FAC]  }
0x2e: {  	s3 =	simm.s32 @!p0 $0x1082;
	s9 =	sld [smem:$0x3FAD]  }
0x2f: {  	lr =	sadd.s32 s0, s3;
	s0 =	sld [smem:$0x3FA4]  }
0x30: {  	s3 =	sld [smem:$0x3FA7]  }
0x31: {  	[smem:$0x3FB0] =	sst s10  }
0x32: {  	s10 =	sld [smem:$0x3FAE];
	_ =	sdelay $0x3  }
0x33: {  	p0 =	seq.s32 s10, $0x1;
	s10 =	sld [smem:$0x3FB0];
	_ =	sdelay $0x3  }
0x34: {  	[smem:$0x3FB0] =	sst s10  }
0x35: {  	s10 =	sld [smem:$0x3FAF];
	_ =	sdelay $0x3  }
0x36: {  	p1 =	seq.s32 s10, $0x1;
	s10 =	sld [smem:$0x3FB0];
	_ =	sdelay $0x3  }
0x37: {  	[smem:$0x3FB0] =	sst s10  }
0x38: {  	s10 =	sld [smem:$0x3FB1]  }
0x39: {  	_ = 	snop;
	(pc) =	sbr.ind lr, $3  }
0x3a: {  	_ = 	snop  }
0x3b: {  	_ = 	snop  }
0x3c: {  	p2 =	seq.s32 s10, $0x1;
	s10 =	sld [smem:$0x3FB0]  }
0x3d: {  	_ =	shalt  }
0x3e: {  	_ =	shalt  }
0x3f: {  	_ =	shalt  }
0x40: {  	_ =	shalt  }
0x41: {  	_ =	shalt  }
0x42: {  	_ =	shalt  }
0x43: {  	_ =	shalt  }
0x44: {  	_ =	shalt  }
0x45: {  	_ =	shalt  }
0x46: {  	_ =	shalt  }
0x47: {  	_ =	shalt  }
0x48: {  	_ =	shalt  }
0x49: {  	_ =	shalt  }
0x4a: {  	_ =	shalt  }
0x4b: {  	_ =	shalt  }
0x4c: {  	_ =	shalt  }
0x4d: {  	_ =	shalt  }
0x4e: {  	_ =	shalt  }
0x4f: {  	_ =	shalt  }
0x50: {  	_ =	shalt  }
0x51: {  	_ =	shalt  }
0x52: {  	_ =	shalt  }
0x53: {  	_ =	shalt  }
0x54: {  	_ =	shalt  }
0x55: {  	_ =	shalt  }
0x56: {  	_ =	shalt  }
0x57: {  	_ =	shalt  }
0x58: {  	_ =	shalt  }
0x59: {  	_ =	shalt  }
0x5a: {  	_ =	shalt  }
0x5b: {  	_ =	shalt  }
0x5c: {  	_ =	shalt  }
0x5d: {  	_ =	shalt  }
0x5e: {  	_ =	shalt  }
0x5f: {  	_ =	shalt  }
0x60: {  	_ =	shalt  }
0x61: {  	_ =	shalt  }
0x62: {  	_ =	shalt  }
0x63: {  	_ =	shalt  }
0x64: {  	_ =	shalt  }
0x65: {  	_ =	shalt  }
0x66: {  	_ =	shalt  }
0x67: {  	_ =	shalt  }
0x68: {  	_ =	shalt  }
0x69: {  	_ =	shalt  }
0x6a: {  	_ =	shalt  }
0x6b: {  	_ =	shalt  }
0x6c: {  	_ =	shalt  }
0x6d: {  	_ =	shalt  }
0x6e: {  	_ =	shalt  }
0x6f: {  	_ =	shalt  }
0x70: {  	_ =	shalt  }
0x71: {  	_ =	shalt  }
0x72: {  	_ =	shalt  }
0x73: {  	_ =	shalt  }
0x74: {  	_ =	shalt  }
0x75: {  	_ =	shalt  }
0x76: {  	_ =	shalt  }
0x77: {  	_ =	shalt  }
0x78: {  	_ =	shalt  }
0x79: {  	_ =	shalt  }
0x7a: {  	_ =	shalt  }
0x7b: {  	_ =	shalt  }
0x7c: {  	_ =	shalt  }
0x7d: {  	_ =	shalt  }
0x7e: {  	_ =	shalt  }
0x7f: {  	_ =	shalt  }
0x80: {  	_ =	shalt  }
0x81: {  	_ =	shalt  }
0x82: {  	_ =	shalt  }
0x83: {  	_ =	shalt  }
0x84: {  	_ =	shalt  }
0x85: {  	_ =	shalt  }
0x86: {  	_ =	shalt  }
0x87: {  	_ =	shalt  }
.Lfunc_end0:
.L_simem_size_0:
called_computation.1_lowered:
.L_overlay_start_0:
0x88: {  	s2 =	sld [smem:$0x3FD9]  }
0x89: {  	s3 =	sld [smem:$0x3FFE];
	_ =	sdelay $0x1  }
0x8a: {  	s1 =	srdreg.scid  }
0x8b: {  	s0 =	sand.u32 $0x1, s1  }
0x8c: {  	s17 =	sshll.u32 s0, $0xA;
	s2 =	sadd.s32 s3, s2  }
0x8d: {  	s2 =	sadd.s32 s2, s17  }
0x8e: {  	[smem:$0x3FBC] =	sst s2  }
0x8f: {  	_ = 	snop  }
0x90: {  	s2 =	sld [smem:$0x3FD0];
	(tm) =	ssettm $0x1  }
0x91: {  	s18 =	sld [smem:$0x3FFB];
	_ =	sdelay $0x3  }
0x92: {  	_ =	strace s18  }
0x93: {  	s3 =	sld [smem:$0x3FFC];
	_ =	sdelay $0x3  }
0x94: {  	_ =	strace s3  }
0x95: {  	s3 =	sld [smem:$0x3FFD];
	_ =	sdelay $0x3  }
0x96: {  	_ =	strace s3  }
0x97: {  	_ =	strace $0x8FFFFFFF  }
0x98: {  	s19 =	sld [smem:$0x3FDB];
	_ =	sdelay $0x1  }
0x99: {  	s4 =	simm.s32 $_scs_section_size  }
0x9a: {  	s5 =	simm.s32 $_size__tile_overlayer_lowered;
	s6 =	simm.s32 $_tile_overlayer_lowered  }
0x9b: {  	s22 =	simm.s32 $0x1BFF;
	s21 =	sshll.u32 s6, $0x1;
	s3 =	sadd.s32 s4, s19  }
0x9c: {  	s7 =	simm.s32 $0x0;
	s20 =	sshll.u32 s5, $0x1;
	s5 =	sadd.s32 s21, s3  }
0x9d: {  	[timem:s7], [sflag:s22] =	dma.local [hbm:s5], s20  }
0x9e: {  	_ =	swait.ge [sflag:s22], s20  }
0x9f: {  	s4 =	ssub.s32 $0x0, s20;
	[sflag:s22] =	ssyncset.done $0x0  }
0xa0: {  	[sflag:s22] =	ssyncadd.s32 s4;
	_ =	sdelay $0x1  }
0xa1: {  	s23 =	simm.s32 $0x1B8B  }
0xa2: {  	_ =	swait.ge [sflag:s23], $0x1  }
0xa3: {  	[sflag:s23] =	ssyncset.done $0x0  }
0xa4: {  	s25 =	simm.s32 $0x1B8E;
	s24 =	sld [smem:$0x3FFE];
	[sflag:s23] =	ssyncadd.s32 $0xFFFFFFFF  }
0xa5: {  	s26 =	simm.s32 $execute0_lowered;
	[smem:$0x3FD2] =	sst s25  }
0xa6: {  	s5 =	sshll.u32 s26, $0x1;
	_ =	strace $0x80000046;
	[dreg:$0x1] =	wrdreg $0xFFFFFFFF  }
0xa7: {  	s28 =	simm.s32 $_size_execute0_lowered;
	s3 =	sadd.s32 s3, s5;
	[dreg:$0x0] =	wrdreg $0x0  }
0xa8: {  	s5 =	sshll.u32 s28, $0x1;
	[dreg:$0x2] =	wrdreg s3  }
0xa9: {  	[dreg:$0x3] =	wrdreg s5  }
0xaa: {  	[dreg:$0x4] =	wrdreg $0xC0  }
0xab: {  	_ =	task [dreg:s7], $0x5FFFF  }
0xac: {  	[dreg:$0x1] =	wrdreg $0xFFFFFFFF  }
0xad: {  	[dreg:$0x0] =	wrdreg $0x60  }
0xae: {  	[dreg:$0x2] =	wrdreg s24  }
0xaf: {  	[dreg:$0x3] =	wrdreg s2  }
0xb0: {  	[dreg:$0x4] =	wrdreg $0x0  }
0xb1: {  	[dreg:$0x5] =	wrdreg $0xA  }
0xb2: {  	_ =	task.clear_ibuf [dreg:s7], $0x6FFFF;
	_ =	strace $0x90000046  }
0xb3: {  	s29 =	simm.s32 $0xA;
	_ =	strace $0x80000048  }
0xb4: {  	_ =	swait.ge [sflag:s29], $0x1  }
0xb5: {  	[sflag:s29] =	ssyncadd.s32 $0xFFFFFFFF  }
0xb6: {  	_ =	strace $0x90000048  }
0xb7: {  	_ =	sfence  }
0xb8: {  	s30 =	sld [smem:$0x0];
	_ =	sdelay $0x2  }
0xb9: {  	s31 =	sshll.u32 s1, $0xD;
	s1 =	sshrl.u32 s1, $0x2  }
0xba: {  	s3 =	sand.u32 $0x4000, s31;
	s1 =	sadd.s32 s1, s30  }
0xbb: {  	s0 =	sor.u32 s3, s0;
	s1 =	sshll.u32 s1, $0x11  }
0xbc: {  	s0 =	sor.u32 s1, s0  }
0xbd: {  	s0 =	sadd.s32 $0x8F2B, s0  }
0xbe: {  	[sflag:s0] =	ssyncadd.remote.s32 $0x1  }
0xbf: {  	_ =	sfence.sel $0xFFFF  }
0xc0: {  	[dreg:$0x0] =	wrdreg $0xFFFFFFFF;
	(pc) =	sbr.abs _section_cstart, $3  }
0xc1: {  	[dreg:$0x1] =	wrdreg $0xFFFFFFFF  }
0xc2: {  	_ =	task.clear_ibuf [dreg:s7], $0x2FFFF;
	_ =	strace $0x9FFFFFFF  }
0xc3: {  	(tm) =	ssettm $0x7FFFFFFF  }
tec
execute0_lowered:
.L_overlay_start_1:
0x0: {  	(tag) =	ssettag $0x1  }
0x1: {  	s0 =	rddreg [dreg:$0x0]  }
0x2: {  	s3 =	rddreg [dreg:$0x1]  }
0x3: {  	s1 =	rddreg [dreg:$0x2];
	s2 =	simm.s32 $0x0  }
0x4: {  	s14 =	stileid.u32;
	s6 =	srdreg.scid;
	s28 =	simm.s32 $0x4  }
0x5: {  	s29 =	simm.s32 $0x13880;
	s30 =	simm.s32 $0x15880;
	s31 =	simm.s32 $0x50  }
0x6: {  	[smem:$0x7FF] =	sst s2;
	s5 =	sshll.u32 s14, $0xB;
	s9 =	smul.u32 $0x270, s14  }
0x7: {  	s4 =	sadd.s32 $0xA200, s0;
	s8 =	sand.u32 $0x1, s6;
	s12 =	smul.u32 $0x4E000, s14  }
0x8: {  	p0 =	sne.s32 s14, $0x0;
	_ =	strace $0x80000047;
	s7 =	sadd.s32 s5, s0  }
0x9: {  	s0 =	sadd.s32 $0xA6600, s0;
	s6 =	ssub.s32 $0x2, s8;
	s17 =	smul.u32 $0x2710, s8  }
0xa: {  	s11 =	sshll.u32 s8, $0xF;
	s18 =	smul.u32 $0x138800, s8;
	s8 =	simm.s32 $0x2  }
0xb: {  	s10 =	sshrl.u32 s6, $0x1;
	s16 =	sor.u32 s5, s11;
	s5 =	sadd.s32 $0x138000, s1  }
0xc: {  	s19 =	sadd.s32 $0x2200, s7;
	s20 =	sadd.s32 $0x2600, s7;
	s21 =	sshrl.u32 s12, $0x2  }
0xd: {  	s7 =	simm.s32 $0x1;
	s13 =	ssub.s32 s6, s10;
	[dreg:$0x5] =	wrdreg s19  }
0xe: {  	s6 =	sadd.s32 s3, s16;
	[dreg:$0x7] =	wrdreg s20;
	s22 =	sadd.s32 s9, s17  }
0xf: {  	s3 =	sshrl.u32 s18, $0x3;
	s10 =	sadd.s32 s21, s1;
	s9 =	simm.s32 $0x3  }
0x10: {  	[dreg:$0x4] =	wrdreg s6;
	s6 =	sadd.s32 $0x400, s6;
	s23 =	sshll.u32 s22, $0x4  }
0x11: {  	s3 =	sadd.s32 s0, s3;
	s25 =	smax.u32 s13, $0x1;
	s26 =	sadd.s32 $0x1800, s10  }
0x12: {  	s15 =	sadd.s32 $0x3000, s10;
	s16 =	sadd.s32 $0x4800, s10;
	s17 =	sadd.s32 $0x6000, s10  }
0x13: {  	s18 =	sadd.s32 $0x7800, s10;
	s19 =	sadd.s32 $0x9000, s10;
	s20 =	sadd.s32 $0xA800, s10  }
0x14: {  	s21 =	sadd.s32 $0xC000, s10;
	s22 =	sadd.s32 $0xD800, s10;
	[dreg:$0x6] =	wrdreg s6  }
0x15: {  	s0 =	sadd.s32 s0, s23;
	s24 =	sadd.s32 $0x27000, s3;
	[dreg:$0xa] =	wrdreg s25  }
0x16: {  	[dreg:$0xb] =	wrdreg s26;
	s23 =	sadd.s32 $0xF000, s10;
	s25 =	sadd.s32 $0x12000, s10  }
0x17: {  	s26 =	simm.s32 $0x17880;
	s3 =	simm.s32 $0x1C880;
	[dreg:$0x8] =	wrdreg s0  }
0x18: {  	v0 =	vimm.f32 $0.0e+00;
	[dreg:$0x9] =	wrdreg s24;
	s24 =	sadd.s32 $0x10800, s10;
	s0 =	simm.s32 $0x1A080  }
.LBB2_1:
0x19: {  	s11 =	simm.s32 $0x0;
	s12 =	simm.s32 $0x200  }
.LBB2_2:
0x1a: {  	p1 =	sne.s32 s12, $0x5E00;
	[tilespmem:s11+$0x178F0] =	vst v0  }
0x1b: {  	[tilespmem:s11+$0x17880] =	vst v0  }
0x1c: {  	[tilespmem:s11+$0x17890] =	vst v0  }
.Ltmp0:
0x1d: {  	[tilespmem:s11+$0x178A0] =	vst v0;
	(pc) =	sbr.rel @p1 .LBB2_2-.Ltmp0, $4  }
0x1e: {  	[tilespmem:s11+$0x178B0] =	vst v0  }
0x1f: {  	[tilespmem:s11+$0x178C0] =	vst v0  }
0x20: {  	[tilespmem:s11+$0x178D0] =	vst v0  }
0x21: {  	[tilespmem:s11+$0x178E0] =	vst v0;
	s11 =	sshra.s32 s12, $0x2;
	s12 =	sadd.s32 $0x200, s12  }
0x22: {  	[tilespmem:s11+$0x178F0] =	vst v0  }
0x23: {  	[tilespmem:s11+$0x17880] =	vst v0  }
0x24: {  	[tilespmem:s11+$0x17890] =	vst v0  }
0x25: {  	[tilespmem:s11+$0x178A0] =	vst v0  }
0x26: {  	[tilespmem:s11+$0x178B0] =	vst v0  }
0x27: {  	[tilespmem:s11+$0x178C0] =	vst v0  }
0x28: {  	[tilespmem:s11+$0x178D0] =	vst v0  }
0x29: {  	[tilespmem:s11+$0x178E0] =	vst v0  }
0x2a: {  	[spmem:s10] =	stream.linear.scatter [tilespmem:s26], [sflag:$0x4], $0x1800, $0x38;
	[tilespmem:$0x1F080] =	vst v63  }
0x2b: {  	_ =	swait.ge [sflag:s28], $0x1800  }
0x2c: {  	[sflag:s28] =	ssyncset.done $0x0  }
0x2d: {  	s6 =	rddreg [dreg:$0xb];
	[sflag:s28] =	ssyncadd.s32 $0xFFFFE800  }
0x2e: {  	[spmem:s6] =	stream.linear.scatter [tilespmem:s26], [sflag:$0x4], $0x1800, $0x38;
	[tilespmem:$0x1F080] =	vst v63  }
0x2f: {  	_ =	swait.ge [sflag:s28], $0x1800  }
0x30: {  	[sflag:s28] =	ssyncset.done $0x0  }
0x31: {  	[sflag:s28] =	ssyncadd.s32 $0xFFFFE800  }
0x32: {  	[spmem:s15] =	stream.linear.scatter [tilespmem:s26], [sflag:$0x4], $0x1800, $0x38;
	[tilespmem:$0x1F080] =	vst v63  }
0x33: {  	_ =	swait.ge [sflag:s28], $0x1800  }
0x34: {  	[sflag:s28] =	ssyncset.done $0x0  }
0x35: {  	[sflag:s28] =	ssyncadd.s32 $0xFFFFE800  }
0x36: {  	[spmem:s16] =	stream.linear.scatter [tilespmem:s26], [sflag:$0x4], $0x1800, $0x38;
	[tilespmem:$0x1F080] =	vst v63  }
0x37: {  	_ =	swait.ge [sflag:s28], $0x1800  }
0x38: {  	[sflag:s28] =	ssyncset.done $0x0  }
0x39: {  	[sflag:s28] =	ssyncadd.s32 $0xFFFFE800  }
0x3a: {  	[spmem:s17] =	stream.linear.scatter [tilespmem:s26], [sflag:$0x4], $0x1800, $0x38;
	[tilespmem:$0x1F080] =	vst v63  }
0x3b: {  	_ =	swait.ge [sflag:s28], $0x1800  }
0x3c: {  	[sflag:s28] =	ssyncset.done $0x0  }
0x3d: {  	[sflag:s28] =	ssyncadd.s32 $0xFFFFE800  }
0x3e: {  	[spmem:s18] =	stream.linear.scatter [tilespmem:s26], [sflag:$0x4], $0x1800, $0x38;
	[tilespmem:$0x1F080] =	vst v63  }
0x3f: {  	_ =	swait.ge [sflag:s28], $0x1800  }
0x40: {  	[sflag:s28] =	ssyncset.done $0x0  }
0x41: {  	[sflag:s28] =	ssyncadd.s32 $0xFFFFE800  }
0x42: {  	[spmem:s19] =	stream.linear.scatter [tilespmem:s26], [sflag:$0x4], $0x1800, $0x38;
	[tilespmem:$0x1F080] =	vst v63  }
0x43: {  	_ =	swait.ge [sflag:s28], $0x1800  }
0x44: {  	[sflag:s28] =	ssyncset.done $0x0  }
0x45: {  	[sflag:s28] =	ssyncadd.s32 $0xFFFFE800  }
0x46: {  	[spmem:s20] =	stream.linear.scatter [tilespmem:s26], [sflag:$0x4], $0x1800, $0x38;
	[tilespmem:$0x1F080] =	vst v63  }
0x47: {  	_ =	swait.ge [sflag:s28], $0x1800  }
0x48: {  	[sflag:s28] =	ssyncset.done $0x0  }
0x49: {  	[sflag:s28] =	ssyncadd.s32 $0xFFFFE800  }
0x4a: {  	[spmem:s21] =	stream.linear.scatter [tilespmem:s26], [sflag:$0x4], $0x1800, $0x38;
	[tilespmem:$0x1F080] =	vst v63  }
0x4b: {  	_ =	swait.ge [sflag:s28], $0x1800  }
0x4c: {  	[sflag:s28] =	ssyncset.done $0x0  }
0x4d: {  	[sflag:s28] =	ssyncadd.s32 $0xFFFFE800  }
0x4e: {  	[spmem:s22] =	stream.linear.scatter [tilespmem:s26], [sflag:$0x4], $0x1800, $0x38;
	[tilespmem:$0x1F080] =	vst v63  }
0x4f: {  	_ =	swait.ge [sflag:s28], $0x1800  }
0x50: {  	[sflag:s28] =	ssyncset.done $0x0  }
0x51: {  	[sflag:s28] =	ssyncadd.s32 $0xFFFFE800  }
0x52: {  	[spmem:s23] =	stream.linear.scatter [tilespmem:s26], [sflag:$0x4], $0x1800, $0x38;
	[tilespmem:$0x1F080] =	vst v63  }
0x53: {  	_ =	swait.ge [sflag:s28], $0x1800  }
0x54: {  	[sflag:s28] =	ssyncset.done $0x0  }
0x55: {  	[sflag:s28] =	ssyncadd.s32 $0xFFFFE800  }
0x56: {  	[spmem:s24] =	stream.linear.scatter [tilespmem:s26], [sflag:$0x4], $0x1800, $0x38;
	[tilespmem:$0x1F080] =	vst v63  }
0x57: {  	_ =	swait.ge [sflag:s28], $0x1800  }
0x58: {  	[sflag:s28] =	ssyncset.done $0x0  }
0x59: {  	[sflag:s28] =	ssyncadd.s32 $0xFFFFE800  }
0x5a: {  	[spmem:s25] =	stream.linear.scatter [tilespmem:s26], [sflag:$0x4], $0x1800, $0x38;
	[tilespmem:$0x1F080] =	vst v63  }
0x5b: {  	_ =	swait.ge [sflag:s28], $0x1800  }
0x5c: {  	[sflag:s28] =	ssyncset.done $0x0  }
0x5d: {  	s11 =	simm.s32 @!p0 $0x17880;
	[sflag:s28] =	ssyncadd.s32 $0xFFFFE800  }
0x5e: {  	[spmem:s5] =	stream.linear.scatter @!p0 [tilespmem:s11], [sflag:$0x4], $0x800, $0x38;
	[tilespmem:$0x1F080] =	vst v63  }
0x5f: {  	s11 =	simm.s32 @!p0 $0x4  }
0x60: {  	_ =	swait.ge @!p0 [sflag:s11], $0x800  }
0x61: {  	[sflag:s11] =	ssyncset.done @!p0 $0x0  }
0x62: {  	[sflag:s11] =	ssyncadd.s32 @!p0 $0xFFFFF800  }
0x63: {  	[bflag:$0x0] =	sbarrier.arrive $0xFFFF  }
0x64: {  	s13 =	simm.s32 $0x0;
	s14 =	rddreg [dreg:$0x4]  }
0x65: {  	[tilespmem:s29], [sflag:$0x4] =	stream.linear.gather [hbm4b:s14+s13], $0x2000, $0x38;
	[tilespmem:$0x1F080] =	vst v63  }
0x66: {  	_ =	swait.ge [sflag:s28], $0x2000  }
0x67: {  	[sflag:s28] =	ssyncset.done $0x0  }
0x68: {  	s12 =	rddreg [dreg:$0x5];
	[sflag:s28] =	ssyncadd.s32 $0xFFFFE000  }
0x69: {  	[tilespmem:s30], [sflag:$0x4] =	stream.linear.gather [hbm4b:s12+s13], $0x2000, $0x38;
	[tilespmem:$0x1F080] =	vst v63  }
0x6a: {  	_ =	swait.ge [sflag:s28], $0x2000  }
0x6b: {  	[sflag:s28] =	ssyncset.done $0x0  }
0x6c: {  	s13 =	simm.s32 $0x13880;
	[sflag:s28] =	ssyncadd.s32 $0xFFFFE000  }
0x6d: {  	[tilespmem:s26], [sflag:$0x1] =	stream.indirect.gather [hbm4b:s4+s31], $0x80, s13, s31, $0xb8;
	[tilespmem:$0x1F080] =	vst v63  }
0x6e: {  	s14 =	simm.s32 $0x13900  }
0x6f: {  	[tilespmem:s0], [sflag:$0x2] =	stream.indirect.gather [hbm4b:s4+s31], $0x80, s14, s31, $0xb8;
	[tilespmem:$0x1F080] =	vst v63  }
0x70: {  	s6 =	simm.s32 $0x13980  }
0x71: {  	[tilespmem:s3], [sflag:$0x3] =	stream.indirect.gather [hbm4b:s4+s31], $0x80, s6, s31, $0xb8;
	[tilespmem:$0x1F080] =	vst v63  }
0x72: {  	_ =	swait.ge [sflag:s7], $0x2800  }
0x73: {  	[sflag:s7] =	ssyncset.done $0x0  }
0x74: {  	s12 =	simm.s32 $0x15880;
	[sflag:s7] =	ssyncadd.s32 $0xFFFFD800  }
0x75: {  	[spmem:s1] =	stream.indirect.scatter.add.f32 [tilespmem:s26], [sflag:$0x4], $0x80, s12, s31, $0xb8;
	[tilespmem:$0x1F080] =	vst v63  }
0x76: {  	_ =	swait.ge [sflag:s28], $0x2800  }
0x77: {  	[sflag:s28] =	ssyncset.done $0x0  }
0x78: {  	[sflag:s28] =	ssyncadd.s32 $0xFFFFD800  }
0x79: {  	_ =	swait.ge [sflag:s8], $0x2800  }
0x7a: {  	[sflag:s8] =	ssyncset.done $0x0  }
0x7b: {  	s13 =	simm.s32 $0x15900;
	[sflag:s8] =	ssyncadd.s32 $0xFFFFD800  }
0x7c: {  	[spmem:s1] =	stream.indirect.scatter.add.f32 [tilespmem:s0], [sflag:$0x4], $0x80, s13, s31, $0xb8;
	[tilespmem:$0x1F080] =	vst v63  }
0x7d: {  	_ =	swait.ge [sflag:s28], $0x2800  }
0x7e: {  	[sflag:s28] =	ssyncset.done $0x0  }
0x7f: {  	[sflag:s28] =	ssyncadd.s32 $0xFFFFD800  }
0x80: {  	_ =	swait.ge [sflag:s9], $0x2800  }
0x81: {  	[sflag:s9] =	ssyncset.done $0x0  }
0x82: {  	s14 =	simm.s32 $0x15980;
	[sflag:s9] =	ssyncadd.s32 $0xFFFFD800  }
0x83: {  	[spmem:s1] =	stream.indirect.scatter.add.f32 [tilespmem:s3], [sflag:$0x4], $0x80, s14, s31, $0xb8;
	[tilespmem:$0x1F080] =	vst v63  }
0x84: {  	_ =	swait.ge [sflag:s28], $0x2800  }
0x85: {  	s11 =	simm.s32 $0x180;
	s12 =	simm.s32 $0xC00;
	[sflag:s28] =	ssyncset.done $0x0  }
.LBB2_4:
0x86: {  	s13 =	sadd.s32 $0x13880, s11  }
0x87: {  	[sflag:s28] =	ssyncadd.s32 $0xFFFFD800;
	s6 =	smov.u32 s12;
	s14 =	sadd.s32 $0x600, s12  }
0x88: {  	[tilespmem:s26], [sflag:$0x1] =	stream.indirect.gather [hbm4b:s4+s31], $0x80, s13, s31, $0xb8;
	[tilespmem:$0x1F080] =	vst v63  }
0x89: {  	p1 =	sne.s32 s12, $0x7800;
	s12 =	sadd.s32 $0x13900, s11  }
0x8a: {  	[tilespmem:s0], [sflag:$0x2] =	stream.indirect.gather [hbm4b:s4+s31], $0x80, s12, s31, $0xb8;
	[tilespmem:$0x1F080] =	vst v63  }
0x8b: {  	s12 =	sadd.s32 $0x13980, s11  }
0x8c: {  	[tilespmem:s3], [sflag:$0x3] =	stream.indirect.gather [hbm4b:s4+s31], $0x80, s12, s31, $0xb8;
	[tilespmem:$0x1F080] =	vst v63  }
0x8d: {  	_ =	swait.ge [sflag:s7], $0x2800  }
0x8e: {  	[sflag:s7] =	ssyncset.done $0x0  }
0x8f: {  	s12 =	sadd.s32 $0x15880, s11;
	[sflag:s7] =	ssyncadd.s32 $0xFFFFD800  }
0x90: {  	[spmem:s1] =	stream.indirect.scatter.add.f32 [tilespmem:s26], [sflag:$0x4], $0x80, s12, s31, $0xb8;
	[tilespmem:$0x1F080] =	vst v63  }
0x91: {  	_ =	swait.ge [sflag:s28], $0x2800  }
0x92: {  	[sflag:s28] =	ssyncset.done $0x0  }
0x93: {  	[sflag:s28] =	ssyncadd.s32 $0xFFFFD800  }
0x94: {  	_ =	swait.ge [sflag:s8], $0x2800  }
0x95: {  	[sflag:s8] =	ssyncset.done $0x0  }
0x96: {  	s12 =	sadd.s32 $0x15900, s11;
	[sflag:s8] =	ssyncadd.s32 $0xFFFFD800  }
0x97: {  	[spmem:s1] =	stream.indirect.scatter.add.f32 [tilespmem:s0], [sflag:$0x4], $0x80, s12, s31, $0xb8;
	[tilespmem:$0x1F080] =	vst v63  }
0x98: {  	_ =	swait.ge [sflag:s28], $0x2800  }
0x99: {  	[sflag:s28] =	ssyncset.done $0x0  }
0x9a: {  	[sflag:s28] =	ssyncadd.s32 $0xFFFFD800  }
0x9b: {  	_ =	swait.ge [sflag:s9], $0x2800  }
.Ltmp1:
0x9c: {  	[sflag:s9] =	ssyncset.done $0x0;
	(pc) =	sbr.rel @p1 .LBB2_4-.Ltmp1, $4  }
0x9d: {  	s11 =	sadd.s32 $0x15980, s11;
	[sflag:s9] =	ssyncadd.s32 $0xFFFFD800  }
0x9e: {  	[spmem:s1] =	stream.indirect.scatter.add.f32 [tilespmem:s3], [sflag:$0x4], $0x80, s11, s31, $0xb8;
	[tilespmem:$0x1F080] =	vst v63  }
0x9f: {  	_ =	swait.ge [sflag:s28], $0x2800  }
0xa0: {  	s12 =	smov.u32 s14;
	s11 =	sshra.s32 s6, $0x2;
	[sflag:s28] =	ssyncset.done $0x0  }
0xa1: {  	s6 =	sadd.s32 $0x13880, s11;
	[sflag:s28] =	ssyncadd.s32 $0xFFFFD800  }
0xa2: {  	[tilespmem:s26], [sflag:$0x1] =	stream.indirect.gather [hbm4b:s4+s31], $0x80, s6, s31, $0xb8;
	[tilespmem:$0x1F080] =	vst v63  }
0xa3: {  	s13 =	sadd.s32 $0x13900, s11  }
0xa4: {  	[tilespmem:s0], [sflag:$0x2] =	stream.indirect.gather [hbm4b:s4+s31], $0x80, s13, s31, $0xb8;
	[tilespmem:$0x1F080] =	vst v63  }
0xa5: {  	s14 =	sadd.s32 $0x13980, s11  }
0xa6: {  	[tilespmem:s3], [sflag:$0x3] =	stream.indirect.gather [hbm4b:s4+s31], $0x80, s14, s31, $0xb8;
	[tilespmem:$0x1F080] =	vst v63  }
0xa7: {  	_ =	swait.ge [sflag:s7], $0x2800  }
0xa8: {  	[sflag:s7] =	ssyncset.done $0x0  }
0xa9: {  	s12 =	sadd.s32 $0x15880, s11;
	[sflag:s7] =	ssyncadd.s32 $0xFFFFD800  }
0xaa: {  	[spmem:s1] =	stream.indirect.scatter.add.f32 [tilespmem:s26], [sflag:$0x4], $0x80, s12, s31, $0xb8;
	[tilespmem:$0x1F080] =	vst v63  }
0xab: {  	_ =	swait.ge [sflag:s28], $0x2800  }
0xac: {  	[sflag:s28] =	ssyncset.done $0x0  }
0xad: {  	[sflag:s28] =	ssyncadd.s32 $0xFFFFD800  }
0xae: {  	_ =	swait.ge [sflag:s8], $0x2800  }
0xaf: {  	[sflag:s8] =	ssyncset.done $0x0  }
0xb0: {  	s13 =	sadd.s32 $0x15900, s11;
	[sflag:s8] =	ssyncadd.s32 $0xFFFFD800  }
0xb1: {  	[spmem:s1] =	stream.indirect.scatter.add.f32 [tilespmem:s0], [sflag:$0x4], $0x80, s13, s31, $0xb8;
	[tilespmem:$0x1F080] =	vst v63  }
0xb2: {  	_ =	swait.ge [sflag:s28], $0x2800  }
0xb3: {  	[sflag:s28] =	ssyncset.done $0x0  }
0xb4: {  	[sflag:s28] =	ssyncadd.s32 $0xFFFFD800  }
0xb5: {  	_ =	swait.ge [sflag:s9], $0x2800  }
0xb6: {  	[sflag:s9] =	ssyncset.done $0x0  }
0xb7: {  	s14 =	sadd.s32 $0x15980, s11;
	[sflag:s9] =	ssyncadd.s32 $0xFFFFD800  }
0xb8: {  	[spmem:s1] =	stream.indirect.scatter.add.f32 [tilespmem:s3], [sflag:$0x4], $0x80, s14, s31, $0xb8;
	[tilespmem:$0x1F080] =	vst v63  }
0xb9: {  	_ =	swait.ge [sflag:s28], $0x2800  }
0xba: {  	[sflag:s28] =	ssyncset.done $0x0  }
0xbb: {  	s11 =	simm.s32 $0x15800;
	[sflag:s28] =	ssyncadd.s32 $0xFFFFD800  }
0xbc: {  	[tilespmem:s26], [sflag:$0x1] =	stream.indirect.gather [hbm4b:s4+s31], $0x80, s11, s31, $0xb8;
	[tilespmem:$0x1F080] =	vst v63  }
0xbd: {  	_ =	swait.ge [sflag:s7], $0x2800  }
0xbe: {  	[sflag:s7] =	ssyncset.done $0x0  }
0xbf: {  	s12 =	simm.s32 $0x17800;
	[sflag:s7] =	ssyncadd.s32 $0xFFFFD800  }
0xc0: {  	[spmem:s1] =	stream.indirect.scatter.add.f32 [tilespmem:s26], [sflag:$0x4], $0x80, s12, s31, $0xb8;
	[tilespmem:$0x1F080] =	vst v63  }
0xc1: {  	_ =	swait.ge [sflag:s28], $0x2800  }
0xc2: {  	[sflag:s28] =	ssyncset.done $0x0  }
0xc3: {  	s13 =	simm.s32 $0x0;
	s14 =	rddreg [dreg:$0x6];
	[sflag:s28] =	ssyncadd.s32 $0xFFFFD800  }
0xc4: {  	[tilespmem:s29], [sflag:$0x4] =	stream.linear.gather [hbm4b:s14+s13], $0x1E80, $0x38;
	[tilespmem:$0x1F080] =	vst v63  }
0xc5: {  	_ =	swait.ge [sflag:s28], $0x1E80  }
0xc6: {  	[sflag:s28] =	ssyncset.done $0x0  }
0xc7: {  	s12 =	rddreg [dreg:$0x7];
	[sflag:s28] =	ssyncadd.s32 $0xFFFFE180  }
0xc8: {  	[tilespmem:s30], [sflag:$0x4] =	stream.linear.gather [hbm4b:s12+s13], $0x1E80, $0x38;
	[tilespmem:$0x1F080] =	vst v63  }
0xc9: {  	_ =	swait.ge [sflag:s28], $0x1E80  }
0xca: {  	[sflag:s28] =	ssyncset.done $0x0  }
0xcb: {  	s13 =	simm.s32 $0x13880;
	[sflag:s28] =	ssyncadd.s32 $0xFFFFE180  }
0xcc: {  	[tilespmem:s26], [sflag:$0x1] =	stream.indirect.gather [hbm4b:s4+s31], $0x80, s13, s31, $0xb8;
	[tilespmem:$0x1F080] =	vst v63  }
0xcd: {  	s14 =	simm.s32 $0x13900  }
0xce: {  	[tilespmem:s0], [sflag:$0x2] =	stream.indirect.gather [hbm4b:s4+s31], $0x80, s14, s31, $0xb8;
	[tilespmem:$0x1F080] =	vst v63  }
0xcf: {  	s11 =	simm.s32 $0x13980  }
0xd0: {  	[tilespmem:s3], [sflag:$0x3] =	stream.indirect.gather [hbm4b:s4+s31], $0x80, s11, s31, $0xb8;
	[tilespmem:$0x1F080] =	vst v63  }
0xd1: {  	_ =	swait.ge [sflag:s7], $0x2800  }
0xd2: {  	[sflag:s7] =	ssyncset.done $0x0  }
0xd3: {  	s12 =	simm.s32 $0x15880;
	[sflag:s7] =	ssyncadd.s32 $0xFFFFD800  }
0xd4: {  	[spmem:s1] =	stream.indirect.scatter.add.f32 [tilespmem:s26], [sflag:$0x4], $0x80, s12, s31, $0xb8;
	[tilespmem:$0x1F080] =	vst v63  }
0xd5: {  	_ =	swait.ge [sflag:s28], $0x2800  }
0xd6: {  	[sflag:s28] =	ssyncset.done $0x0  }
0xd7: {  	[sflag:s28] =	ssyncadd.s32 $0xFFFFD800  }
0xd8: {  	_ =	swait.ge [sflag:s8], $0x2800  }
0xd9: {  	[sflag:s8] =	ssyncset.done $0x0  }
0xda: {  	s13 =	simm.s32 $0x15900;
	[sflag:s8] =	ssyncadd.s32 $0xFFFFD800  }
0xdb: {  	[spmem:s1] =	stream.indirect.scatter.add.f32 [tilespmem:s0], [sflag:$0x4], $0x80, s13, s31, $0xb8;
	[tilespmem:$0x1F080] =	vst v63  }
0xdc: {  	_ =	swait.ge [sflag:s28], $0x2800  }
0xdd: {  	[sflag:s28] =	ssyncset.done $0x0  }
0xde: {  	[sflag:s28] =	ssyncadd.s32 $0xFFFFD800  }
0xdf: {  	_ =	swait.ge [sflag:s9], $0x2800  }
0xe0: {  	[sflag:s9] =	ssyncset.done $0x0  }
0xe1: {  	s14 =	simm.s32 $0x15980;
	[sflag:s9] =	ssyncadd.s32 $0xFFFFD800  }
0xe2: {  	[spmem:s1] =	stream.indirect.scatter.add.f32 [tilespmem:s3], [sflag:$0x4], $0x80, s14, s31, $0xb8;
	[tilespmem:$0x1F080] =	vst v63  }
0xe3: {  	_ =	swait.ge [sflag:s28], $0x2800  }
0xe4: {  	s11 =	simm.s32 $0x180;
	s12 =	simm.s32 $0xC00;
	[sflag:s28] =	ssyncset.done $0x0  }
.LBB2_6:
0xe5: {  	s6 =	sadd.s32 $0x13880, s11  }
0xe6: {  	[sflag:s28] =	ssyncadd.s32 $0xFFFFD800;
	s13 =	smov.u32 s12;
	s14 =	sadd.s32 $0x600, s12  }
0xe7: {  	[tilespmem:s26], [sflag:$0x1] =	stream.indirect.gather [hbm4b:s4+s31], $0x80, s6, s31, $0xb8;
	[tilespmem:$0x1F080] =	vst v63  }
0xe8: {  	p1 =	sne.s32 s12, $0x7200;
	s6 =	sadd.s32 $0x13900, s11  }
0xe9: {  	[tilespmem:s0], [sflag:$0x2] =	stream.indirect.gather [hbm4b:s4+s31], $0x80, s6, s31, $0xb8;
	[tilespmem:$0x1F080] =	vst v63  }
0xea: {  	s6 =	sadd.s32 $0x13980, s11  }
0xeb: {  	[tilespmem:s3], [sflag:$0x3] =	stream.indirect.gather [hbm4b:s4+s31], $0x80, s6, s31, $0xb8;
	[tilespmem:$0x1F080] =	vst v63  }
0xec: {  	_ =	swait.ge [sflag:s7], $0x2800  }
0xed: {  	[sflag:s7] =	ssyncset.done $0x0  }
0xee: {  	s6 =	sadd.s32 $0x15880, s11;
	[sflag:s7] =	ssyncadd.s32 $0xFFFFD800  }
0xef: {  	[spmem:s1] =	stream.indirect.scatter.add.f32 [tilespmem:s26], [sflag:$0x4], $0x80, s6, s31, $0xb8;
	[tilespmem:$0x1F080] =	vst v63  }
0xf0: {  	_ =	swait.ge [sflag:s28], $0x2800  }
0xf1: {  	[sflag:s28] =	ssyncset.done $0x0  }
0xf2: {  	[sflag:s28] =	ssyncadd.s32 $0xFFFFD800  }
0xf3: {  	_ =	swait.ge [sflag:s8], $0x2800  }
0xf4: {  	[sflag:s8] =	ssyncset.done $0x0  }
0xf5: {  	s6 =	sadd.s32 $0x15900, s11;
	[sflag:s8] =	ssyncadd.s32 $0xFFFFD800  }
0xf6: {  	[spmem:s1] =	stream.indirect.scatter.add.f32 [tilespmem:s0], [sflag:$0x4], $0x80, s6, s31, $0xb8;
	[tilespmem:$0x1F080] =	vst v63  }
0xf7: {  	_ =	swait.ge [sflag:s28], $0x2800  }
0xf8: {  	[sflag:s28] =	ssyncset.done $0x0  }
0xf9: {  	[sflag:s28] =	ssyncadd.s32 $0xFFFFD800  }
0xfa: {  	_ =	swait.ge [sflag:s9], $0x2800  }
.Ltmp2:
0xfb: {  	[sflag:s9] =	ssyncset.done $0x0;
	(pc) =	sbr.rel @p1 .LBB2_6-.Ltmp2, $4  }
0xfc: {  	s6 =	sadd.s32 $0x15980, s11;
	[sflag:s9] =	ssyncadd.s32 $0xFFFFD800  }
0xfd: {  	[spmem:s1] =	stream.indirect.scatter.add.f32 [tilespmem:s3], [sflag:$0x4], $0x80, s6, s31, $0xb8;
	[tilespmem:$0x1F080] =	vst v63  }
0xfe: {  	_ =	swait.ge [sflag:s28], $0x2800  }
0xff: {  	s12 =	smov.u32 s14;
	s11 =	sshra.s32 s13, $0x2;
	[sflag:s28] =	ssyncset.done $0x0  }
0x100: {  	s6 =	sadd.s32 $0x13880, s11;
	[sflag:s28] =	ssyncadd.s32 $0xFFFFD800  }
0x101: {  	[tilespmem:s26], [sflag:$0x1] =	stream.indirect.gather [hbm4b:s4+s31], $0x80, s6, s31, $0xb8;
	[tilespmem:$0x1F080] =	vst v63  }
0x102: {  	s12 =	sadd.s32 $0x13900, s11  }
0x103: {  	[tilespmem:s0], [sflag:$0x2] =	stream.indirect.gather [hbm4b:s4+s31], $0x80, s12, s31, $0xb8;
	[tilespmem:$0x1F080] =	vst v63  }
0x104: {  	s13 =	sadd.s32 $0x13980, s11  }
0x105: {  	[tilespmem:s3], [sflag:$0x3] =	stream.indirect.gather [hbm4b:s4+s31], $0x80, s13, s31, $0xb8;
	[tilespmem:$0x1F080] =	vst v63  }
0x106: {  	_ =	swait.ge [sflag:s7], $0x2800  }
0x107: {  	[sflag:s7] =	ssyncset.done $0x0  }
0x108: {  	s14 =	sadd.s32 $0x15880, s11;
	[sflag:s7] =	ssyncadd.s32 $0xFFFFD800  }
0x109: {  	[spmem:s1] =	stream.indirect.scatter.add.f32 [tilespmem:s26], [sflag:$0x4], $0x80, s14, s31, $0xb8;
	[tilespmem:$0x1F080] =	vst v63  }
0x10a: {  	_ =	swait.ge [sflag:s28], $0x2800  }
0x10b: {  	[sflag:s28] =	ssyncset.done $0x0  }
0x10c: {  	[sflag:s28] =	ssyncadd.s32 $0xFFFFD800  }
0x10d: {  	_ =	swait.ge [sflag:s8], $0x2800  }
0x10e: {  	[sflag:s8] =	ssyncset.done $0x0  }
0x10f: {  	s12 =	sadd.s32 $0x15900, s11;
	[sflag:s8] =	ssyncadd.s32 $0xFFFFD800  }
0x110: {  	[spmem:s1] =	stream.indirect.scatter.add.f32 [tilespmem:s0], [sflag:$0x4], $0x80, s12, s31, $0xb8;
	[tilespmem:$0x1F080] =	vst v63  }
0x111: {  	_ =	swait.ge [sflag:s28], $0x2800  }
0x112: {  	[sflag:s28] =	ssyncset.done $0x0  }
0x113: {  	[sflag:s28] =	ssyncadd.s32 $0xFFFFD800  }
0x114: {  	_ =	swait.ge [sflag:s9], $0x2800  }
0x115: {  	[sflag:s9] =	ssyncset.done $0x0  }
0x116: {  	s13 =	sadd.s32 $0x15980, s11;
	[sflag:s9] =	ssyncadd.s32 $0xFFFFD800  }
0x117: {  	[spmem:s1] =	stream.indirect.scatter.add.f32 [tilespmem:s3], [sflag:$0x4], $0x80, s13, s31, $0xb8;
	[tilespmem:$0x1F080] =	vst v63  }
0x118: {  	_ =	swait.ge [sflag:s28], $0x2800  }
0x119: {  	[sflag:s28] =	ssyncset.done $0x0  }
0x11a: {  	s14 =	simm.s32 $0x15680;
	[sflag:s28] =	ssyncadd.s32 $0xFFFFD800  }
0x11b: {  	[tilespmem:s26], [sflag:$0x1] =	stream.indirect.gather [hbm4b:s4+s31], $0x80, s14, s31, $0xb8;
	[tilespmem:$0x1F080] =	vst v63  }
0x11c: {  	_ =	swait.ge [sflag:s7], $0x2800  }
0x11d: {  	[sflag:s7] =	ssyncset.done $0x0  }
0x11e: {  	s11 =	simm.s32 $0x17680;
	[sflag:s7] =	ssyncadd.s32 $0xFFFFD800  }
0x11f: {  	[spmem:s1] =	stream.indirect.scatter.add.f32 [tilespmem:s26], [sflag:$0x4], $0x80, s11, s31, $0xb8;
	[tilespmem:$0x1F080] =	vst v63  }
0x120: {  	_ =	swait.ge [sflag:s28], $0x2800  }
0x121: {  	[sflag:s28] =	ssyncset.done $0x0  }
0x122: {  	s12 =	stileid.u32;
	[sflag:s28] =	ssyncadd.s32 $0xFFFFD800  }
0x123: {  	s6 =	sshll.u32 s12, $0x6;
	[bflag:$0x0] =	sbarrier.arrive $0xFFFF  }
0x124: {  	s6 =	sor.u32 $0x1C04, s6;
	s13 =	sshrl.u32 s10, $0x3;
	s12 =	rddreg [dreg:$0x8]  }
0x125: {  	[hbm:s12], [sflag:s6] =	dma.local [spmem:s13], $0x2700  }
0x126: {  	_ =	swait.ge [sflag:s28], $0x2700  }
0x127: {  	[sflag:s28] =	ssyncset.done $0x0  }
0x128: {  	s11 =	sshrl.u32 @!p0 s5, $0x3;
	s12 =	rddreg [dreg:$0x9];
	[sflag:s28] =	ssyncadd.s32 $0xFFFFD900  }
0x129: {  	[hbm:s12], [sflag:s6] =	dma.local @!p0 [spmem:s11], $0x100  }
0x12a: {  	s6 =	simm.s32 @!p0 $0x4  }
0x12b: {  	_ =	swait.ge @!p0 [sflag:s6], $0x100  }
0x12c: {  	s2 =	sadd.s32 $0x1, s2;
	s14 =	rddreg [dreg:$0xa]  }
0x12d: {  	p1 =	sne.s32 s2, s14  }
.Ltmp3:
0x12e: {  	_ = 	snop;
	(pc) =	sbr.rel @p1 .LBB2_1-.Ltmp3, $3  }
0x12f: {  	_ =	sdelay $0x1  }
0x130: {  	[sflag:s6] =	ssyncset.done @!p0 $0x0  }
0x131: {  	[sflag:s6] =	ssyncadd.s32 @!p0 $0xFFFFFF00  }
0x132: {  	_ =	sfence.sel $0x180000  }
0x133: {  	[bflag:$0x0] =	sbarrier.arrive $0xFFFF  }
0x134: {  	_ =	strace $0x90000047  }
0x135: {  	[bflag:$0x2] =	sbarrier.arrive $0xFFFF  }
0x136: {  	s0 =	rddreg [dreg:$0x3]  }
0x137: {  	s0 =	sadd.s32 @!p0 $0x100000, s0  }
0x138: {  	[sflag:s0] =	ssyncadd.tile.s32 @!p0 $0x1;
	_ =	shalt  }
.Lfunc_end2:
_tile_overlayer_lowered:
.L_overlay_start_2:
0x139: {  	(tag) =	ssettag $0x2  }
0x13a: {  	s0 =	rddreg [dreg:$0x0];
	s2 =	stileid.u32  }
0x13b: {  	s1 =	rddreg [dreg:$0x1];
	p0 =	sne.s32 s2, $0x0  }
0x13c: {  	s3 =	rddreg [dreg:$0x2];
	[bflag:$0x3] =	sbarrier.arrive $0xFFFF;
	s2 =	simm.s32 @!p0 $0x1C04  }
0x13d: {  	[timem:s3], [sflag:s2] =	dma.local @!p0 [hbm:s0], s1  }
0x13e: {  	s0 =	simm.s32 @!p0 $0x4  }
0x13f: {  	_ =	swait.ge @!p0 [sflag:s0], s1  }
0x140: {  	s1 =	ssub.s32 @!p0 $0x0, s1;
	[sflag:s0] =	ssyncset.done @!p0 $0x0  }
0x141: {  	[sflag:s0] =	ssyncadd.s32 @!p0 s1  }
0x142: {  	[bflag:$0x3] =	sbarrier.arrive $0xFFFF  }
0x143: {  	_ =	shalt  }

// kernel: kernel.14.cloned.1.call-start
scs
__scs_entry_jumppad:
0x0: {  	(pc) =	sbr.rel $0x88, $3  }
0x1: {  	(tag) =	ssettag $0x0;
	lr =	simm.s32 $0x1  }
0x2: {  	[smem:$0x3F95] =	sst lr;
	_ =	strace $0xD0000000  }
0x3: {  	_ = 	snop  }
0x4: {  	_ = 	snop  }
0x5: {  	_ = 	snop  }
0x6: {  	_ = 	snop  }
0x7: {  	_ = 	snop  }
__scs_overlays_trampoline_lowered:
0x8: {  	[smem:$0x3FA4] =	sst s0  }
0x9: {  	[smem:$0x3FA5] =	sst s1  }
0xa: {  	[smem:$0x3FA6] =	sst s2  }
0xb: {  	[smem:$0x3FA7] =	sst s3  }
0xc: {  	[smem:$0x3FA8] =	sst s4  }
0xd: {  	[smem:$0x3FA9] =	sst s5  }
0xe: {  	[smem:$0x3FAA] =	sst s6  }
0xf: {  	[smem:$0x3FAB] =	sst s7  }
0x10: {  	[smem:$0x3FAC] =	sst s8  }
0x11: {  	[smem:$0x3FAD] =	sst s9;
	s0 =	simm.s32 @!p0 $0x0  }
0x12: {  	s1 =	sld [smem:$0x3F93];
	s0 =	simm.s32 @p0 $0x1  }
0x13: {  	[smem:$0x3FAE] =	sst s0;
	s0 =	simm.s32 @!p1 $0x0  }
0x14: {  	s2 =	sld [smem:$0x3F92];
	s0 =	simm.s32 @p1 $0x1  }
0x15: {  	[smem:$0x3FAF] =	sst s0;
	s0 =	simm.s32 @!p2 $0x0  }
0x16: {  	s3 =	sld [smem:$0x3FDB];
	s0 =	simm.s32 @p2 $0x1  }
0x17: {  	s4 =	simm.s32 $0x1BF5;
	[smem:$0x3FB1] =	sst s0  }
0x18: {  	s0 =	sld [smem:$0x3F94];
	_ =	swait.ge [sflag:s4], $0x0  }
0x19: {  	s7 =	sld [smem:$0x3F95]  }
0x1a: {  	s8 =	sadd.s32 $0xFFFFE003, lr  }
0x1b: {  	s9 =	sadd.s32 $0xFFFFFEF7, lr;
	s5 =	simm.s32 $0xFFFFFFFF;
	p2 =	slt.u32 s8, $0xFFFFF086  }
0x1c: {  	p1 =	slt.u32 s9, $0xF7A;
	s5 =	simm.s32 @!p2 $0x0  }
0x1d: {  	s5 =	simm.s32 @p1 $0x1;
	p0 =	seq.s32 s7, s2  }
0x1e: {  	s7 =	smul.u32 @!p0 $0xF7A, s2;
	p2 =	seq.s32 @!p0 s5, $0x0  }
0x1f: {  	s9 =	smul.u32 $0xF7A, s1;
	s8 =	simm.s32 @!p0 $0x1BF5;
	p2 =	por !p2, p0  }
0x20: {  	[sflag:s8] =	ssyncset.s32 @!p0 $0xFFFFF086;
	s6 =	sadd.s32 @!p0 s3, s7;
	s7 =	simm.s32 @!p0 $0x108  }
0x21: {  	s3 =	sadd.s32 s3, s9;
	s6 =	sadd.s32 @!p0 $0x88, s6;
	s7 =	simm.s32 @p2 $0x1082  }
0x22: {  	[simem:s7], [sflag:s8] =	dma.local @!p0 [hbm:s6], $0xF7A  }
0x23: {  	s9 =	sor.u32 $0xD0000000, s2;
	s6 =	simm.s32 $0x108;
	_ =	swait.ge @!p0 [sflag:s8], $0x0  }
0x24: {  	s3 =	sadd.s32 $0x88, s3;
	s6 =	simm.s32 @!p1 $0x1082;
	[sflag:s4] =	ssyncset.s32 $0xFFFFF086  }
0x25: {  	[simem:s6], [sflag:s4] =	dma.local [hbm:s3], $0xF7A  }
0x26: {  	[smem:$0x3F95] =	sst s1;
	(tag) =	ssettag s2;
	_ =	strace s9  }
0x27: {  	s1 =	sld [smem:$0x3FA5]  }
0x28: {  	s2 =	sld [smem:$0x3FA6]  }
0x29: {  	s4 =	sld [smem:$0x3FA8]  }
0x2a: {  	p0 =	seq.s32 s5, $0x0;
	s5 =	sld [smem:$0x3FA9]  }
0x2b: {  	s6 =	sld [smem:$0x3FAA]  }
0x2c: {  	s7 =	sld [smem:$0x3FAB]  }
0x2d: {  	s3 =	simm.s32 $0x108;
	s8 =	sld [smem:$0x3FAC]  }
0x2e: {  	s3 =	simm.s32 @!p0 $0x1082;
	s9 =	sld [smem:$0x3FAD]  }
0x2f: {  	lr =	sadd.s32 s0, s3;
	s0 =	sld [smem:$0x3FA4]  }
0x30: {  	s3 =	sld [smem:$0x3FA7]  }
0x31: {  	[smem:$0x3FB0] =	sst s10  }
0x32: {  	s10 =	sld [smem:$0x3FAE];
	_ =	sdelay $0x3  }
0x33: {  	p0 =	seq.s32 s10, $0x1;
	s10 =	sld [smem:$0x3FB0];
	_ =	sdelay $0x3  }
0x34: {  	[smem:$0x3FB0] =	sst s10  }
0x35: {  	s10 =	sld [smem:$0x3FAF];
	_ =	sdelay $0x3  }
0x36: {  	p1 =	seq.s32 s10, $0x1;
	s10 =	sld [smem:$0x3FB0];
	_ =	sdelay $0x3  }
0x37: {  	[smem:$0x3FB0] =	sst s10  }
0x38: {  	s10 =	sld [smem:$0x3FB1]  }
0x39: {  	_ = 	snop;
	(pc) =	sbr.ind lr, $3  }
0x3a: {  	_ = 	snop  }
0x3b: {  	_ = 	snop  }
0x3c: {  	p2 =	seq.s32 s10, $0x1;
	s10 =	sld [smem:$0x3FB0]  }
0x3d: {  	_ =	shalt  }
0x3e: {  	_ =	shalt  }
0x3f: {  	_ =	shalt  }
0x40: {  	_ =	shalt  }
0x41: {  	_ =	shalt  }
0x42: {  	_ =	shalt  }
0x43: {  	_ =	shalt  }
0x44: {  	_ =	shalt  }
0x45: {  	_ =	shalt  }
0x46: {  	_ =	shalt  }
0x47: {  	_ =	shalt  }
0x48: {  	_ =	shalt  }
0x49: {  	_ =	shalt  }
0x4a: {  	_ =	shalt  }
0x4b: {  	_ =	shalt  }
0x4c: {  	_ =	shalt  }
0x4d: {  	_ =	shalt  }
0x4e: {  	_ =	shalt  }
0x4f: {  	_ =	shalt  }
0x50: {  	_ =	shalt  }
0x51: {  	_ =	shalt  }
0x52: {  	_ =	shalt  }
0x53: {  	_ =	shalt  }
0x54: {  	_ =	shalt  }
0x55: {  	_ =	shalt  }
0x56: {  	_ =	shalt  }
0x57: {  	_ =	shalt  }
0x58: {  	_ =	shalt  }
0x59: {  	_ =	shalt  }
0x5a: {  	_ =	shalt  }
0x5b: {  	_ =	shalt  }
0x5c: {  	_ =	shalt  }
0x5d: {  	_ =	shalt  }
0x5e: {  	_ =	shalt  }
0x5f: {  	_ =	shalt  }
0x60: {  	_ =	shalt  }
0x61: {  	_ =	shalt  }
0x62: {  	_ =	shalt  }
0x63: {  	_ =	shalt  }
0x64: {  	_ =	shalt  }
0x65: {  	_ =	shalt  }
0x66: {  	_ =	shalt  }
0x67: {  	_ =	shalt  }
0x68: {  	_ =	shalt  }
0x69: {  	_ =	shalt  }
0x6a: {  	_ =	shalt  }
0x6b: {  	_ =	shalt  }
0x6c: {  	_ =	shalt  }
0x6d: {  	_ =	shalt  }
0x6e: {  	_ =	shalt  }
0x6f: {  	_ =	shalt  }
0x70: {  	_ =	shalt  }
0x71: {  	_ =	shalt  }
0x72: {  	_ =	shalt  }
0x73: {  	_ =	shalt  }
0x74: {  	_ =	shalt  }
0x75: {  	_ =	shalt  }
0x76: {  	_ =	shalt  }
0x77: {  	_ =	shalt  }
0x78: {  	_ =	shalt  }
0x79: {  	_ =	shalt  }
0x7a: {  	_ =	shalt  }
0x7b: {  	_ =	shalt  }
0x7c: {  	_ =	shalt  }
0x7d: {  	_ =	shalt  }
0x7e: {  	_ =	shalt  }
0x7f: {  	_ =	shalt  }
0x80: {  	_ =	shalt  }
0x81: {  	_ =	shalt  }
0x82: {  	_ =	shalt  }
0x83: {  	_ =	shalt  }
0x84: {  	_ =	shalt  }
0x85: {  	_ =	shalt  }
0x86: {  	_ =	shalt  }
0x87: {  	_ =	shalt  }
.Lfunc_end0:
.L_simem_size_0:
called_computation.2_lowered:
.L_overlay_start_0:
0x88: {  	s2 =	sld [smem:$0x3FD9]  }
0x89: {  	s3 =	sld [smem:$0x3FFE];
	_ =	sdelay $0x1  }
0x8a: {  	s1 =	srdreg.scid  }
0x8b: {  	s0 =	sand.u32 $0x1, s1  }
0x8c: {  	s17 =	sshll.u32 s0, $0xA;
	s2 =	sadd.s32 s3, s2  }
0x8d: {  	s2 =	sadd.s32 s2, s17  }
0x8e: {  	[smem:$0x3FBC] =	sst s2  }
0x8f: {  	_ = 	snop  }
0x90: {  	s2 =	sld [smem:$0x3FD0];
	(tm) =	ssettm $0x1  }
0x91: {  	s18 =	sld [smem:$0x3FFB];
	_ =	sdelay $0x3  }
0x92: {  	_ =	strace s18  }
0x93: {  	s3 =	sld [smem:$0x3FFC];
	_ =	sdelay $0x3  }
0x94: {  	_ =	strace s3  }
0x95: {  	s3 =	sld [smem:$0x3FFD];
	_ =	sdelay $0x3  }
0x96: {  	_ =	strace s3  }
0x97: {  	_ =	strace $0x8FFFFFFF  }
0x98: {  	s19 =	sld [smem:$0x3FDB];
	_ =	sdelay $0x1  }
0x99: {  	s4 =	simm.s32 $_scs_section_size  }
0x9a: {  	s5 =	simm.s32 $_size__tile_overlayer_lowered;
	s6 =	simm.s32 $_tile_overlayer_lowered  }
0x9b: {  	s22 =	simm.s32 $0x1BFF;
	s21 =	sshll.u32 s6, $0x1;
	s3 =	sadd.s32 s4, s19  }
0x9c: {  	s7 =	simm.s32 $0x0;
	s20 =	sshll.u32 s5, $0x1;
	s5 =	sadd.s32 s21, s3  }
0x9d: {  	[timem:s7], [sflag:s22] =	dma.local [hbm:s5], s20  }
0x9e: {  	_ =	swait.ge [sflag:s22], s20  }
0x9f: {  	s4 =	ssub.s32 $0x0, s20;
	[sflag:s22] =	ssyncset.done $0x0  }
0xa0: {  	[sflag:s22] =	ssyncadd.s32 s4;
	_ =	sdelay $0x1  }
0xa1: {  	s23 =	simm.s32 $0x1B8B  }
0xa2: {  	_ =	swait.ge [sflag:s23], $0x1  }
0xa3: {  	[sflag:s23] =	ssyncset.done $0x0  }
0xa4: {  	s25 =	simm.s32 $0x1B8E;
	s24 =	sld [smem:$0x3FFE];
	[sflag:s23] =	ssyncadd.s32 $0xFFFFFFFF  }
0xa5: {  	s26 =	simm.s32 $execute0_lowered;
	[smem:$0x3FD2] =	sst s25  }
0xa6: {  	s5 =	sshll.u32 s26, $0x1;
	_ =	strace $0x8000004C;
	[dreg:$0x1] =	wrdreg $0xFFFFFFFF  }
0xa7: {  	s28 =	simm.s32 $_size_execute0_lowered;
	s3 =	sadd.s32 s3, s5;
	[dreg:$0x0] =	wrdreg $0x0  }
0xa8: {  	s5 =	sshll.u32 s28, $0x1;
	[dreg:$0x2] =	wrdreg s3  }
0xa9: {  	[dreg:$0x3] =	wrdreg s5  }
0xaa: {  	[dreg:$0x4] =	wrdreg $0xC0  }
0xab: {  	_ =	task [dreg:s7], $0x5FFFF  }
0xac: {  	[dreg:$0x1] =	wrdreg $0xFFFFFFFF  }
0xad: {  	[dreg:$0x0] =	wrdreg $0x60  }
0xae: {  	[dreg:$0x2] =	wrdreg s24  }
0xaf: {  	[dreg:$0x3] =	wrdreg s2  }
0xb0: {  	[dreg:$0x4] =	wrdreg $0x0  }
0xb1: {  	[dreg:$0x5] =	wrdreg $0x9  }
0xb2: {  	_ =	task.clear_ibuf [dreg:s7], $0x6FFFF;
	_ =	strace $0x9000004C  }
0xb3: {  	s29 =	simm.s32 $0x9;
	_ =	strace $0x8000004E  }
0xb4: {  	_ =	swait.ge [sflag:s29], $0x1  }
0xb5: {  	[sflag:s29] =	ssyncadd.s32 $0xFFFFFFFF  }
0xb6: {  	_ =	strace $0x9000004E  }
0xb7: {  	_ =	sfence  }
0xb8: {  	s30 =	sld [smem:$0x0];
	_ =	sdelay $0x2  }
0xb9: {  	s31 =	sshll.u32 s1, $0xD;
	s1 =	sshrl.u32 s1, $0x2  }
0xba: {  	s3 =	sand.u32 $0x4000, s31;
	s1 =	sadd.s32 s1, s30  }
0xbb: {  	s0 =	sor.u32 s3, s0;
	s1 =	sshll.u32 s1, $0x11  }
0xbc: {  	s0 =	sor.u32 s1, s0  }
0xbd: {  	s0 =	sadd.s32 $0x8F2B, s0  }
0xbe: {  	[sflag:s0] =	ssyncadd.remote.s32 $0x1  }
0xbf: {  	_ =	sfence.sel $0xFFFF  }
0xc0: {  	[dreg:$0x0] =	wrdreg $0xFFFFFFFF;
	(pc) =	sbr.abs _section_cstart, $3  }
0xc1: {  	[dreg:$0x1] =	wrdreg $0xFFFFFFFF  }
0xc2: {  	_ =	task.clear_ibuf [dreg:s7], $0x2FFFF;
	_ =	strace $0x9FFFFFFF  }
0xc3: {  	(tm) =	ssettm $0x7FFFFFFF  }
tec
execute0_lowered:
.L_overlay_start_1:
0x0: {  	(tag) =	ssettag $0x1  }
0x1: {  	s0 =	rddreg [dreg:$0x0]  }
0x2: {  	s3 =	rddreg [dreg:$0x1]  }
0x3: {  	s1 =	rddreg [dreg:$0x2];
	s2 =	simm.s32 $0x0  }
0x4: {  	s14 =	stileid.u32;
	s6 =	srdreg.scid;
	s28 =	simm.s32 $0x4  }
0x5: {  	s29 =	simm.s32 $0x13880;
	s30 =	simm.s32 $0x15880;
	s31 =	simm.s32 $0x50  }
0x6: {  	[smem:$0x7FF] =	sst s2;
	s5 =	sshll.u32 s14, $0xB;
	s9 =	smul.u32 $0x270, s14  }
0x7: {  	s4 =	sadd.s32 $0xA200, s0;
	s8 =	sand.u32 $0x1, s6;
	s12 =	smul.u32 $0x4E000, s14  }
0x8: {  	p0 =	sne.s32 s14, $0x0;
	_ =	strace $0x8000004D;
	s7 =	sadd.s32 s5, s0  }
0x9: {  	s0 =	sadd.s32 $0x58400, s0;
	s6 =	ssub.s32 $0x2, s8;
	s17 =	smul.u32 $0x2710, s8  }
0xa: {  	s11 =	sshll.u32 s8, $0xF;
	s18 =	smul.u32 $0x138800, s8;
	s8 =	simm.s32 $0x2  }
0xb: {  	s10 =	sshrl.u32 s6, $0x1;
	s16 =	sor.u32 s5, s11;
	s5 =	sadd.s32 $0x138000, s1  }
0xc: {  	s19 =	sadd.s32 $0x2200, s7;
	s20 =	sadd.s32 $0x2600, s7;
	s21 =	sshrl.u32 s12, $0x2  }
0xd: {  	s7 =	simm.s32 $0x1;
	s13 =	ssub.s32 s6, s10;
	[dreg:$0x5] =	wrdreg s19  }
0xe: {  	s6 =	sadd.s32 s3, s16;
	[dreg:$0x7] =	wrdreg s20;
	s22 =	sadd.s32 s9, s17  }
0xf: {  	s3 =	sshrl.u32 s18, $0x3;
	s10 =	sadd.s32 s21, s1;
	s9 =	simm.s32 $0x3  }
0x10: {  	[dreg:$0x4] =	wrdreg s6;
	s6 =	sadd.s32 $0x400, s6;
	s23 =	sshll.u32 s22, $0x4  }
0x11: {  	s3 =	sadd.s32 s0, s3;
	s25 =	smax.u32 s13, $0x1;
	s26 =	sadd.s32 $0x1800, s10  }
0x12: {  	s15 =	sadd.s32 $0x3000, s10;
	s16 =	sadd.s32 $0x4800, s10;
	s17 =	sadd.s32 $0x6000, s10  }
0x13: {  	s18 =	sadd.s32 $0x7800, s10;
	s19 =	sadd.s32 $0x9000, s10;
	s20 =	sadd.s32 $0xA800, s10  }
0x14: {  	s21 =	sadd.s32 $0xC000, s10;
	s22 =	sadd.s32 $0xD800, s10;
	[dreg:$0x6] =	wrdreg s6  }
0x15: {  	s0 =	sadd.s32 s0, s23;
	s24 =	sadd.s32 $0x27000, s3;
	[dreg:$0xa] =	wrdreg s25  }
0x16: {  	[dreg:$0xb] =	wrdreg s26;
	s23 =	sadd.s32 $0xF000, s10;
	s25 =	sadd.s32 $0x12000, s10  }
0x17: {  	s26 =	simm.s32 $0x17880;
	s3 =	simm.s32 $0x1C880;
	[dreg:$0x8] =	wrdreg s0  }
0x18: {  	v0 =	vimm.f32 $0.0e+00;
	[dreg:$0x9] =	wrdreg s24;
	s24 =	sadd.s32 $0x10800, s10;
	s0 =	simm.s32 $0x1A080  }
.LBB2_1:
0x19: {  	s11 =	simm.s32 $0x0;
	s12 =	simm.s32 $0x200  }
.LBB2_2:
0x1a: {  	p1 =	sne.s32 s12, $0x5E00;
	[tilespmem:s11+$0x178F0] =	vst v0  }
0x1b: {  	[tilespmem:s11+$0x17880] =	vst v0  }
0x1c: {  	[tilespmem:s11+$0x17890] =	vst v0  }
.Ltmp0:
0x1d: {  	[tilespmem:s11+$0x178A0] =	vst v0;
	(pc) =	sbr.rel @p1 .LBB2_2-.Ltmp0, $4  }
0x1e: {  	[tilespmem:s11+$0x178B0] =	vst v0  }
0x1f: {  	[tilespmem:s11+$0x178C0] =	vst v0  }
0x20: {  	[tilespmem:s11+$0x178D0] =	vst v0  }
0x21: {  	[tilespmem:s11+$0x178E0] =	vst v0;
	s11 =	sshra.s32 s12, $0x2;
	s12 =	sadd.s32 $0x200, s12  }
0x22: {  	[tilespmem:s11+$0x178F0] =	vst v0  }
0x23: {  	[tilespmem:s11+$0x17880] =	vst v0  }
0x24: {  	[tilespmem:s11+$0x17890] =	vst v0  }
0x25: {  	[tilespmem:s11+$0x178A0] =	vst v0  }
0x26: {  	[tilespmem:s11+$0x178B0] =	vst v0  }
0x27: {  	[tilespmem:s11+$0x178C0] =	vst v0  }
0x28: {  	[tilespmem:s11+$0x178D0] =	vst v0  }
0x29: {  	[tilespmem:s11+$0x178E0] =	vst v0  }
0x2a: {  	[spmem:s10] =	stream.linear.scatter [tilespmem:s26], [sflag:$0x4], $0x1800, $0x38;
	[tilespmem:$0x1F080] =	vst v63  }
0x2b: {  	_ =	swait.ge [sflag:s28], $0x1800  }
0x2c: {  	[sflag:s28] =	ssyncset.done $0x0  }
0x2d: {  	s6 =	rddreg [dreg:$0xb];
	[sflag:s28] =	ssyncadd.s32 $0xFFFFE800  }
0x2e: {  	[spmem:s6] =	stream.linear.scatter [tilespmem:s26], [sflag:$0x4], $0x1800, $0x38;
	[tilespmem:$0x1F080] =	vst v63  }
0x2f: {  	_ =	swait.ge [sflag:s28], $0x1800  }
0x30: {  	[sflag:s28] =	ssyncset.done $0x0  }
0x31: {  	[sflag:s28] =	ssyncadd.s32 $0xFFFFE800  }
0x32: {  	[spmem:s15] =	stream.linear.scatter [tilespmem:s26], [sflag:$0x4], $0x1800, $0x38;
	[tilespmem:$0x1F080] =	vst v63  }
0x33: {  	_ =	swait.ge [sflag:s28], $0x1800  }
0x34: {  	[sflag:s28] =	ssyncset.done $0x0  }
0x35: {  	[sflag:s28] =	ssyncadd.s32 $0xFFFFE800  }
0x36: {  	[spmem:s16] =	stream.linear.scatter [tilespmem:s26], [sflag:$0x4], $0x1800, $0x38;
	[tilespmem:$0x1F080] =	vst v63  }
0x37: {  	_ =	swait.ge [sflag:s28], $0x1800  }
0x38: {  	[sflag:s28] =	ssyncset.done $0x0  }
0x39: {  	[sflag:s28] =	ssyncadd.s32 $0xFFFFE800  }
0x3a: {  	[spmem:s17] =	stream.linear.scatter [tilespmem:s26], [sflag:$0x4], $0x1800, $0x38;
	[tilespmem:$0x1F080] =	vst v63  }
0x3b: {  	_ =	swait.ge [sflag:s28], $0x1800  }
0x3c: {  	[sflag:s28] =	ssyncset.done $0x0  }
0x3d: {  	[sflag:s28] =	ssyncadd.s32 $0xFFFFE800  }
0x3e: {  	[spmem:s18] =	stream.linear.scatter [tilespmem:s26], [sflag:$0x4], $0x1800, $0x38;
	[tilespmem:$0x1F080] =	vst v63  }
0x3f: {  	_ =	swait.ge [sflag:s28], $0x1800  }
0x40: {  	[sflag:s28] =	ssyncset.done $0x0  }
0x41: {  	[sflag:s28] =	ssyncadd.s32 $0xFFFFE800  }
0x42: {  	[spmem:s19] =	stream.linear.scatter [tilespmem:s26], [sflag:$0x4], $0x1800, $0x38;
	[tilespmem:$0x1F080] =	vst v63  }
0x43: {  	_ =	swait.ge [sflag:s28], $0x1800  }
0x44: {  	[sflag:s28] =	ssyncset.done $0x0  }
0x45: {  	[sflag:s28] =	ssyncadd.s32 $0xFFFFE800  }
0x46: {  	[spmem:s20] =	stream.linear.scatter [tilespmem:s26], [sflag:$0x4], $0x1800, $0x38;
	[tilespmem:$0x1F080] =	vst v63  }
0x47: {  	_ =	swait.ge [sflag:s28], $0x1800  }
0x48: {  	[sflag:s28] =	ssyncset.done $0x0  }
0x49: {  	[sflag:s28] =	ssyncadd.s32 $0xFFFFE800  }
0x4a: {  	[spmem:s21] =	stream.linear.scatter [tilespmem:s26], [sflag:$0x4], $0x1800, $0x38;
	[tilespmem:$0x1F080] =	vst v63  }
0x4b: {  	_ =	swait.ge [sflag:s28], $0x1800  }
0x4c: {  	[sflag:s28] =	ssyncset.done $0x0  }
0x4d: {  	[sflag:s28] =	ssyncadd.s32 $0xFFFFE800  }
0x4e: {  	[spmem:s22] =	stream.linear.scatter [tilespmem:s26], [sflag:$0x4], $0x1800, $0x38;
	[tilespmem:$0x1F080] =	vst v63  }
0x4f: {  	_ =	swait.ge [sflag:s28], $0x1800  }
0x50: {  	[sflag:s28] =	ssyncset.done $0x0  }
0x51: {  	[sflag:s28] =	ssyncadd.s32 $0xFFFFE800  }
0x52: {  	[spmem:s23] =	stream.linear.scatter [tilespmem:s26], [sflag:$0x4], $0x1800, $0x38;
	[tilespmem:$0x1F080] =	vst v63  }
0x53: {  	_ =	swait.ge [sflag:s28], $0x1800  }
0x54: {  	[sflag:s28] =	ssyncset.done $0x0  }
0x55: {  	[sflag:s28] =	ssyncadd.s32 $0xFFFFE800  }
0x56: {  	[spmem:s24] =	stream.linear.scatter [tilespmem:s26], [sflag:$0x4], $0x1800, $0x38;
	[tilespmem:$0x1F080] =	vst v63  }
0x57: {  	_ =	swait.ge [sflag:s28], $0x1800  }
0x58: {  	[sflag:s28] =	ssyncset.done $0x0  }
0x59: {  	[sflag:s28] =	ssyncadd.s32 $0xFFFFE800  }
0x5a: {  	[spmem:s25] =	stream.linear.scatter [tilespmem:s26], [sflag:$0x4], $0x1800, $0x38;
	[tilespmem:$0x1F080] =	vst v63  }
0x5b: {  	_ =	swait.ge [sflag:s28], $0x1800  }
0x5c: {  	[sflag:s28] =	ssyncset.done $0x0  }
0x5d: {  	s11 =	simm.s32 @!p0 $0x17880;
	[sflag:s28] =	ssyncadd.s32 $0xFFFFE800  }
0x5e: {  	[spmem:s5] =	stream.linear.scatter @!p0 [tilespmem:s11], [sflag:$0x4], $0x800, $0x38;
	[tilespmem:$0x1F080] =	vst v63  }
0x5f: {  	s11 =	simm.s32 @!p0 $0x4  }
0x60: {  	_ =	swait.ge @!p0 [sflag:s11], $0x800  }
0x61: {  	[sflag:s11] =	ssyncset.done @!p0 $0x0  }
0x62: {  	[sflag:s11] =	ssyncadd.s32 @!p0 $0xFFFFF800  }
0x63: {  	[bflag:$0x0] =	sbarrier.arrive $0xFFFF  }
0x64: {  	s13 =	simm.s32 $0x0;
	s14 =	rddreg [dreg:$0x4]  }
0x65: {  	[tilespmem:s29], [sflag:$0x4] =	stream.linear.gather [hbm4b:s14+s13], $0x2000, $0x38;
	[tilespmem:$0x1F080] =	vst v63  }
0x66: {  	_ =	swait.ge [sflag:s28], $0x2000  }
0x67: {  	[sflag:s28] =	ssyncset.done $0x0  }
0x68: {  	s12 =	rddreg [dreg:$0x5];
	[sflag:s28] =	ssyncadd.s32 $0xFFFFE000  }
0x69: {  	[tilespmem:s30], [sflag:$0x4] =	stream.linear.gather [hbm4b:s12+s13], $0x2000, $0x38;
	[tilespmem:$0x1F080] =	vst v63  }
0x6a: {  	_ =	swait.ge [sflag:s28], $0x2000  }
0x6b: {  	[sflag:s28] =	ssyncset.done $0x0  }
0x6c: {  	s13 =	simm.s32 $0x13880;
	[sflag:s28] =	ssyncadd.s32 $0xFFFFE000  }
0x6d: {  	[tilespmem:s26], [sflag:$0x1] =	stream.indirect.gather [hbm4b:s4+s31], $0x80, s13, s31, $0xb8;
	[tilespmem:$0x1F080] =	vst v63  }
0x6e: {  	s14 =	simm.s32 $0x13900  }
0x6f: {  	[tilespmem:s0], [sflag:$0x2] =	stream.indirect.gather [hbm4b:s4+s31], $0x80, s14, s31, $0xb8;
	[tilespmem:$0x1F080] =	vst v63  }
0x70: {  	s6 =	simm.s32 $0x13980  }
0x71: {  	[tilespmem:s3], [sflag:$0x3] =	stream.indirect.gather [hbm4b:s4+s31], $0x80, s6, s31, $0xb8;
	[tilespmem:$0x1F080] =	vst v63  }
0x72: {  	_ =	swait.ge [sflag:s7], $0x2800  }
0x73: {  	[sflag:s7] =	ssyncset.done $0x0  }
0x74: {  	s12 =	simm.s32 $0x15880;
	[sflag:s7] =	ssyncadd.s32 $0xFFFFD800  }
0x75: {  	[spmem:s1] =	stream.indirect.scatter.add.f32 [tilespmem:s26], [sflag:$0x4], $0x80, s12, s31, $0xb8;
	[tilespmem:$0x1F080] =	vst v63  }
0x76: {  	_ =	swait.ge [sflag:s28], $0x2800  }
0x77: {  	[sflag:s28] =	ssyncset.done $0x0  }
0x78: {  	[sflag:s28] =	ssyncadd.s32 $0xFFFFD800  }
0x79: {  	_ =	swait.ge [sflag:s8], $0x2800  }
0x7a: {  	[sflag:s8] =	ssyncset.done $0x0  }
0x7b: {  	s13 =	simm.s32 $0x15900;
	[sflag:s8] =	ssyncadd.s32 $0xFFFFD800  }
0x7c: {  	[spmem:s1] =	stream.indirect.scatter.add.f32 [tilespmem:s0], [sflag:$0x4], $0x80, s13, s31, $0xb8;
	[tilespmem:$0x1F080] =	vst v63  }
0x7d: {  	_ =	swait.ge [sflag:s28], $0x2800  }
0x7e: {  	[sflag:s28] =	ssyncset.done $0x0  }
0x7f: {  	[sflag:s28] =	ssyncadd.s32 $0xFFFFD800  }
0x80: {  	_ =	swait.ge [sflag:s9], $0x2800  }
0x81: {  	[sflag:s9] =	ssyncset.done $0x0  }
0x82: {  	s14 =	simm.s32 $0x15980;
	[sflag:s9] =	ssyncadd.s32 $0xFFFFD800  }
0x83: {  	[spmem:s1] =	stream.indirect.scatter.add.f32 [tilespmem:s3], [sflag:$0x4], $0x80, s14, s31, $0xb8;
	[tilespmem:$0x1F080] =	vst v63  }
0x84: {  	_ =	swait.ge [sflag:s28], $0x2800  }
0x85: {  	s11 =	simm.s32 $0x180;
	s12 =	simm.s32 $0xC00;
	[sflag:s28] =	ssyncset.done $0x0  }
.LBB2_4:
0x86: {  	s13 =	sadd.s32 $0x13880, s11  }
0x87: {  	[sflag:s28] =	ssyncadd.s32 $0xFFFFD800;
	s6 =	smov.u32 s12;
	s14 =	sadd.s32 $0x600, s12  }
0x88: {  	[tilespmem:s26], [sflag:$0x1] =	stream.indirect.gather [hbm4b:s4+s31], $0x80, s13, s31, $0xb8;
	[tilespmem:$0x1F080] =	vst v63  }
0x89: {  	p1 =	sne.s32 s12, $0x7800;
	s12 =	sadd.s32 $0x13900, s11  }
0x8a: {  	[tilespmem:s0], [sflag:$0x2] =	stream.indirect.gather [hbm4b:s4+s31], $0x80, s12, s31, $0xb8;
	[tilespmem:$0x1F080] =	vst v63  }
0x8b: {  	s12 =	sadd.s32 $0x13980, s11  }
0x8c: {  	[tilespmem:s3], [sflag:$0x3] =	stream.indirect.gather [hbm4b:s4+s31], $0x80, s12, s31, $0xb8;
	[tilespmem:$0x1F080] =	vst v63  }
0x8d: {  	_ =	swait.ge [sflag:s7], $0x2800  }
0x8e: {  	[sflag:s7] =	ssyncset.done $0x0  }
0x8f: {  	s12 =	sadd.s32 $0x15880, s11;
	[sflag:s7] =	ssyncadd.s32 $0xFFFFD800  }
0x90: {  	[spmem:s1] =	stream.indirect.scatter.add.f32 [tilespmem:s26], [sflag:$0x4], $0x80, s12, s31, $0xb8;
	[tilespmem:$0x1F080] =	vst v63  }
0x91: {  	_ =	swait.ge [sflag:s28], $0x2800  }
0x92: {  	[sflag:s28] =	ssyncset.done $0x0  }
0x93: {  	[sflag:s28] =	ssyncadd.s32 $0xFFFFD800  }
0x94: {  	_ =	swait.ge [sflag:s8], $0x2800  }
0x95: {  	[sflag:s8] =	ssyncset.done $0x0  }
0x96: {  	s12 =	sadd.s32 $0x15900, s11;
	[sflag:s8] =	ssyncadd.s32 $0xFFFFD800  }
0x97: {  	[spmem:s1] =	stream.indirect.scatter.add.f32 [tilespmem:s0], [sflag:$0x4], $0x80, s12, s31, $0xb8;
	[tilespmem:$0x1F080] =	vst v63  }
0x98: {  	_ =	swait.ge [sflag:s28], $0x2800  }
0x99: {  	[sflag:s28] =	ssyncset.done $0x0  }
0x9a: {  	[sflag:s28] =	ssyncadd.s32 $0xFFFFD800  }
0x9b: {  	_ =	swait.ge [sflag:s9], $0x2800  }
.Ltmp1:
0x9c: {  	[sflag:s9] =	ssyncset.done $0x0;
	(pc) =	sbr.rel @p1 .LBB2_4-.Ltmp1, $4  }
0x9d: {  	s11 =	sadd.s32 $0x15980, s11;
	[sflag:s9] =	ssyncadd.s32 $0xFFFFD800  }
0x9e: {  	[spmem:s1] =	stream.indirect.scatter.add.f32 [tilespmem:s3], [sflag:$0x4], $0x80, s11, s31, $0xb8;
	[tilespmem:$0x1F080] =	vst v63  }
0x9f: {  	_ =	swait.ge [sflag:s28], $0x2800  }
0xa0: {  	s12 =	smov.u32 s14;
	s11 =	sshra.s32 s6, $0x2;
	[sflag:s28] =	ssyncset.done $0x0  }
0xa1: {  	s6 =	sadd.s32 $0x13880, s11;
	[sflag:s28] =	ssyncadd.s32 $0xFFFFD800  }
0xa2: {  	[tilespmem:s26], [sflag:$0x1] =	stream.indirect.gather [hbm4b:s4+s31], $0x80, s6, s31, $0xb8;
	[tilespmem:$0x1F080] =	vst v63  }
0xa3: {  	s13 =	sadd.s32 $0x13900, s11  }
0xa4: {  	[tilespmem:s0], [sflag:$0x2] =	stream.indirect.gather [hbm4b:s4+s31], $0x80, s13, s31, $0xb8;
	[tilespmem:$0x1F080] =	vst v63  }
0xa5: {  	s14 =	sadd.s32 $0x13980, s11  }
0xa6: {  	[tilespmem:s3], [sflag:$0x3] =	stream.indirect.gather [hbm4b:s4+s31], $0x80, s14, s31, $0xb8;
	[tilespmem:$0x1F080] =	vst v63  }
0xa7: {  	_ =	swait.ge [sflag:s7], $0x2800  }
0xa8: {  	[sflag:s7] =	ssyncset.done $0x0  }
0xa9: {  	s12 =	sadd.s32 $0x15880, s11;
	[sflag:s7] =	ssyncadd.s32 $0xFFFFD800  }
0xaa: {  	[spmem:s1] =	stream.indirect.scatter.add.f32 [tilespmem:s26], [sflag:$0x4], $0x80, s12, s31, $0xb8;
	[tilespmem:$0x1F080] =	vst v63  }
0xab: {  	_ =	swait.ge [sflag:s28], $0x2800  }
0xac: {  	[sflag:s28] =	ssyncset.done $0x0  }
0xad: {  	[sflag:s28] =	ssyncadd.s32 $0xFFFFD800  }
0xae: {  	_ =	swait.ge [sflag:s8], $0x2800  }
0xaf: {  	[sflag:s8] =	ssyncset.done $0x0  }
0xb0: {  	s13 =	sadd.s32 $0x15900, s11;
	[sflag:s8] =	ssyncadd.s32 $0xFFFFD800  }
0xb1: {  	[spmem:s1] =	stream.indirect.scatter.add.f32 [tilespmem:s0], [sflag:$0x4], $0x80, s13, s31, $0xb8;
	[tilespmem:$0x1F080] =	vst v63  }
0xb2: {  	_ =	swait.ge [sflag:s28], $0x2800  }
0xb3: {  	[sflag:s28] =	ssyncset.done $0x0  }
0xb4: {  	[sflag:s28] =	ssyncadd.s32 $0xFFFFD800  }
0xb5: {  	_ =	swait.ge [sflag:s9], $0x2800  }
0xb6: {  	[sflag:s9] =	ssyncset.done $0x0  }
0xb7: {  	s14 =	sadd.s32 $0x15980, s11;
	[sflag:s9] =	ssyncadd.s32 $0xFFFFD800  }
0xb8: {  	[spmem:s1] =	stream.indirect.scatter.add.f32 [tilespmem:s3], [sflag:$0x4], $0x80, s14, s31, $0xb8;
	[tilespmem:$0x1F080] =	vst v63  }
0xb9: {  	_ =	swait.ge [sflag:s28], $0x2800  }
0xba: {  	[sflag:s28] =	ssyncset.done $0x0  }
0xbb: {  	s11 =	simm.s32 $0x15800;
	[sflag:s28] =	ssyncadd.s32 $0xFFFFD800  }
0xbc: {  	[tilespmem:s26], [sflag:$0x1] =	stream.indirect.gather [hbm4b:s4+s31], $0x80, s11, s31, $0xb8;
	[tilespmem:$0x1F080] =	vst v63  }
0xbd: {  	_ =	swait.ge [sflag:s7], $0x2800  }
0xbe: {  	[sflag:s7] =	ssyncset.done $0x0  }
0xbf: {  	s12 =	simm.s32 $0x17800;
	[sflag:s7] =	ssyncadd.s32 $0xFFFFD800  }
0xc0: {  	[spmem:s1] =	stream.indirect.scatter.add.f32 [tilespmem:s26], [sflag:$0x4], $0x80, s12, s31, $0xb8;
	[tilespmem:$0x1F080] =	vst v63  }
0xc1: {  	_ =	swait.ge [sflag:s28], $0x2800  }
0xc2: {  	[sflag:s28] =	ssyncset.done $0x0  }
0xc3: {  	s13 =	simm.s32 $0x0;
	s14 =	rddreg [dreg:$0x6];
	[sflag:s28] =	ssyncadd.s32 $0xFFFFD800  }
0xc4: {  	[tilespmem:s29], [sflag:$0x4] =	stream.linear.gather [hbm4b:s14+s13], $0x1E80, $0x38;
	[tilespmem:$0x1F080] =	vst v63  }
0xc5: {  	_ =	swait.ge [sflag:s28], $0x1E80  }
0xc6: {  	[sflag:s28] =	ssyncset.done $0x0  }
0xc7: {  	s12 =	rddreg [dreg:$0x7];
	[sflag:s28] =	ssyncadd.s32 $0xFFFFE180  }
0xc8: {  	[tilespmem:s30], [sflag:$0x4] =	stream.linear.gather [hbm4b:s12+s13], $0x1E80, $0x38;
	[tilespmem:$0x1F080] =	vst v63  }
0xc9: {  	_ =	swait.ge [sflag:s28], $0x1E80  }
0xca: {  	[sflag:s28] =	ssyncset.done $0x0  }
0xcb: {  	s13 =	simm.s32 $0x13880;
	[sflag:s28] =	ssyncadd.s32 $0xFFFFE180  }
0xcc: {  	[tilespmem:s26], [sflag:$0x1] =	stream.indirect.gather [hbm4b:s4+s31], $0x80, s13, s31, $0xb8;
	[tilespmem:$0x1F080] =	vst v63  }
0xcd: {  	s14 =	simm.s32 $0x13900  }
0xce: {  	[tilespmem:s0], [sflag:$0x2] =	stream.indirect.gather [hbm4b:s4+s31], $0x80, s14, s31, $0xb8;
	[tilespmem:$0x1F080] =	vst v63  }
0xcf: {  	s11 =	simm.s32 $0x13980  }
0xd0: {  	[tilespmem:s3], [sflag:$0x3] =	stream.indirect.gather [hbm4b:s4+s31], $0x80, s11, s31, $0xb8;
	[tilespmem:$0x1F080] =	vst v63  }
0xd1: {  	_ =	swait.ge [sflag:s7], $0x2800  }
0xd2: {  	[sflag:s7] =	ssyncset.done $0x0  }
0xd3: {  	s12 =	simm.s32 $0x15880;
	[sflag:s7] =	ssyncadd.s32 $0xFFFFD800  }
0xd4: {  	[spmem:s1] =	stream.indirect.scatter.add.f32 [tilespmem:s26], [sflag:$0x4], $0x80, s12, s31, $0xb8;
	[tilespmem:$0x1F080] =	vst v63  }
0xd5: {  	_ =	swait.ge [sflag:s28], $0x2800  }
0xd6: {  	[sflag:s28] =	ssyncset.done $0x0  }
0xd7: {  	[sflag:s28] =	ssyncadd.s32 $0xFFFFD800  }
0xd8: {  	_ =	swait.ge [sflag:s8], $0x2800  }
0xd9: {  	[sflag:s8] =	ssyncset.done $0x0  }
0xda: {  	s13 =	simm.s32 $0x15900;
	[sflag:s8] =	ssyncadd.s32 $0xFFFFD800  }
0xdb: {  	[spmem:s1] =	stream.indirect.scatter.add.f32 [tilespmem:s0], [sflag:$0x4], $0x80, s13, s31, $0xb8;
	[tilespmem:$0x1F080] =	vst v63  }
0xdc: {  	_ =	swait.ge [sflag:s28], $0x2800  }
0xdd: {  	[sflag:s28] =	ssyncset.done $0x0  }
0xde: {  	[sflag:s28] =	ssyncadd.s32 $0xFFFFD800  }
0xdf: {  	_ =	swait.ge [sflag:s9], $0x2800  }
0xe0: {  	[sflag:s9] =	ssyncset.done $0x0  }
0xe1: {  	s14 =	simm.s32 $0x15980;
	[sflag:s9] =	ssyncadd.s32 $0xFFFFD800  }
0xe2: {  	[spmem:s1] =	stream.indirect.scatter.add.f32 [tilespmem:s3], [sflag:$0x4], $0x80, s14, s31, $0xb8;
	[tilespmem:$0x1F080] =	vst v63  }
0xe3: {  	_ =	swait.ge [sflag:s28], $0x2800  }
0xe4: {  	s11 =	simm.s32 $0x180;
	s12 =	simm.s32 $0xC00;
	[sflag:s28] =	ssyncset.done $0x0  }
.LBB2_6:
0xe5: {  	s6 =	sadd.s32 $0x13880, s11  }
0xe6: {  	[sflag:s28] =	ssyncadd.s32 $0xFFFFD800;
	s13 =	smov.u32 s12;
	s14 =	sadd.s32 $0x600, s12  }
0xe7: {  	[tilespmem:s26], [sflag:$0x1] =	stream.indirect.gather [hbm4b:s4+s31], $0x80, s6, s31, $0xb8;
	[tilespmem:$0x1F080] =	vst v63  }
0xe8: {  	p1 =	sne.s32 s12, $0x7200;
	s6 =	sadd.s32 $0x13900, s11  }
0xe9: {  	[tilespmem:s0], [sflag:$0x2] =	stream.indirect.gather [hbm4b:s4+s31], $0x80, s6, s31, $0xb8;
	[tilespmem:$0x1F080] =	vst v63  }
0xea: {  	s6 =	sadd.s32 $0x13980, s11  }
0xeb: {  	[tilespmem:s3], [sflag:$0x3] =	stream.indirect.gather [hbm4b:s4+s31], $0x80, s6, s31, $0xb8;
	[tilespmem:$0x1F080] =	vst v63  }
0xec: {  	_ =	swait.ge [sflag:s7], $0x2800  }
0xed: {  	[sflag:s7] =	ssyncset.done $0x0  }
0xee: {  	s6 =	sadd.s32 $0x15880, s11;
	[sflag:s7] =	ssyncadd.s32 $0xFFFFD800  }
0xef: {  	[spmem:s1] =	stream.indirect.scatter.add.f32 [tilespmem:s26], [sflag:$0x4], $0x80, s6, s31, $0xb8;
	[tilespmem:$0x1F080] =	vst v63  }
0xf0: {  	_ =	swait.ge [sflag:s28], $0x2800  }
0xf1: {  	[sflag:s28] =	ssyncset.done $0x0  }
0xf2: {  	[sflag:s28] =	ssyncadd.s32 $0xFFFFD800  }
0xf3: {  	_ =	swait.ge [sflag:s8], $0x2800  }
0xf4: {  	[sflag:s8] =	ssyncset.done $0x0  }
0xf5: {  	s6 =	sadd.s32 $0x15900, s11;
	[sflag:s8] =	ssyncadd.s32 $0xFFFFD800  }
0xf6: {  	[spmem:s1] =	stream.indirect.scatter.add.f32 [tilespmem:s0], [sflag:$0x4], $0x80, s6, s31, $0xb8;
	[tilespmem:$0x1F080] =	vst v63  }
0xf7: {  	_ =	swait.ge [sflag:s28], $0x2800  }
0xf8: {  	[sflag:s28] =	ssyncset.done $0x0  }
0xf9: {  	[sflag:s28] =	ssyncadd.s32 $0xFFFFD800  }
0xfa: {  	_ =	swait.ge [sflag:s9], $0x2800  }
.Ltmp2:
0xfb: {  	[sflag:s9] =	ssyncset.done $0x0;
	(pc) =	sbr.rel @p1 .LBB2_6-.Ltmp2, $4  }
0xfc: {  	s6 =	sadd.s32 $0x15980, s11;
	[sflag:s9] =	ssyncadd.s32 $0xFFFFD800  }
0xfd: {  	[spmem:s1] =	stream.indirect.scatter.add.f32 [tilespmem:s3], [sflag:$0x4], $0x80, s6, s31, $0xb8;
	[tilespmem:$0x1F080] =	vst v63  }
0xfe: {  	_ =	swait.ge [sflag:s28], $0x2800  }
0xff: {  	s12 =	smov.u32 s14;
	s11 =	sshra.s32 s13, $0x2;
	[sflag:s28] =	ssyncset.done $0x0  }
0x100: {  	s6 =	sadd.s32 $0x13880, s11;
	[sflag:s28] =	ssyncadd.s32 $0xFFFFD800  }
0x101: {  	[tilespmem:s26], [sflag:$0x1] =	stream.indirect.gather [hbm4b:s4+s31], $0x80, s6, s31, $0xb8;
	[tilespmem:$0x1F080] =	vst v63  }
0x102: {  	s12 =	sadd.s32 $0x13900, s11  }
0x103: {  	[tilespmem:s0], [sflag:$0x2] =	stream.indirect.gather [hbm4b:s4+s31], $0x80, s12, s31, $0xb8;
	[tilespmem:$0x1F080] =	vst v63  }
0x104: {  	s13 =	sadd.s32 $0x13980, s11  }
0x105: {  	[tilespmem:s3], [sflag:$0x3] =	stream.indirect.gather [hbm4b:s4+s31], $0x80, s13, s31, $0xb8;
	[tilespmem:$0x1F080] =	vst v63  }
0x106: {  	_ =	swait.ge [sflag:s7], $0x2800  }
0x107: {  	[sflag:s7] =	ssyncset.done $0x0  }
0x108: {  	s14 =	sadd.s32 $0x15880, s11;
	[sflag:s7] =	ssyncadd.s32 $0xFFFFD800  }
0x109: {  	[spmem:s1] =	stream.indirect.scatter.add.f32 [tilespmem:s26], [sflag:$0x4], $0x80, s14, s31, $0xb8;
	[tilespmem:$0x1F080] =	vst v63  }
0x10a: {  	_ =	swait.ge [sflag:s28], $0x2800  }
0x10b: {  	[sflag:s28] =	ssyncset.done $0x0  }
0x10c: {  	[sflag:s28] =	ssyncadd.s32 $0xFFFFD800  }
0x10d: {  	_ =	swait.ge [sflag:s8], $0x2800  }
0x10e: {  	[sflag:s8] =	ssyncset.done $0x0  }
0x10f: {  	s12 =	sadd.s32 $0x15900, s11;
	[sflag:s8] =	ssyncadd.s32 $0xFFFFD800  }
0x110: {  	[spmem:s1] =	stream.indirect.scatter.add.f32 [tilespmem:s0], [sflag:$0x4], $0x80, s12, s31, $0xb8;
	[tilespmem:$0x1F080] =	vst v63  }
0x111: {  	_ =	swait.ge [sflag:s28], $0x2800  }
0x112: {  	[sflag:s28] =	ssyncset.done $0x0  }
0x113: {  	[sflag:s28] =	ssyncadd.s32 $0xFFFFD800  }
0x114: {  	_ =	swait.ge [sflag:s9], $0x2800  }
0x115: {  	[sflag:s9] =	ssyncset.done $0x0  }
0x116: {  	s13 =	sadd.s32 $0x15980, s11;
	[sflag:s9] =	ssyncadd.s32 $0xFFFFD800  }
0x117: {  	[spmem:s1] =	stream.indirect.scatter.add.f32 [tilespmem:s3], [sflag:$0x4], $0x80, s13, s31, $0xb8;
	[tilespmem:$0x1F080] =	vst v63  }
0x118: {  	_ =	swait.ge [sflag:s28], $0x2800  }
0x119: {  	[sflag:s28] =	ssyncset.done $0x0  }
0x11a: {  	s14 =	simm.s32 $0x15680;
	[sflag:s28] =	ssyncadd.s32 $0xFFFFD800  }
0x11b: {  	[tilespmem:s26], [sflag:$0x1] =	stream.indirect.gather [hbm4b:s4+s31], $0x80, s14, s31, $0xb8;
	[tilespmem:$0x1F080] =	vst v63  }
0x11c: {  	_ =	swait.ge [sflag:s7], $0x2800  }
0x11d: {  	[sflag:s7] =	ssyncset.done $0x0  }
0x11e: {  	s11 =	simm.s32 $0x17680;
	[sflag:s7] =	ssyncadd.s32 $0xFFFFD800  }
0x11f: {  	[spmem:s1] =	stream.indirect.scatter.add.f32 [tilespmem:s26], [sflag:$0x4], $0x80, s11, s31, $0xb8;
	[tilespmem:$0x1F080] =	vst v63  }
0x120: {  	_ =	swait.ge [sflag:s28], $0x2800  }
0x121: {  	[sflag:s28] =	ssyncset.done $0x0  }
0x122: {  	s12 =	stileid.u32;
	[sflag:s28] =	ssyncadd.s32 $0xFFFFD800  }
0x123: {  	s6 =	sshll.u32 s12, $0x6;
	[bflag:$0x0] =	sbarrier.arrive $0xFFFF  }
0x124: {  	s6 =	sor.u32 $0x1C04, s6;
	s13 =	sshrl.u32 s10, $0x3;
	s12 =	rddreg [dreg:$0x8]  }
0x125: {  	[hbm:s12], [sflag:s6] =	dma.local [spmem:s13], $0x2700  }
0x126: {  	_ =	swait.ge [sflag:s28], $0x2700  }
0x127: {  	[sflag:s28] =	ssyncset.done $0x0  }
0x128: {  	s11 =	sshrl.u32 @!p0 s5, $0x3;
	s12 =	rddreg [dreg:$0x9];
	[sflag:s28] =	ssyncadd.s32 $0xFFFFD900  }
0x129: {  	[hbm:s12], [sflag:s6] =	dma.local @!p0 [spmem:s11], $0x100  }
0x12a: {  	s6 =	simm.s32 @!p0 $0x4  }
0x12b: {  	_ =	swait.ge @!p0 [sflag:s6], $0x100  }
0x12c: {  	s2 =	sadd.s32 $0x1, s2;
	s14 =	rddreg [dreg:$0xa]  }
0x12d: {  	p1 =	sne.s32 s2, s14  }
.Ltmp3:
0x12e: {  	_ = 	snop;
	(pc) =	sbr.rel @p1 .LBB2_1-.Ltmp3, $3  }
0x12f: {  	_ =	sdelay $0x1  }
0x130: {  	[sflag:s6] =	ssyncset.done @!p0 $0x0  }
0x131: {  	[sflag:s6] =	ssyncadd.s32 @!p0 $0xFFFFFF00  }
0x132: {  	_ =	sfence.sel $0x180000  }
0x133: {  	[bflag:$0x0] =	sbarrier.arrive $0xFFFF  }
0x134: {  	_ =	strace $0x9000004D  }
0x135: {  	[bflag:$0x2] =	sbarrier.arrive $0xFFFF  }
0x136: {  	s0 =	rddreg [dreg:$0x3]  }
0x137: {  	s0 =	sadd.s32 @!p0 $0x100000, s0  }
0x138: {  	[sflag:s0] =	ssyncadd.tile.s32 @!p0 $0x1;
	_ =	shalt  }
.Lfunc_end2:
_tile_overlayer_lowered:
.L_overlay_start_2:
0x139: {  	(tag) =	ssettag $0x2  }
0x13a: {  	s0 =	rddreg [dreg:$0x0];
	s2 =	stileid.u32  }
0x13b: {  	s1 =	rddreg [dreg:$0x1];
	p0 =	sne.s32 s2, $0x0  }
0x13c: {  	s3 =	rddreg [dreg:$0x2];
	[bflag:$0x3] =	sbarrier.arrive $0xFFFF;
	s2 =	simm.s32 @!p0 $0x1C04  }
0x13d: {  	[timem:s3], [sflag:s2] =	dma.local @!p0 [hbm:s0], s1  }
0x13e: {  	s0 =	simm.s32 @!p0 $0x4  }
0x13f: {  	_ =	swait.ge @!p0 [sflag:s0], s1  }
0x140: {  	s1 =	ssub.s32 @!p0 $0x0, s1;
	[sflag:s0] =	ssyncset.done @!p0 $0x0  }
0x141: {  	[sflag:s0] =	ssyncadd.s32 @!p0 s1  }
0x142: {  	[bflag:$0x3] =	sbarrier.arrive $0xFFFF  }
0x143: {  	_ =	shalt  }

// kernel: kernel.8.cloned.1.call-start
scs
__scs_entry_jumppad:
0x0: {  	(pc) =	sbr.rel $0x88, $3  }
0x1: {  	(tag) =	ssettag $0x0;
	lr =	simm.s32 $0x1  }
0x2: {  	[smem:$0x3F95] =	sst lr;
	_ =	strace $0xD0000000  }
0x3: {  	_ = 	snop  }
0x4: {  	_ = 	snop  }
0x5: {  	_ = 	snop  }
0x6: {  	_ = 	snop  }
0x7: {  	_ = 	snop  }
__scs_overlays_trampoline_lowered:
0x8: {  	[smem:$0x3FA4] =	sst s0  }
0x9: {  	[smem:$0x3FA5] =	sst s1  }
0xa: {  	[smem:$0x3FA6] =	sst s2  }
0xb: {  	[smem:$0x3FA7] =	sst s3  }
0xc: {  	[smem:$0x3FA8] =	sst s4  }
0xd: {  	[smem:$0x3FA9] =	sst s5  }
0xe: {  	[smem:$0x3FAA] =	sst s6  }
0xf: {  	[smem:$0x3FAB] =	sst s7  }
0x10: {  	[smem:$0x3FAC] =	sst s8  }
0x11: {  	[smem:$0x3FAD] =	sst s9;
	s0 =	simm.s32 @!p0 $0x0  }
0x12: {  	s1 =	sld [smem:$0x3F93];
	s0 =	simm.s32 @p0 $0x1  }
0x13: {  	[smem:$0x3FAE] =	sst s0;
	s0 =	simm.s32 @!p1 $0x0  }
0x14: {  	s2 =	sld [smem:$0x3F92];
	s0 =	simm.s32 @p1 $0x1  }
0x15: {  	[smem:$0x3FAF] =	sst s0;
	s0 =	simm.s32 @!p2 $0x0  }
0x16: {  	s3 =	sld [smem:$0x3FDB];
	s0 =	simm.s32 @p2 $0x1  }
0x17: {  	s4 =	simm.s32 $0x1BF5;
	[smem:$0x3FB1] =	sst s0  }
0x18: {  	s0 =	sld [smem:$0x3F94];
	_ =	swait.ge [sflag:s4], $0x0  }
0x19: {  	s7 =	sld [smem:$0x3F95]  }
0x1a: {  	s8 =	sadd.s32 $0xFFFFE003, lr  }
0x1b: {  	s9 =	sadd.s32 $0xFFFFFEF7, lr;
	s5 =	simm.s32 $0xFFFFFFFF;
	p2 =	slt.u32 s8, $0xFFFFF086  }
0x1c: {  	p1 =	slt.u32 s9, $0xF7A;
	s5 =	simm.s32 @!p2 $0x0  }
0x1d: {  	s5 =	simm.s32 @p1 $0x1;
	p0 =	seq.s32 s7, s2  }
0x1e: {  	s7 =	smul.u32 @!p0 $0xF7A, s2;
	p2 =	seq.s32 @!p0 s5, $0x0  }
0x1f: {  	s9 =	smul.u32 $0xF7A, s1;
	s8 =	simm.s32 @!p0 $0x1BF5;
	p2 =	por !p2, p0  }
0x20: {  	[sflag:s8] =	ssyncset.s32 @!p0 $0xFFFFF086;
	s6 =	sadd.s32 @!p0 s3, s7;
	s7 =	simm.s32 @!p0 $0x108  }
0x21: {  	s3 =	sadd.s32 s3, s9;
	s6 =	sadd.s32 @!p0 $0x88, s6;
	s7 =	simm.s32 @p2 $0x1082  }
0x22: {  	[simem:s7], [sflag:s8] =	dma.local @!p0 [hbm:s6], $0xF7A  }
0x23: {  	s9 =	sor.u32 $0xD0000000, s2;
	s6 =	simm.s32 $0x108;
	_ =	swait.ge @!p0 [sflag:s8], $0x0  }
0x24: {  	s3 =	sadd.s32 $0x88, s3;
	s6 =	simm.s32 @!p1 $0x1082;
	[sflag:s4] =	ssyncset.s32 $0xFFFFF086  }
0x25: {  	[simem:s6], [sflag:s4] =	dma.local [hbm:s3], $0xF7A  }
0x26: {  	[smem:$0x3F95] =	sst s1;
	(tag) =	ssettag s2;
	_ =	strace s9  }
0x27: {  	s1 =	sld [smem:$0x3FA5]  }
0x28: {  	s2 =	sld [smem:$0x3FA6]  }
0x29: {  	s4 =	sld [smem:$0x3FA8]  }
0x2a: {  	p0 =	seq.s32 s5, $0x0;
	s5 =	sld [smem:$0x3FA9]  }
0x2b: {  	s6 =	sld [smem:$0x3FAA]  }
0x2c: {  	s7 =	sld [smem:$0x3FAB]  }
0x2d: {  	s3 =	simm.s32 $0x108;
	s8 =	sld [smem:$0x3FAC]  }
0x2e: {  	s3 =	simm.s32 @!p0 $0x1082;
	s9 =	sld [smem:$0x3FAD]  }
0x2f: {  	lr =	sadd.s32 s0, s3;
	s0 =	sld [smem:$0x3FA4]  }
0x30: {  	s3 =	sld [smem:$0x3FA7]  }
0x31: {  	[smem:$0x3FB0] =	sst s10  }
0x32: {  	s10 =	sld [smem:$0x3FAE];
	_ =	sdelay $0x3  }
0x33: {  	p0 =	seq.s32 s10, $0x1;
	s10 =	sld [smem:$0x3FB0];
	_ =	sdelay $0x3  }
0x34: {  	[smem:$0x3FB0] =	sst s10  }
0x35: {  	s10 =	sld [smem:$0x3FAF];
	_ =	sdelay $0x3  }
0x36: {  	p1 =	seq.s32 s10, $0x1;
	s10 =	sld [smem:$0x3FB0];
	_ =	sdelay $0x3  }
0x37: {  	[smem:$0x3FB0] =	sst s10  }
0x38: {  	s10 =	sld [smem:$0x3FB1]  }
0x39: {  	_ = 	snop;
	(pc) =	sbr.ind lr, $3  }
0x3a: {  	_ = 	snop  }
0x3b: {  	_ = 	snop  }
0x3c: {  	p2 =	seq.s32 s10, $0x1;
	s10 =	sld [smem:$0x3FB0]  }
0x3d: {  	_ =	shalt  }
0x3e: {  	_ =	shalt  }
0x3f: {  	_ =	shalt  }
0x40: {  	_ =	shalt  }
0x41: {  	_ =	shalt  }
0x42: {  	_ =	shalt  }
0x43: {  	_ =	shalt  }
0x44: {  	_ =	shalt  }
0x45: {  	_ =	shalt  }
0x46: {  	_ =	shalt  }
0x47: {  	_ =	shalt  }
0x48: {  	_ =	shalt  }
0x49: {  	_ =	shalt  }
0x4a: {  	_ =	shalt  }
0x4b: {  	_ =	shalt  }
0x4c: {  	_ =	shalt  }
0x4d: {  	_ =	shalt  }
0x4e: {  	_ =	shalt  }
0x4f: {  	_ =	shalt  }
0x50: {  	_ =	shalt  }
0x51: {  	_ =	shalt  }
0x52: {  	_ =	shalt  }
0x53: {  	_ =	shalt  }
0x54: {  	_ =	shalt  }
0x55: {  	_ =	shalt  }
0x56: {  	_ =	shalt  }
0x57: {  	_ =	shalt  }
0x58: {  	_ =	shalt  }
0x59: {  	_ =	shalt  }
0x5a: {  	_ =	shalt  }
0x5b: {  	_ =	shalt  }
0x5c: {  	_ =	shalt  }
0x5d: {  	_ =	shalt  }
0x5e: {  	_ =	shalt  }
0x5f: {  	_ =	shalt  }
0x60: {  	_ =	shalt  }
0x61: {  	_ =	shalt  }
0x62: {  	_ =	shalt  }
0x63: {  	_ =	shalt  }
0x64: {  	_ =	shalt  }
0x65: {  	_ =	shalt  }
0x66: {  	_ =	shalt  }
0x67: {  	_ =	shalt  }
0x68: {  	_ =	shalt  }
0x69: {  	_ =	shalt  }
0x6a: {  	_ =	shalt  }
0x6b: {  	_ =	shalt  }
0x6c: {  	_ =	shalt  }
0x6d: {  	_ =	shalt  }
0x6e: {  	_ =	shalt  }
0x6f: {  	_ =	shalt  }
0x70: {  	_ =	shalt  }
0x71: {  	_ =	shalt  }
0x72: {  	_ =	shalt  }
0x73: {  	_ =	shalt  }
0x74: {  	_ =	shalt  }
0x75: {  	_ =	shalt  }
0x76: {  	_ =	shalt  }
0x77: {  	_ =	shalt  }
0x78: {  	_ =	shalt  }
0x79: {  	_ =	shalt  }
0x7a: {  	_ =	shalt  }
0x7b: {  	_ =	shalt  }
0x7c: {  	_ =	shalt  }
0x7d: {  	_ =	shalt  }
0x7e: {  	_ =	shalt  }
0x7f: {  	_ =	shalt  }
0x80: {  	_ =	shalt  }
0x81: {  	_ =	shalt  }
0x82: {  	_ =	shalt  }
0x83: {  	_ =	shalt  }
0x84: {  	_ =	shalt  }
0x85: {  	_ =	shalt  }
0x86: {  	_ =	shalt  }
0x87: {  	_ =	shalt  }
.Lfunc_end0:
.L_simem_size_0:
called_computation_lowered:
.L_overlay_start_0:
0x88: {  	s2 =	sld [smem:$0x3FD9]  }
0x89: {  	s3 =	sld [smem:$0x3FFE];
	_ =	sdelay $0x1  }
0x8a: {  	s1 =	srdreg.scid  }
0x8b: {  	s0 =	sand.u32 $0x1, s1  }
0x8c: {  	s17 =	sshll.u32 s0, $0xA;
	s2 =	sadd.s32 s3, s2  }
0x8d: {  	s2 =	sadd.s32 s2, s17  }
0x8e: {  	[smem:$0x3FBC] =	sst s2  }
0x8f: {  	_ = 	snop  }
0x90: {  	(tm) =	ssettm $0x1  }
0x91: {  	s18 =	sld [smem:$0x3FFB];
	_ =	sdelay $0x3  }
0x92: {  	_ =	strace s18  }
0x93: {  	s2 =	sld [smem:$0x3FFC];
	_ =	sdelay $0x3  }
0x94: {  	_ =	strace s2  }
0x95: {  	s2 =	sld [smem:$0x3FFD];
	_ =	sdelay $0x3  }
0x96: {  	_ =	strace s2  }
0x97: {  	_ =	strace $0x8FFFFFFF  }
0x98: {  	s19 =	sld [smem:$0x3FDB];
	_ =	sdelay $0x1  }
0x99: {  	s20 =	simm.s32 $_scs_section_size  }
0x9a: {  	s4 =	simm.s32 $_size__tile_overlayer_lowered;
	s5 =	simm.s32 $_tile_overlayer_lowered  }
0x9b: {  	s6 =	simm.s32 $0x1BFF;
	s21 =	sshll.u32 s5, $0x1;
	s3 =	sadd.s32 s20, s19  }
0x9c: {  	s22 =	simm.s32 $0x0;
	s4 =	sshll.u32 s4, $0x1;
	s5 =	sadd.s32 s21, s3  }
0x9d: {  	[timem:s22], [sflag:s6] =	dma.local [hbm:s5], s4  }
0x9e: {  	_ =	swait.ge [sflag:s6], s4  }
0x9f: {  	s4 =	ssub.s32 $0x0, s4;
	[sflag:s6] =	ssyncset.done $0x0  }
0xa0: {  	[sflag:s6] =	ssyncadd.s32 s4;
	_ =	sdelay $0x1  }
0xa1: {  	s23 =	simm.s32 $0x1B8B  }
0xa2: {  	_ =	swait.ge [sflag:s23], $0x1  }
0xa3: {  	[sflag:s23] =	ssyncset.done $0x0  }
0xa4: {  	[sflag:s23] =	ssyncadd.s32 $0xFFFFFFFF  }
0xa5: {  	s4 =	sld [smem:$0x0]  }
0xa6: {  	s5 =	sand.u32 $0xFFFFFFFE, s1  }
0xa7: {  	p0 =	sne.s32 s1, s5  }
0xa8: {  	s5 =	sshll.u32 @p0 s5, $0xE  }
0xa9: {  	s5 =	sadd.s32 @p0 $0x11B8D, s5;
	s6 =	sshll.u32 @p0 s4, $0x11  }
0xaa: {  	s5 =	sor.u32 @p0 s6, s5  }
0xab: {  	[sflag:s5] =	ssyncadd.remote.s32 @p0 $0x1;
	_ =	sdelay $0x1  }
0xac: {  	s5 =	simm.s32 @p0 $0x1B8D  }
0xad: {  	_ =	swait.eq @p0 [sflag:s5], $0x1  }
0xae: {  	[sflag:s5] =	ssyncadd.s32 @p0 $0xFFFFFFFF  }
0xaf: {  	s6 =	sshll.u32 @!p0 s1, $0xE  }
0xb0: {  	s6 =	sor.u32 @!p0 $0x4000, s6;
	s5 =	simm.s32 @!p0 $0x1B8D  }
0xb1: {  	s4 =	sshll.u32 @!p0 s4, $0x11;
	s6 =	sadd.s32 @!p0 $0x11B8D, s6;
	_ =	swait.eq @!p0 [sflag:s5], $0x1  }
0xb2: {  	s4 =	sor.u32 @!p0 s4, s6;
	[sflag:s5] =	ssyncadd.s32 @!p0 $0xFFFFFFFF  }
0xb3: {  	s25 =	simm.s32 $0x1B8E;
	s24 =	sld [smem:$0x3FFE];
	[sflag:s4] =	ssyncadd.remote.s32 @!p0 $0x1  }
0xb4: {  	s26 =	simm.s32 $execute0_lowered;
	[smem:$0x3FD2] =	sst s25  }
0xb5: {  	s5 =	sshll.u32 s26, $0x1;
	_ =	strace $0x80000049;
	[dreg:$0x1] =	wrdreg $0xFFFFFFFF  }
0xb6: {  	s28 =	simm.s32 $_size_execute0_lowered;
	s3 =	sadd.s32 s3, s5;
	[dreg:$0x0] =	wrdreg $0x0  }
0xb7: {  	s5 =	sshll.u32 s28, $0x1;
	[dreg:$0x2] =	wrdreg s3  }
0xb8: {  	[dreg:$0x3] =	wrdreg s5  }
0xb9: {  	[dreg:$0x4] =	wrdreg $0xC0  }
0xba: {  	_ =	task [dreg:s22], $0x5FFFF  }
0xbb: {  	[dreg:$0x1] =	wrdreg $0xFFFFFFFF  }
0xbc: {  	[dreg:$0x0] =	wrdreg $0x60  }
0xbd: {  	[dreg:$0x2] =	wrdreg s24  }
0xbe: {  	[dreg:$0x3] =	wrdreg $0x0  }
0xbf: {  	[dreg:$0x4] =	wrdreg $0x9  }
0xc0: {  	_ =	task.clear_ibuf [dreg:s22], $0x5FFFF;
	_ =	strace $0x90000049  }
0xc1: {  	s29 =	simm.s32 $0x9;
	_ =	strace $0x8000004B  }
0xc2: {  	_ =	swait.ge [sflag:s29], $0x1  }
0xc3: {  	[sflag:s29] =	ssyncadd.s32 $0xFFFFFFFF  }
0xc4: {  	_ =	strace $0x9000004B  }
0xc5: {  	_ =	sfence  }
0xc6: {  	s30 =	sld [smem:$0x0];
	_ =	sdelay $0x2  }
0xc7: {  	s31 =	sshll.u32 s1, $0xD;
	s1 =	sshrl.u32 s1, $0x2  }
0xc8: {  	s4 =	sand.u32 $0x4000, s31;
	s1 =	sadd.s32 s1, s30  }
0xc9: {  	s0 =	sor.u32 s4, s0;
	s1 =	sshll.u32 s1, $0x11  }
0xca: {  	s0 =	sor.u32 s1, s0  }
0xcb: {  	s0 =	sadd.s32 $0x8F2B, s0  }
0xcc: {  	[sflag:s0] =	ssyncadd.remote.s32 $0x1  }
0xcd: {  	_ =	sfence.sel $0xFFFF  }
0xce: {  	[dreg:$0x0] =	wrdreg $0xFFFFFFFF;
	(pc) =	sbr.abs _section_cstart, $3  }
0xcf: {  	[dreg:$0x1] =	wrdreg $0xFFFFFFFF  }
0xd0: {  	_ =	task.clear_ibuf [dreg:s22], $0x2FFFF;
	_ =	strace $0x9FFFFFFF  }
0xd1: {  	(tm) =	ssettm $0x7FFFFFFF  }
tec
execute0_lowered:
.L_overlay_start_1:
0x0: {  	(tag) =	ssettag $0x1  }
0x1: {  	s4 =	rddreg [dreg:$0x0]  }
0x2: {  	s1 =	rddreg [dreg:$0x1]  }
0x3: {  	s0 =	rddreg [dreg:$0x2];
	s2 =	simm.s32 $0x0;
	s3 =	stileid.u32  }
0x4: {  	s6 =	srdreg.scid;
	s13 =	simm.s32 $0x28;
	s14 =	simm.s32 $0x17880  }
0x5: {  	s15 =	simm.s32 $0x1;
	s16 =	simm.s32 $0x2;
	s17 =	simm.s32 $0x17680  }
0x6: {  	[smem:$0x7FF] =	sst s2;
	s5 =	sshll.u32 s3, $0xB;
	s7 =	smul.u32 $0x270, s3  }
0x7: {  	s8 =	sadd.s32 $0x104800, s4;
	s29 =	sand.u32 $0x1, s6;
	s30 =	smul.u32 $0x4E000, s3  }
0x8: {  	p0 =	sne.s32 s3, $0x0;
	_ =	strace $0x8000004A;
	s5 =	sadd.s32 s5, s4  }
0x9: {  	s9 =	ssub.s32 $0x2, s29;
	s10 =	sshll.u32 s29, $0xF;
	s11 =	smul.u32 $0x2710, s29  }
0xa: {  	s31 =	smul.u32 $0x138800, s29;
	s4 =	sadd.s32 $0x138000, s1;
	s12 =	sshrl.u32 s9, $0x1  }
0xb: {  	s5 =	sadd.s32 s10, s5;
	s6 =	sshrl.u32 s30, $0x2;
	s9 =	ssub.s32 s9, s12  }
0xc: {  	s5 =	sadd.s32 $0xF4800, s5;
	s7 =	sadd.s32 s7, s11;
	s10 =	sshrl.u32 s31, $0x3  }
0xd: {  	s6 =	sadd.s32 s6, s1;
	s11 =	simm.s32 $0x3;
	s12 =	simm.s32 $0x13880  }
0xe: {  	s7 =	sshll.u32 s7, $0x4;
	s10 =	sadd.s32 s8, s10;
	s9 =	smax.u32 s9, $0x1  }
0xf: {  	v0 =	vimm.f32 $0.0e+00;
	v1 =	vimm.f32 $1.000000000e+00;
	s7 =	sadd.s32 s8, s7;
	s8 =	sadd.s32 $0x27000, s10;
	s10 =	simm.s32 $0x18C80  }
.LBB2_1:
0x10: {  	s18 =	simm.s32 $0x0;
	s19 =	simm.s32 $0x200  }
.LBB2_2:
0x11: {  	p1 =	sne.s32 s19, $0x2E00;
	[tilespmem:s18+$0x18CF0] =	vst v0  }
0x12: {  	[tilespmem:s18+$0x18C80] =	vst v0  }
0x13: {  	[tilespmem:s18+$0x18C90] =	vst v0  }
.Ltmp0:
0x14: {  	[tilespmem:s18+$0x18CA0] =	vst v0;
	(pc) =	sbr.rel @p1 .LBB2_2-.Ltmp0, $4  }
0x15: {  	[tilespmem:s18+$0x18CB0] =	vst v0  }
0x16: {  	[tilespmem:s18+$0x18CC0] =	vst v0  }
0x17: {  	[tilespmem:s18+$0x18CD0] =	vst v0  }
0x18: {  	[tilespmem:s18+$0x18CE0] =	vst v0;
	s18 =	sshra.s32 s19, $0x2;
	s19 =	sadd.s32 $0x200, s19  }
0x19: {  	[tilespmem:s18+$0x18CF0] =	vst v0  }
0x1a: {  	[tilespmem:s18+$0x18C80] =	vst v0  }
0x1b: {  	[tilespmem:s18+$0x18C90] =	vst v0  }
0x1c: {  	[tilespmem:s18+$0x18CA0] =	vst v0  }
0x1d: {  	[tilespmem:s18+$0x18CB0] =	vst v0  }
0x1e: {  	[tilespmem:s18+$0x18CC0] =	vst v0  }
0x1f: {  	[tilespmem:s18+$0x18CD0] =	vst v0  }
0x20: {  	[tilespmem:s18+$0x18CE0] =	vst v0;
	s18 =	simm.s32 $0x0;
	s19 =	simm.s32 $0x200  }
.LBB2_4:
0x21: {  	p1 =	sne.s32 s19, $0x4E00;
	[tilespmem:s18+$0x178F0] =	vst v1  }
0x22: {  	[tilespmem:s18+$0x17880] =	vst v1  }
0x23: {  	[tilespmem:s18+$0x17890] =	vst v1  }
.Ltmp1:
0x24: {  	[tilespmem:s18+$0x178A0] =	vst v1;
	(pc) =	sbr.rel @p1 .LBB2_4-.Ltmp1, $4  }
0x25: {  	[tilespmem:s18+$0x178B0] =	vst v1  }
0x26: {  	[tilespmem:s18+$0x178C0] =	vst v1  }
0x27: {  	[tilespmem:s18+$0x178D0] =	vst v1  }
0x28: {  	[tilespmem:s18+$0x178E0] =	vst v1;
	s18 =	sshra.s32 s19, $0x2;
	s19 =	sadd.s32 $0x200, s19  }
0x29: {  	[tilespmem:s18+$0x178F0] =	vst v1  }
0x2a: {  	[tilespmem:s18+$0x17880] =	vst v1  }
0x2b: {  	[tilespmem:s18+$0x17890] =	vst v1  }
0x2c: {  	[tilespmem:s18+$0x178A0] =	vst v1  }
0x2d: {  	[tilespmem:s18+$0x178B0] =	vst v1  }
0x2e: {  	[tilespmem:s18+$0x178C0] =	vst v1  }
0x2f: {  	[tilespmem:s18+$0x178D0] =	vst v1  }
0x30: {  	[tilespmem:s18+$0x178E0] =	vst v1;
	s31 =	sadd.s32 $0x0, s6  }
0x31: {  	[spmem:s31] =	stream.linear.scatter [tilespmem:s10], [sflag:$0x3], $0xC00, $0x38;
	[tilespmem:$0x19880] =	vst v63  }
0x32: {  	s18 =	simm.s32 $0x3000;
	_ =	swait.ge [sflag:s11], $0xC00  }
.LBB2_6:
0x33: {  	s19 =	sshra.s32 s18, $0x2;
	[sflag:s11] =	ssyncset.done $0x0;
	p1 =	sne.s32 s18, $0x4B000  }
.Ltmp2:
0x34: {  	s19 =	sadd.s32 s19, s6;
	[sflag:s11] =	ssyncadd.s32 $0xFFFFF400;
	(pc) =	sbr.rel @p1 .LBB2_6-.Ltmp2, $3  }
0x35: {  	[spmem:s19] =	stream.linear.scatter [tilespmem:s10], [sflag:$0x3], $0xC00, $0x38;
	[tilespmem:$0x19880] =	vst v63  }
0x36: {  	s18 =	sadd.s32 $0x3000, s18;
	_ =	sdelay $0x1  }
0x37: {  	_ =	swait.ge [sflag:s11], $0xC00  }
0x38: {  	[sflag:s11] =	ssyncset.done $0x0  }
0x39: {  	s18 =	simm.s32 @!p0 $0x18C80;
	[sflag:s11] =	ssyncadd.s32 $0xFFFFF400  }
0x3a: {  	[spmem:s4] =	stream.linear.scatter @!p0 [tilespmem:s18], [sflag:$0x3], $0x800, $0x38;
	[tilespmem:$0x19880] =	vst v63  }
0x3b: {  	s18 =	simm.s32 @!p0 $0x3  }
0x3c: {  	_ =	swait.ge @!p0 [sflag:s18], $0x800  }
0x3d: {  	[sflag:s18] =	ssyncset.done @!p0 $0x0  }
0x3e: {  	[sflag:s18] =	ssyncadd.s32 @!p0 $0xFFFFF800  }
0x3f: {  	s29 =	simm.s32 $0x0;
	[bflag:$0x0] =	sbarrier.arrive $0xFFFF  }
0x40: {  	[tilespmem:s12], [sflag:$0x3] =	stream.linear.gather [hbm4b:s5+s29], $0x3E80, $0x38;
	[tilespmem:$0x19880] =	vst v63  }
0x41: {  	_ =	swait.ge [sflag:s11], $0x3E80  }
0x42: {  	[sflag:s11] =	ssyncset.done $0x0  }
0x43: {  	s30 =	simm.s32 $0x13880;
	[sflag:s11] =	ssyncadd.s32 $0xFFFFC180  }
0x44: {  	[spmem:s1] =	stream.indirect.scatter.add.f32 [tilespmem:s14], [sflag:$0x1], $0x80, s30, s13, $0xb8;
	[tilespmem:$0x19880] =	vst v63  }
0x45: {  	s31 =	simm.s32 $0x13900  }
0x46: {  	[spmem:s1] =	stream.indirect.scatter.add.f32 [tilespmem:s14], [sflag:$0x2], $0x80, s31, s13, $0xb8;
	[tilespmem:$0x19880] =	vst v63  }
0x47: {  	_ =	swait.ge [sflag:s15], $0x1400  }
0x48: {  	[sflag:s15] =	ssyncset.done $0x0  }
0x49: {  	[sflag:s15] =	ssyncadd.s32 $0xFFFFEC00  }
0x4a: {  	_ =	swait.ge [sflag:s16], $0x1400  }
0x4b: {  	s19 =	simm.s32 $0x800;
	s18 =	simm.s32 $0x100;
	[sflag:s16] =	ssyncset.done $0x0  }
.LBB2_8:
0x4c: {  	s20 =	sadd.s32 $0x13880, s18  }
0x4d: {  	[sflag:s16] =	ssyncadd.s32 $0xFFFFEC00;
	s21 =	smov.u32 s19;
	s22 =	sadd.s32 $0x400, s19  }
0x4e: {  	[spmem:s1] =	stream.indirect.scatter.add.f32 [tilespmem:s14], [sflag:$0x1], $0x80, s20, s13, $0xb8;
	[tilespmem:$0x19880] =	vst v63  }
0x4f: {  	p1 =	sne.s32 s19, $0xF400;
	s18 =	sadd.s32 $0x13900, s18  }
0x50: {  	[spmem:s1] =	stream.indirect.scatter.add.f32 [tilespmem:s14], [sflag:$0x2], $0x80, s18, s13, $0xb8;
	[tilespmem:$0x19880] =	vst v63  }
.Ltmp3:
0x51: {  	_ =	swait.ge [sflag:s15], $0x1400;
	(pc) =	sbr.rel @p1 .LBB2_8-.Ltmp3, $4  }
0x52: {  	[sflag:s15] =	ssyncset.done $0x0  }
0x53: {  	[sflag:s15] =	ssyncadd.s32 $0xFFFFEC00  }
0x54: {  	_ =	swait.ge [sflag:s16], $0x1400  }
0x55: {  	s19 =	smov.u32 s22;
	s18 =	sshra.s32 s21, $0x2;
	[sflag:s16] =	ssyncset.done $0x0  }
0x56: {  	s19 =	sadd.s32 $0x13880, s18;
	[sflag:s16] =	ssyncadd.s32 $0xFFFFEC00  }
0x57: {  	[spmem:s1] =	stream.indirect.scatter.add.f32 [tilespmem:s14], [sflag:$0x1], $0x80, s19, s13, $0xb8;
	[tilespmem:$0x19880] =	vst v63  }
0x58: {  	s29 =	sadd.s32 $0x13900, s18  }
0x59: {  	[spmem:s1] =	stream.indirect.scatter.add.f32 [tilespmem:s14], [sflag:$0x2], $0x80, s29, s13, $0xb8;
	[tilespmem:$0x19880] =	vst v63  }
0x5a: {  	_ =	swait.ge [sflag:s15], $0x1400  }
0x5b: {  	[sflag:s15] =	ssyncset.done $0x0  }
0x5c: {  	[sflag:s15] =	ssyncadd.s32 $0xFFFFEC00  }
0x5d: {  	_ =	swait.ge [sflag:s16], $0x1400  }
0x5e: {  	[sflag:s16] =	ssyncset.done $0x0  }
0x5f: {  	[sflag:s16] =	ssyncadd.s32 $0xFFFFEC00  }
0x60: {  	[spmem:s1] =	stream.indirect.scatter.add.f32 [tilespmem:s14], [sflag:$0x3], $0x80, s17, s13, $0xb8;
	[tilespmem:$0x19880] =	vst v63  }
0x61: {  	_ =	swait.ge [sflag:s11], $0x1400  }
0x62: {  	[sflag:s11] =	ssyncset.done $0x0  }
0x63: {  	s30 =	sshll.u32 s3, $0x6;
	[sflag:s11] =	ssyncadd.s32 $0xFFFFEC00  }
0x64: {  	s31 =	sshrl.u32 s6, $0x3;
	s18 =	sor.u32 $0x1C03, s30;
	[bflag:$0x0] =	sbarrier.arrive $0xFFFF  }
0x65: {  	[hbm:s7], [sflag:s18] =	dma.local [spmem:s31], $0x2700  }
0x66: {  	_ =	swait.ge [sflag:s11], $0x2700  }
0x67: {  	s2 =	sadd.s32 $0x1, s2;
	[sflag:s11] =	ssyncset.done $0x0  }
0x68: {  	s19 =	sshrl.u32 @!p0 s4, $0x3;
	p1 =	sne.s32 s2, s9;
	[sflag:s11] =	ssyncadd.s32 $0xFFFFD900  }
0x69: {  	[hbm:s8], [sflag:s18] =	dma.local @!p0 [spmem:s19], $0x100  }
.Ltmp4:
0x6a: {  	_ = 	snop;
	(pc) =	sbr.rel @p1 .LBB2_1-.Ltmp4, $4  }
0x6b: {  	s18 =	simm.s32 @!p0 $0x3  }
0x6c: {  	_ =	swait.ge @!p0 [sflag:s18], $0x100  }
0x6d: {  	[sflag:s18] =	ssyncset.done @!p0 $0x0  }
0x6e: {  	[sflag:s18] =	ssyncadd.s32 @!p0 $0xFFFFFF00  }
0x6f: {  	_ =	sfence.sel $0x180000  }
0x70: {  	[bflag:$0x0] =	sbarrier.arrive $0xFFFF  }
0x71: {  	_ =	strace $0x9000004A  }
0x72: {  	s0 =	sadd.s32 @!p0 $0x100000, s0;
	[bflag:$0x2] =	sbarrier.arrive $0xFFFF  }
0x73: {  	[sflag:s0] =	ssyncadd.tile.s32 @!p0 $0x1;
	_ =	shalt  }
.Lfunc_end2:
_tile_overlayer_lowered:
.L_overlay_start_2:
0x74: {  	(tag) =	ssettag $0x2  }
0x75: {  	s0 =	rddreg [dreg:$0x0];
	s2 =	stileid.u32  }
0x76: {  	s1 =	rddreg [dreg:$0x1];
	p0 =	sne.s32 s2, $0x0  }
0x77: {  	s3 =	rddreg [dreg:$0x2];
	[bflag:$0x3] =	sbarrier.arrive $0xFFFF;
	s2 =	simm.s32 @!p0 $0x1C03  }
0x78: {  	[timem:s3], [sflag:s2] =	dma.local @!p0 [hbm:s0], s1  }
0x79: {  	s0 =	simm.s32 @!p0 $0x3  }
0x7a: {  	_ =	swait.ge @!p0 [sflag:s0], s1  }
0x7b: {  	s1 =	ssub.s32 @!p0 $0x0, s1;
	[sflag:s0] =	ssyncset.done @!p0 $0x0  }
0x7c: {  	[sflag:s0] =	ssyncadd.s32 @!p0 s1  }
0x7d: {  	[bflag:$0x3] =	sbarrier.arrive $0xFFFF  }
0x7e: {  	_ =	shalt  }

</sc_bundles>
